<compile_context>
chip_gen: v7x
topology: tpu7x:2x2x1
jax: 0.10.2.dev20260603
libtpu: 0.0.44.dev20260713+nightly
codegen_flags: <defaults>
</compile_context>

<pallas_src>
import functools

import jax
import jax.numpy as jnp
from jax import lax
from jax.experimental import pallas as pl
from jax.experimental.pallas import tpu as pltpu
from jax.experimental.pallas import tpu_sc as plsc

_N = 10000
_D = 128
_E = 320000

_NC = 2
_NS = 16
_NW = _NC * _NS
_CHUNK = 112
_NBUF = 3
_K = 90
_G = _K // (2 * _NBUF)
_E_PAD = _NW * _K * _CHUNK
_N_PAD = 10112
_RPT = _N_PAD // _NS

_mesh = plsc.VectorSubcoreMesh(core_axis_name="c", subcore_axis_name="s")


@functools.partial(
    pl.kernel,
    mesh=_mesh,
    out_type=jax.ShapeDtypeStruct((_NC, _N_PAD, _D), jnp.float32),
    scratch_types=[
        pltpu.VMEM((2, _NBUF, 2, _CHUNK), jnp.int32),
        pltpu.VMEM((_NBUF, _CHUNK, _D), jnp.float32),
        pltpu.VMEM_SHARED((_N_PAD, _D), jnp.float32),
    ] + [pltpu.SemaphoreType.DMA] * (2 + 2 * _NBUF),
)
def _sc_aggregate(h_hbm, idx_hbm, zeros_hbm, out_hbm,
                  idx_v, rows_v, agg_sh, *sems):
    isem = sems[:2]
    gsem = sems[2:2 + _NBUF]
    ssem = sems[2 + _NBUF:]
    c = lax.axis_index("c")
    s = lax.axis_index("s")
    wid = s * _NC + c
    row0 = s * _RPT

    pltpu.sync_copy(zeros_hbm.at[pl.ds(row0, _RPT)], agg_sh.at[pl.ds(row0, _RPT)])
    plsc.subcore_barrier()

    def idx_load(slot, group, sem):
        pltpu.async_copy(idx_hbm.at[wid, pl.ds(group * _NBUF, _NBUF)],
                         idx_v.at[slot], sem)

    def idx_wait(slot, sem):
        pltpu.make_async_copy(idx_hbm.at[wid, pl.ds(0, _NBUF)],
                              idx_v.at[slot], sem).wait()

    def gather(slot, b):
        pltpu.async_copy(h_hbm.at[idx_v.at[slot, b, 0]], rows_v.at[b],
                         gsem[b])

    def gather_wait(slot, b):
        pltpu.make_async_copy(h_hbm.at[idx_v.at[slot, b, 0]], rows_v.at[b],
                              gsem[b]).wait()

    def scatter(slot, b):
        pltpu.async_copy(rows_v.at[b], agg_sh.at[idx_v.at[slot, b, 1]],
                         ssem[b], add=True)

    def scatter_wait(slot, b):
        pltpu.make_async_copy(rows_v.at[b], agg_sh.at[idx_v.at[slot, b, 1]],
                              ssem[b]).wait()

    idx_load(0, 0, isem[0])
    idx_load(1, 1, isem[1])
    idx_wait(0, isem[0])
    for b in range(_NBUF):
        gather(0, b)

    def body(u, carry):
        for b in range(_NBUF):
            gather_wait(0, b)
            scatter(0, b)
        idx_wait(1, isem[1])
        for b in range(_NBUF):
            scatter_wait(0, b)
            gather(1, b)

        @pl.when(u < _G - 1)
        def _():
            idx_load(0, 2 * u + 2, isem[0])
        for b in range(_NBUF):
            gather_wait(1, b)
            scatter(1, b)

        @pl.when(u < _G - 1)
        def _():
            idx_wait(0, isem[0])
            for b in range(_NBUF):
                scatter_wait(1, b)
                gather(0, b)
            idx_load(1, 2 * u + 3, isem[1])

        @pl.when(u == _G - 1)
        def _():
            for b in range(_NBUF):
                scatter_wait(1, b)
        return carry

    lax.fori_loop(0, _G, body, 0)
    plsc.subcore_barrier()

    pltpu.sync_copy(agg_sh.at[pl.ds(row0, _RPT)],
                    out_hbm.at[c, pl.ds(row0, _RPT)])


def _gin_mlp_kernel(x_ref, a0_ref, a1_ref, w1_ref, b1_ref, w2_ref, b2_ref,
                    o_ref):
    z = x_ref[...] + a0_ref[0] + a1_ref[0]
    z = jnp.dot(z, w1_ref[...], preferred_element_type=jnp.float32) + b1_ref[...]
    z = jnp.maximum(z, 0.0)
    z = jnp.dot(z, w2_ref[...], preferred_element_type=jnp.float32) + b2_ref[...]
    o_ref[...] = jnp.maximum(z, 0.0)


def _gin_mlp_final_kernel(x_ref, a0_ref, a1_ref, w1_ref, b1_ref, w2_ref,
                          b2_ref, wm1_ref, bm1_ref, wm2_ref, bm2_ref, o_ref):
    z = x_ref[...] + a0_ref[0] + a1_ref[0]
    z = jnp.dot(z, w1_ref[...], preferred_element_type=jnp.float32) + b1_ref[...]
    z = jnp.maximum(z, 0.0)
    z = jnp.dot(z, w2_ref[...], preferred_element_type=jnp.float32) + b2_ref[...]
    z = jnp.maximum(z, 0.0)
    m = jnp.dot(z, wm1_ref[...], preferred_element_type=jnp.float32) + bm1_ref[...]
    m = jnp.maximum(m, 0.0)
    m = jnp.dot(m, wm2_ref[...], preferred_element_type=jnp.float32) + bm2_ref[...]
    o_ref[...] = m[:, 0]


_BR = 1000
_GRID = _N // _BR

_row_spec = pl.BlockSpec((_BR, _D), lambda i: (i, 0))
_agg0_spec = pl.BlockSpec((1, _BR, _D), lambda i: (0, i, 0))
_agg1_spec = pl.BlockSpec((1, _BR, _D), lambda i: (1, i, 0))


def _full(shape):
    return pl.BlockSpec(shape, lambda i, _s=shape: (0,) * len(_s))


def _gin_mlp(x, agg, w1, b1, w2, b2):
    return pl.pallas_call(
        _gin_mlp_kernel,
        grid=(_GRID,),
        in_specs=[_row_spec, _agg0_spec, _agg1_spec,
                  _full((_D, _D)), _full((1, _D)), _full((_D, _D)),
                  _full((1, _D))],
        out_specs=_row_spec,
        out_shape=jax.ShapeDtypeStruct((_N, _D), jnp.float32),
    )(x, agg, agg, w1, b1.reshape(1, _D), w2, b2.reshape(1, _D))


def _gin_mlp_final(x, agg, w1, b1, w2, b2, wm1, bm1, wm2, bm2):
    return pl.pallas_call(
        _gin_mlp_final_kernel,
        grid=(1,),
        in_specs=[_full((_N, _D)),
                  pl.BlockSpec((1, _N, _D), lambda i: (0, 0, 0)),
                  pl.BlockSpec((1, _N, _D), lambda i: (1, 0, 0)),
                  _full((_D, _D)), _full((1, _D)), _full((_D, _D)),
                  _full((1, _D)), _full((_D, 64)), _full((1, 64)),
                  _full((64, 1)), _full((1, 1))],
        out_specs=_full((_N,)),
        out_shape=jax.ShapeDtypeStruct((_N,), jnp.float32),
    )(x, agg, agg, w1, b1.reshape(1, _D), w2, b2.reshape(1, _D),
      wm1, bm1.reshape(1, 64), wm2, bm2.reshape(1, 1))


def kernel(x, edge_index, W1a, b1a, W2a, b2a, W1b, b1b, W2b, b2b,
           Wm1, bm1, Wm2, bm2):
    pad = _E_PAD - _E
    pad_src = jnp.arange(pad, dtype=jnp.int32) % _N
    trash = _N + (jnp.arange(pad, dtype=jnp.int32) % (_N_PAD - _N))
    pad_blk = jnp.stack([pad_src, trash])
    idx = jnp.concatenate([edge_index, pad_blk], axis=1)
    idx = idx.reshape(2, _NW, _K, _CHUNK).transpose(1, 2, 0, 3)
    zeros = jnp.zeros((_N_PAD, _D), jnp.float32)

    agg = _sc_aggregate(x, idx, zeros)
    h1 = _gin_mlp(x, agg, W1a, b1a, W2a, b2a)
    agg2 = _sc_aggregate(h1, idx, zeros)
    return _gin_mlp_final(h1, agg2, W1b, b1b, W2b, b2b, Wm1, bm1, Wm2, bm2)

# --- scband reference (transcript-rebuilt; emitter-appended) ---
"""Pipeline reference for scband-ginnet-64295660421276 (READ-ONLY COPY).

The authoritative reference and input builder live on the scoring server;
editing this copy changes nothing except your own understanding.
"""

import jax, jax.numpy as jnp
import numpy as np

N = 10000
E = 320000
D = 128
H = 128


def _init_linear(key, fan_in, fan_out):
    k1, k2 = jax.random.split(key)
    bound = 1.0 / np.sqrt(fan_in)
    W = jax.random.uniform(k1, (fan_in, fan_out), minval=-bound, maxval=bound, dtype=jnp.float32)
    b = jax.random.uniform(k2, (fan_out,), minval=-bound, maxval=bound, dtype=jnp.float32)
    return W, b


def setup_inputs(seed: int = 0):
    key = jax.random.key(seed)
    ks = jax.random.split(key, 8)
    x = jax.random.normal(ks[0], (N, D), dtype=jnp.float32)
    edge_index = jax.random.randint(ks[1], (2, E), 0, N, dtype=jnp.int32)
    W1a, b1a = _init_linear(ks[2], D, H)
    W2a, b2a = _init_linear(ks[3], H, H)
    W1b, b1b = _init_linear(ks[4], H, H)
    W2b, b2b = _init_linear(ks[5], H, H)
    Wm1, bm1 = _init_linear(ks[6], H, 64)
    Wm2, bm2 = _init_linear(ks[7], 64, 1)
    return {"x": x, "edge_index": edge_index,
            "W1a": W1a, "b1a": b1a, "W2a": W2a, "b2a": b2a,
            "W1b": W1b, "b1b": b1b, "W2b": W2b, "b2b": b2b,
            "Wm1": Wm1, "bm1": bm1, "Wm2": Wm2, "bm2": bm2}


def reference(x, edge_index, W1a, b1a, W2a, b2a, W1b, b1b, W2b, b2b, Wm1, bm1, Wm2, bm2):
    src = edge_index[0]
    dst = edge_index[1]

    def gin_conv(h, W1, b1, W2, b2):
        # message = x_j (gather by src), aggregate = sum at dst (scatter-add)
        agg = jax.ops.segment_sum(h[src], dst, num_segments=N)
        z = (1.0 + 0.0) * h + agg  # eps = 0 (GINConv default)
        z = jax.nn.relu(z @ W1 + b1)
        z = z @ W2 + b2
        return z

    h = jax.nn.relu(gin_conv(x, W1a, b1a, W2a, b2a))
    h = jax.nn.relu(gin_conv(h, W1b, b1b, W2b, b2b))
    # final MLP: Linear(H,64) -> ReLU -> Dropout(eval: identity) -> Linear(64,1)
    h = jax.nn.relu(h @ Wm1 + bm1)
    out = h @ Wm2 + bm2
    return out.squeeze(-1)

if __name__ == "__main__":
    import jax
    _d = setup_inputs()
    print(jax.jit(kernel)(*tuple(_d.values())))

</pallas_src>

<mosaic_0001>
#map = affine_map<(d0, d1) -> (0, 0)>
#map1 = affine_map<(d0, d1) -> (0, 0, 0, 0)>
#map2 = affine_map<(d0, d1) -> (0, 0, 0)>
module attributes {stable_mosaic.version = 14 : i64} {
  func.func @_sc_aggregate(%arg0: i32, %arg1: i32, %arg2: memref<10000x128xf32, #tpu.memory_space<hbm>>, %arg3: memref<32x90x2x112xi32, #tpu.memory_space<hbm>>, %arg4: memref<10112x128xf32, #tpu.memory_space<hbm>>, %arg5: memref<2x10112x128xf32, #tpu.memory_space<hbm>>, %arg6: memref<2x3x2x112xi32, #tpu.memory_space<vmem>>, %arg7: memref<3x112x128xf32, #tpu.memory_space<vmem>>, %arg8: memref<10112x128xf32, #tpu.memory_space<vmem_shared>>, %arg9: memref<!tpu.dma_semaphore, #tpu.memory_space<semaphore_mem>>, %arg10: memref<!tpu.dma_semaphore, #tpu.memory_space<semaphore_mem>>, %arg11: memref<!tpu.dma_semaphore, #tpu.memory_space<semaphore_mem>>, %arg12: memref<!tpu.dma_semaphore, #tpu.memory_space<semaphore_mem>>, %arg13: memref<!tpu.dma_semaphore, #tpu.memory_space<semaphore_mem>>, %arg14: memref<!tpu.dma_semaphore, #tpu.memory_space<semaphore_mem>>, %arg15: memref<!tpu.dma_semaphore, #tpu.memory_space<semaphore_mem>>, %arg16: memref<!tpu.dma_semaphore, #tpu.memory_space<semaphore_mem>>) attributes {dimension_semantics = [#tpu.dimension_semantics<core_parallel>, #tpu.dimension_semantics<subcore_parallel>], iteration_bounds = array<i64: 2, 16>, scalar_prefetch = 0 : i64, scratch_operands = 11 : i64, tpu.core_type = #tpu.core_type<sc_vector_subcore>, window_params = [{transform_indices = #map}, {transform_indices = #map1}, {transform_indices = #map}, {transform_indices = #map2}]} {
    %mul3A = arith.constant 2 : i32
    %mul3A_0 = arith.muli %arg1, %mul3A : i32
    %add3A = arith.addi %mul3A_0, %arg0 : i32
    %mul3A_1 = arith.constant 632 : i32
    %mul3A_2 = arith.muli %arg1, %mul3A_1 : i32
    "tpu.region"() ({
      %run_scoped3A = tpu.sem_alloc : memref<!tpu.dma_semaphore, #tpu.memory_space<semaphore_mem>>
      %dma_start3A_112 = arith.constant 0 : i32
      %dma_start3A_113 = tpu.memref_slice %arg8[%mul3A_2, %dma_start3A_112] : memref<10112x128xf32, #tpu.memory_space<vmem_shared>> -> memref<632x128xf32, #tpu.memory_space<vmem_shared>>
      %dma_start3A_114 = arith.constant 0 : i32
      %dma_start3A_115 = tpu.memref_slice %arg4[%mul3A_2, %dma_start3A_114] : memref<10112x128xf32, #tpu.memory_space<hbm>> -> memref<632x128xf32, #tpu.memory_space<hbm>>
      tpu.enqueue_dma source(%dma_start3A_115 : memref<632x128xf32, #tpu.memory_space<hbm>>) target(%dma_start3A_113 : memref<632x128xf32, #tpu.memory_space<vmem_shared>>) target_semaphore(%run_scoped3A : memref<!tpu.dma_semaphore, #tpu.memory_space<semaphore_mem>>)
      %dma_wait3A_116 = arith.constant 0 : i32
      %dma_wait3A_117 = tpu.memref_slice %arg8[%mul3A_2, %dma_wait3A_116] : memref<10112x128xf32, #tpu.memory_space<vmem_shared>> -> memref<632x128xf32, #tpu.memory_space<vmem_shared>>
      %dma_wait3A_118 = arith.constant 0 : i32
      %dma_wait3A_119 = tpu.memref_slice %arg4[%mul3A_2, %dma_wait3A_118] : memref<10112x128xf32, #tpu.memory_space<hbm>> -> memref<632x128xf32, #tpu.memory_space<hbm>>
      tpu.wait_dma2 semaphore(%run_scoped3A : memref<!tpu.dma_semaphore, #tpu.memory_space<semaphore_mem>>) src(%dma_wait3A_119 : memref<632x128xf32, #tpu.memory_space<hbm>>) dst(%dma_wait3A_117 : memref<632x128xf32, #tpu.memory_space<vmem_shared>>)
      tpu.yield
    }) : () -> ()
    %barrier3A = arith.constant 0 : index
    tpu.barrier barrier_id(%barrier3A)
    %dma_start3A = arith.constant 0 : i32
    %dma_start3A_3 = arith.constant 0 : i32
    %dma_start3A_4 = arith.constant 0 : i32
    %dma_start3A_5 = arith.constant 0 : i32
    %dma_start3A_6 = tpu.memref_slice %arg6[%dma_start3A, %dma_start3A_3, %dma_start3A_4, %dma_start3A_5] : memref<2x3x2x112xi32, #tpu.memory_space<vmem>> -> memref<1x3x2x112xi32, #tpu.memory_space<vmem>>
    %dma_start3A_7 = tpu.memref_squeeze %dma_start3A_6 : memref<1x3x2x112xi32, #tpu.memory_space<vmem>> -> memref<3x2x112xi32, #tpu.memory_space<vmem>>
    %dma_start3A_8 = arith.constant 0 : i32
    %dma_start3A_9 = arith.constant 0 : i32
    %dma_start3A_10 = arith.constant 0 : i32
    %dma_start3A_11 = tpu.memref_slice %arg3[%add3A, %dma_start3A_8, %dma_start3A_9, %dma_start3A_10] : memref<32x90x2x112xi32, #tpu.memory_space<hbm>> -> memref<1x3x2x112xi32, #tpu.memory_space<hbm>>
    %dma_start3A_12 = tpu.memref_squeeze %dma_start3A_11 : memref<1x3x2x112xi32, #tpu.memory_space<hbm>> -> memref<3x2x112xi32, #tpu.memory_space<hbm>>
    %dma_start3A_13 = arith.constant 0 : i32
    %dma_start3A_14 = arith.constant 0 : i32
    %dma_start3A_15 = arith.constant 0 : i32
    %dma_start3A_16 = tpu.memref_slice %arg6[%dma_start3A, %dma_start3A_13, %dma_start3A_14, %dma_start3A_15] : memref<2x3x2x112xi32, #tpu.memory_space<vmem>> -> memref<1x3x2x112xi32, #tpu.memory_space<vmem>>
    %dma_start3A_17 = tpu.memref_squeeze %dma_start3A_16 : memref<1x3x2x112xi32, #tpu.memory_space<vmem>> -> memref<3x2x112xi32, #tpu.memory_space<vmem>>
    %dma_start3A_18 = arith.constant 0 : i32
    %dma_start3A_19 = arith.constant 0 : i32
    %dma_start3A_20 = arith.constant 0 : i32
    %dma_start3A_21 = tpu.memref_slice %arg3[%add3A, %dma_start3A_18, %dma_start3A_19, %dma_start3A_20] : memref<32x90x2x112xi32, #tpu.memory_space<hbm>> -> memref<1x3x2x112xi32, #tpu.memory_space<hbm>>
    %dma_start3A_22 = tpu.memref_squeeze %dma_start3A_21 : memref<1x3x2x112xi32, #tpu.memory_space<hbm>> -> memref<3x2x112xi32, #tpu.memory_space<hbm>>
    tpu.enqueue_dma source(%dma_start3A_22 : memref<3x2x112xi32, #tpu.memory_space<hbm>>) target(%dma_start3A_17 : memref<3x2x112xi32, #tpu.memory_space<vmem>>) target_semaphore(%arg9 : memref<!tpu.dma_semaphore, #tpu.memory_space<semaphore_mem>>)
    %dma_start3A_23 = arith.constant 1 : i32
    %dma_start3A_24 = arith.constant 0 : i32
    %dma_start3A_25 = arith.constant 0 : i32
    %dma_start3A_26 = arith.constant 0 : i32
    %dma_start3A_27 = tpu.memref_slice %arg6[%dma_start3A_23, %dma_start3A_24, %dma_start3A_25, %dma_start3A_26] : memref<2x3x2x112xi32, #tpu.memory_space<vmem>> -> memref<1x3x2x112xi32, #tpu.memory_space<vmem>>
    %dma_start3A_28 = tpu.memref_squeeze %dma_start3A_27 : memref<1x3x2x112xi32, #tpu.memory_space<vmem>> -> memref<3x2x112xi32, #tpu.memory_space<vmem>>
    %dma_start3A_29 = arith.constant 3 : i32
    %dma_start3A_30 = arith.constant 0 : i32
    %dma_start3A_31 = arith.constant 0 : i32
    %dma_start3A_32 = tpu.memref_slice %arg3[%add3A, %dma_start3A_29, %dma_start3A_30, %dma_start3A_31] : memref<32x90x2x112xi32, #tpu.memory_space<hbm>> -> memref<1x3x2x112xi32, #tpu.memory_space<hbm>>
    %dma_start3A_33 = tpu.memref_squeeze %dma_start3A_32 : memref<1x3x2x112xi32, #tpu.memory_space<hbm>> -> memref<3x2x112xi32, #tpu.memory_space<hbm>>
    %dma_start3A_34 = arith.constant 0 : i32
    %dma_start3A_35 = arith.constant 0 : i32
    %dma_start3A_36 = arith.constant 0 : i32
    %dma_start3A_37 = tpu.memref_slice %arg6[%dma_start3A_23, %dma_start3A_34, %dma_start3A_35, %dma_start3A_36] : memref<2x3x2x112xi32, #tpu.memory_space<vmem>> -> memref<1x3x2x112xi32, #tpu.memory_space<vmem>>
    %dma_start3A_38 = tpu.memref_squeeze %dma_start3A_37 : memref<1x3x2x112xi32, #tpu.memory_space<vmem>> -> memref<3x2x112xi32, #tpu.memory_space<vmem>>
    %dma_start3A_39 = arith.constant 3 : i32
    %dma_start3A_40 = arith.constant 0 : i32
    %dma_start3A_41 = arith.constant 0 : i32
    %dma_start3A_42 = tpu.memref_slice %arg3[%add3A, %dma_start3A_39, %dma_start3A_40, %dma_start3A_41] : memref<32x90x2x112xi32, #tpu.memory_space<hbm>> -> memref<1x3x2x112xi32, #tpu.memory_space<hbm>>
    %dma_start3A_43 = tpu.memref_squeeze %dma_start3A_42 : memref<1x3x2x112xi32, #tpu.memory_space<hbm>> -> memref<3x2x112xi32, #tpu.memory_space<hbm>>
    tpu.enqueue_dma source(%dma_start3A_43 : memref<3x2x112xi32, #tpu.memory_space<hbm>>) target(%dma_start3A_38 : memref<3x2x112xi32, #tpu.memory_space<vmem>>) target_semaphore(%arg10 : memref<!tpu.dma_semaphore, #tpu.memory_space<semaphore_mem>>)
    %dma_wait3A = arith.constant 0 : i32
    %dma_wait3A_44 = arith.constant 0 : i32
    %dma_wait3A_45 = arith.constant 0 : i32
    %dma_wait3A_46 = arith.constant 0 : i32
    %dma_wait3A_47 = tpu.memref_slice %arg6[%dma_wait3A, %dma_wait3A_44, %dma_wait3A_45, %dma_wait3A_46] : memref<2x3x2x112xi32, #tpu.memory_space<vmem>> -> memref<1x3x2x112xi32, #tpu.memory_space<vmem>>
    %dma_wait3A_48 = tpu.memref_squeeze %dma_wait3A_47 : memref<1x3x2x112xi32, #tpu.memory_space<vmem>> -> memref<3x2x112xi32, #tpu.memory_space<vmem>>
    %dma_wait3A_49 = arith.constant 0 : i32
    %dma_wait3A_50 = arith.constant 0 : i32
    %dma_wait3A_51 = arith.constant 0 : i32
    %dma_wait3A_52 = tpu.memref_slice %arg3[%add3A, %dma_wait3A_49, %dma_wait3A_50, %dma_wait3A_51] : memref<32x90x2x112xi32, #tpu.memory_space<hbm>> -> memref<1x3x2x112xi32, #tpu.memory_space<hbm>>
    %dma_wait3A_53 = tpu.memref_squeeze %dma_wait3A_52 : memref<1x3x2x112xi32, #tpu.memory_space<hbm>> -> memref<3x2x112xi32, #tpu.memory_space<hbm>>
    %dma_wait3A_54 = arith.constant 0 : i32
    %dma_wait3A_55 = arith.constant 0 : i32
    %dma_wait3A_56 = arith.constant 0 : i32
    %dma_wait3A_57 = tpu.memref_slice %arg6[%dma_wait3A, %dma_wait3A_54, %dma_wait3A_55, %dma_wait3A_56] : memref<2x3x2x112xi32, #tpu.memory_space<vmem>> -> memref<1x3x2x112xi32, #tpu.memory_space<vmem>>
    %dma_wait3A_58 = tpu.memref_squeeze %dma_wait3A_57 : memref<1x3x2x112xi32, #tpu.memory_space<vmem>> -> memref<3x2x112xi32, #tpu.memory_space<vmem>>
    %dma_wait3A_59 = arith.constant 0 : i32
    %dma_wait3A_60 = arith.constant 0 : i32
    %dma_wait3A_61 = arith.constant 0 : i32
    %dma_wait3A_62 = tpu.memref_slice %arg3[%add3A, %dma_wait3A_59, %dma_wait3A_60, %dma_wait3A_61] : memref<32x90x2x112xi32, #tpu.memory_space<hbm>> -> memref<1x3x2x112xi32, #tpu.memory_space<hbm>>
    %dma_wait3A_63 = tpu.memref_squeeze %dma_wait3A_62 : memref<1x3x2x112xi32, #tpu.memory_space<hbm>> -> memref<3x2x112xi32, #tpu.memory_space<hbm>>
    tpu.wait_dma2 semaphore(%arg9 : memref<!tpu.dma_semaphore, #tpu.memory_space<semaphore_mem>>) src(%dma_wait3A_63 : memref<3x2x112xi32, #tpu.memory_space<hbm>>) dst(%dma_wait3A_58 : memref<3x2x112xi32, #tpu.memory_space<vmem>>)
    %dma_start3A_64 = arith.constant 0 : i32
    %dma_start3A_65 = arith.constant 0 : i32
    %dma_start3A_66 = arith.constant 0 : i32
    %dma_start3A_67 = arith.constant 0 : i32
    %dma_start3A_68 = arith.constant 0 : i32
    %dma_start3A_69 = arith.constant 0 : i32
    %dma_start3A_70 = tpu.memref_slice %arg7[%dma_start3A_67, %dma_start3A_68, %dma_start3A_69] : memref<3x112x128xf32, #tpu.memory_space<vmem>> -> memref<1x112x128xf32, #tpu.memory_space<vmem>>
    %dma_start3A_71 = tpu.memref_squeeze %dma_start3A_70 : memref<1x112x128xf32, #tpu.memory_space<vmem>> -> memref<112x128xf32, #tpu.memory_space<vmem>>
    %dma_start3A_72 = arith.constant 0 : i32
    %dma_start3A_73 = tpu.memref_slice %arg6[%dma_start3A_64, %dma_start3A_65, %dma_start3A_66, %dma_start3A_72] : memref<2x3x2x112xi32, #tpu.memory_space<vmem>> -> memref<1x1x1x112xi32, #tpu.memory_space<vmem>>
    %dma_start3A_74 = tpu.memref_squeeze %dma_start3A_73 : memref<1x1x1x112xi32, #tpu.memory_space<vmem>> -> memref<112xi32, #tpu.memory_space<vmem>>
    %dma_start3A_75 = arith.constant 0 : i32
    %dma_start3A_76 = arith.constant 0 : i32
    %dma_start3A_77 = tpu.memref_slice %arg2[%dma_start3A_75, %dma_start3A_76] : memref<10000x128xf32, #tpu.memory_space<hbm>> -> memref<10000x128xf32, #tpu.memory_space<hbm>>
    tpu.enqueue_indirect_dma source(%dma_start3A_77 : memref<10000x128xf32, #tpu.memory_space<hbm>>) target(%dma_start3A_71 : memref<112x128xf32, #tpu.memory_space<vmem>>) offsets(%dma_start3A_74 : memref<112xi32, #tpu.memory_space<vmem>>) semaphore(%arg11 : memref<!tpu.dma_semaphore, #tpu.memory_space<semaphore_mem>>)
    %dma_start3A_78 = arith.constant 0 : i32
    %dma_start3A_79 = arith.constant 1 : i32
    %dma_start3A_80 = arith.constant 0 : i32
    %dma_start3A_81 = arith.constant 1 : i32
    %dma_start3A_82 = arith.constant 0 : i32
    %dma_start3A_83 = arith.constant 0 : i32
    %dma_start3A_84 = tpu.memref_slice %arg7[%dma_start3A_81, %dma_start3A_82, %dma_start3A_83] : memref<3x112x128xf32, #tpu.memory_space<vmem>> -> memref<1x112x128xf32, #tpu.memory_space<vmem>>
    %dma_start3A_85 = tpu.memref_squeeze %dma_start3A_84 : memref<1x112x128xf32, #tpu.memory_space<vmem>> -> memref<112x128xf32, #tpu.memory_space<vmem>>
    %dma_start3A_86 = arith.constant 0 : i32
    %dma_start3A_87 = tpu.memref_slice %arg6[%dma_start3A_78, %dma_start3A_79, %dma_start3A_80, %dma_start3A_86] : memref<2x3x2x112xi32, #tpu.memory_space<vmem>> -> memref<1x1x1x112xi32, #tpu.memory_space<vmem>>
    %dma_start3A_88 = tpu.memref_squeeze %dma_start3A_87 : memref<1x1x1x112xi32, #tpu.memory_space<vmem>> -> memref<112xi32, #tpu.memory_space<vmem>>
    %dma_start3A_89 = arith.constant 0 : i32
    %dma_start3A_90 = arith.constant 0 : i32
    %dma_start3A_91 = tpu.memref_slice %arg2[%dma_start3A_89, %dma_start3A_90] : memref<10000x128xf32, #tpu.memory_space<hbm>> -> memref<10000x128xf32, #tpu.memory_space<hbm>>
    tpu.enqueue_indirect_dma source(%dma_start3A_91 : memref<10000x128xf32, #tpu.memory_space<hbm>>) target(%dma_start3A_85 : memref<112x128xf32, #tpu.memory_space<vmem>>) offsets(%dma_start3A_88 : memref<112xi32, #tpu.memory_space<vmem>>) semaphore(%arg12 : memref<!tpu.dma_semaphore, #tpu.memory_space<semaphore_mem>>)
    %dma_start3A_92 = arith.constant 0 : i32
    %dma_start3A_93 = arith.constant 2 : i32
    %dma_start3A_94 = arith.constant 0 : i32
    %dma_start3A_95 = arith.constant 2 : i32
    %dma_start3A_96 = arith.constant 0 : i32
    %dma_start3A_97 = arith.constant 0 : i32
    %dma_start3A_98 = tpu.memref_slice %arg7[%dma_start3A_95, %dma_start3A_96, %dma_start3A_97] : memref<3x112x128xf32, #tpu.memory_space<vmem>> -> memref<1x112x128xf32, #tpu.memory_space<vmem>>
    %dma_start3A_99 = tpu.memref_squeeze %dma_start3A_98 : memref<1x112x128xf32, #tpu.memory_space<vmem>> -> memref<112x128xf32, #tpu.memory_space<vmem>>
    %dma_start3A_100 = arith.constant 0 : i32
    %dma_start3A_101 = tpu.memref_slice %arg6[%dma_start3A_92, %dma_start3A_93, %dma_start3A_94, %dma_start3A_100] : memref<2x3x2x112xi32, #tpu.memory_space<vmem>> -> memref<1x1x1x112xi32, #tpu.memory_space<vmem>>
    %dma_start3A_102 = tpu.memref_squeeze %dma_start3A_101 : memref<1x1x1x112xi32, #tpu.memory_space<vmem>> -> memref<112xi32, #tpu.memory_space<vmem>>
    %dma_start3A_103 = arith.constant 0 : i32
    %dma_start3A_104 = arith.constant 0 : i32
    %dma_start3A_105 = tpu.memref_slice %arg2[%dma_start3A_103, %dma_start3A_104] : memref<10000x128xf32, #tpu.memory_space<hbm>> -> memref<10000x128xf32, #tpu.memory_space<hbm>>
    tpu.enqueue_indirect_dma source(%dma_start3A_105 : memref<10000x128xf32, #tpu.memory_space<hbm>>) target(%dma_start3A_99 : memref<112x128xf32, #tpu.memory_space<vmem>>) offsets(%dma_start3A_102 : memref<112xi32, #tpu.memory_space<vmem>>) semaphore(%arg13 : memref<!tpu.dma_semaphore, #tpu.memory_space<semaphore_mem>>)
    %scan3A = arith.constant 0 : i32
    %scan3A_106 = arith.constant 0 : i32
    %scan3A_107 = arith.constant 15 : i32
    %scan3A_108 = arith.addi %scan3A_106, %scan3A_107 : i32
    %scan3A_109 = arith.constant 1 : i32
    scf.for %scan3A_112 = %scan3A_106 to %scan3A_108 step %scan3A_109  : i32 {
      %dma_wait3A_113 = arith.constant 0 : i32
      %dma_wait3A_114 = arith.constant 0 : i32
      %dma_wait3A_115 = arith.constant 0 : i32
      %dma_wait3A_116 = arith.constant 0 : i32
      %dma_wait3A_117 = arith.constant 0 : i32
      %dma_wait3A_118 = arith.constant 0 : i32
      %dma_wait3A_119 = tpu.memref_slice %arg7[%dma_wait3A_116, %dma_wait3A_117, %dma_wait3A_118] : memref<3x112x128xf32, #tpu.memory_space<vmem>> -> memref<1x112x128xf32, #tpu.memory_space<vmem>>
      %dma_wait3A_120 = tpu.memref_squeeze %dma_wait3A_119 : memref<1x112x128xf32, #tpu.memory_space<vmem>> -> memref<112x128xf32, #tpu.memory_space<vmem>>
      %dma_wait3A_121 = arith.constant 0 : i32
      %dma_wait3A_122 = tpu.memref_slice %arg6[%dma_wait3A_113, %dma_wait3A_114, %dma_wait3A_115, %dma_wait3A_121] : memref<2x3x2x112xi32, #tpu.memory_space<vmem>> -> memref<1x1x1x112xi32, #tpu.memory_space<vmem>>
      %dma_wait3A_123 = tpu.memref_squeeze %dma_wait3A_122 : memref<1x1x1x112xi32, #tpu.memory_space<vmem>> -> memref<112xi32, #tpu.memory_space<vmem>>
      %dma_wait3A_124 = arith.constant 0 : i32
      %dma_wait3A_125 = arith.constant 0 : i32
      %dma_wait3A_126 = tpu.memref_slice %arg2[%dma_wait3A_124, %dma_wait3A_125] : memref<10000x128xf32, #tpu.memory_space<hbm>> -> memref<10000x128xf32, #tpu.memory_space<hbm>>
      tpu.wait_indirect_dma semaphore(%arg11 : memref<!tpu.dma_semaphore, #tpu.memory_space<semaphore_mem>>) src(%dma_wait3A_126 : memref<10000x128xf32, #tpu.memory_space<hbm>>) dst(%dma_wait3A_120 : memref<112x128xf32, #tpu.memory_space<vmem>>)
      %dma_start3A_127 = arith.constant 0 : i32
      %dma_start3A_128 = arith.constant 0 : i32
      %dma_start3A_129 = arith.constant 0 : i32
      %dma_start3A_130 = arith.constant 1 : i32
      %dma_start3A_131 = arith.constant 0 : i32
      %dma_start3A_132 = arith.constant 0 : i32
      %dma_start3A_133 = tpu.memref_slice %arg7[%dma_start3A_127, %dma_start3A_131, %dma_start3A_132] : memref<3x112x128xf32, #tpu.memory_space<vmem>> -> memref<1x112x128xf32, #tpu.memory_space<vmem>>
      %dma_start3A_134 = tpu.memref_squeeze %dma_start3A_133 : memref<1x112x128xf32, #tpu.memory_space<vmem>> -> memref<112x128xf32, #tpu.memory_space<vmem>>
      %dma_start3A_135 = arith.constant 0 : i32
      %dma_start3A_136 = tpu.memref_slice %arg6[%dma_start3A_128, %dma_start3A_129, %dma_start3A_130, %dma_start3A_135] : memref<2x3x2x112xi32, #tpu.memory_space<vmem>> -> memref<1x1x1x112xi32, #tpu.memory_space<vmem>>
      %dma_start3A_137 = tpu.memref_squeeze %dma_start3A_136 : memref<1x1x1x112xi32, #tpu.memory_space<vmem>> -> memref<112xi32, #tpu.memory_space<vmem>>
      %dma_start3A_138 = arith.constant 0 : i32
      %dma_start3A_139 = arith.constant 0 : i32
      %dma_start3A_140 = tpu.memref_slice %arg8[%dma_start3A_138, %dma_start3A_139] : memref<10112x128xf32, #tpu.memory_space<vmem_shared>> -> memref<10112x128xf32, #tpu.memory_space<vmem_shared>>
      tpu.enqueue_indirect_dma source(%dma_start3A_134 : memref<112x128xf32, #tpu.memory_space<vmem>>) target(%dma_start3A_140 : memref<10112x128xf32, #tpu.memory_space<vmem_shared>>) offsets(%dma_start3A_137 : memref<112xi32, #tpu.memory_space<vmem>>) semaphore(%arg14 : memref<!tpu.dma_semaphore, #tpu.memory_space<semaphore_mem>>) {add = true}
      %dma_wait3A_141 = arith.constant 0 : i32
      %dma_wait3A_142 = arith.constant 1 : i32
      %dma_wait3A_143 = arith.constant 0 : i32
      %dma_wait3A_144 = arith.constant 1 : i32
      %dma_wait3A_145 = arith.constant 0 : i32
      %dma_wait3A_146 = arith.constant 0 : i32
      %dma_wait3A_147 = tpu.memref_slice %arg7[%dma_wait3A_144, %dma_wait3A_145, %dma_wait3A_146] : memref<3x112x128xf32, #tpu.memory_space<vmem>> -> memref<1x112x128xf32, #tpu.memory_space<vmem>>
      %dma_wait3A_148 = tpu.memref_squeeze %dma_wait3A_147 : memref<1x112x128xf32, #tpu.memory_space<vmem>> -> memref<112x128xf32, #tpu.memory_space<vmem>>
      %dma_wait3A_149 = arith.constant 0 : i32
      %dma_wait3A_150 = tpu.memref_slice %arg6[%dma_wait3A_141, %dma_wait3A_142, %dma_wait3A_143, %dma_wait3A_149] : memref<2x3x2x112xi32, #tpu.memory_space<vmem>> -> memref<1x1x1x112xi32, #tpu.memory_space<vmem>>
      %dma_wait3A_151 = tpu.memref_squeeze %dma_wait3A_150 : memref<1x1x1x112xi32, #tpu.memory_space<vmem>> -> memref<112xi32, #tpu.memory_space<vmem>>
      %dma_wait3A_152 = arith.constant 0 : i32
      %dma_wait3A_153 = arith.constant 0 : i32
      %dma_wait3A_154 = tpu.memref_slice %arg2[%dma_wait3A_152, %dma_wait3A_153] : memref<10000x128xf32, #tpu.memory_space<hbm>> -> memref<10000x128xf32, #tpu.memory_space<hbm>>
      tpu.wait_indirect_dma semaphore(%arg12 : memref<!tpu.dma_semaphore, #tpu.memory_space<semaphore_mem>>) src(%dma_wait3A_154 : memref<10000x128xf32, #tpu.memory_space<hbm>>) dst(%dma_wait3A_148 : memref<112x128xf32, #tpu.memory_space<vmem>>)
      %dma_start3A_155 = arith.constant 1 : i32
      %dma_start3A_156 = arith.constant 0 : i32
      %dma_start3A_157 = arith.constant 1 : i32
      %dma_start3A_158 = arith.constant 1 : i32
      %dma_start3A_159 = arith.constant 0 : i32
      %dma_start3A_160 = arith.constant 0 : i32
      %dma_start3A_161 = tpu.memref_slice %arg7[%dma_start3A_155, %dma_start3A_159, %dma_start3A_160] : memref<3x112x128xf32, #tpu.memory_space<vmem>> -> memref<1x112x128xf32, #tpu.memory_space<vmem>>
      %dma_start3A_162 = tpu.memref_squeeze %dma_start3A_161 : memref<1x112x128xf32, #tpu.memory_space<vmem>> -> memref<112x128xf32, #tpu.memory_space<vmem>>
      %dma_start3A_163 = arith.constant 0 : i32
      %dma_start3A_164 = tpu.memref_slice %arg6[%dma_start3A_156, %dma_start3A_157, %dma_start3A_158, %dma_start3A_163] : memref<2x3x2x112xi32, #tpu.memory_space<vmem>> -> memref<1x1x1x112xi32, #tpu.memory_space<vmem>>
      %dma_start3A_165 = tpu.memref_squeeze %dma_start3A_164 : memref<1x1x1x112xi32, #tpu.memory_space<vmem>> -> memref<112xi32, #tpu.memory_space<vmem>>
      %dma_start3A_166 = arith.constant 0 : i32
      %dma_start3A_167 = arith.constant 0 : i32
      %dma_start3A_168 = tpu.memref_slice %arg8[%dma_start3A_166, %dma_start3A_167] : memref<10112x128xf32, #tpu.memory_space<vmem_shared>> -> memref<10112x128xf32, #tpu.memory_space<vmem_shared>>
      tpu.enqueue_indirect_dma source(%dma_start3A_162 : memref<112x128xf32, #tpu.memory_space<vmem>>) target(%dma_start3A_168 : memref<10112x128xf32, #tpu.memory_space<vmem_shared>>) offsets(%dma_start3A_165 : memref<112xi32, #tpu.memory_space<vmem>>) semaphore(%arg15 : memref<!tpu.dma_semaphore, #tpu.memory_space<semaphore_mem>>) {add = true}
      %dma_wait3A_169 = arith.constant 0 : i32
      %dma_wait3A_170 = arith.constant 2 : i32
      %dma_wait3A_171 = arith.constant 0 : i32
      %dma_wait3A_172 = arith.constant 2 : i32
      %dma_wait3A_173 = arith.constant 0 : i32
      %dma_wait3A_174 = arith.constant 0 : i32
      %dma_wait3A_175 = tpu.memref_slice %arg7[%dma_wait3A_172, %dma_wait3A_173, %dma_wait3A_174] : memref<3x112x128xf32, #tpu.memory_space<vmem>> -> memref<1x112x128xf32, #tpu.memory_space<vmem>>
      %dma_wait3A_176 = tpu.memref_squeeze %dma_wait3A_175 : memref<1x112x128xf32, #tpu.memory_space<vmem>> -> memref<112x128xf32, #tpu.memory_space<vmem>>
      %dma_wait3A_177 = arith.constant 0 : i32
      %dma_wait3A_178 = tpu.memref_slice %arg6[%dma_wait3A_169, %dma_wait3A_170, %dma_wait3A_171, %dma_wait3A_177] : memref<2x3x2x112xi32, #tpu.memory_space<vmem>> -> memref<1x1x1x112xi32, #tpu.memory_space<vmem>>
      %dma_wait3A_179 = tpu.memref_squeeze %dma_wait3A_178 : memref<1x1x1x112xi32, #tpu.memory_space<vmem>> -> memref<112xi32, #tpu.memory_space<vmem>>
      %dma_wait3A_180 = arith.constant 0 : i32
      %dma_wait3A_181 = arith.constant 0 : i32
      %dma_wait3A_182 = tpu.memref_slice %arg2[%dma_wait3A_180, %dma_wait3A_181] : memref<10000x128xf32, #tpu.memory_space<hbm>> -> memref<10000x128xf32, #tpu.memory_space<hbm>>
      tpu.wait_indirect_dma semaphore(%arg13 : memref<!tpu.dma_semaphore, #tpu.memory_space<semaphore_mem>>) src(%dma_wait3A_182 : memref<10000x128xf32, #tpu.memory_space<hbm>>) dst(%dma_wait3A_176 : memref<112x128xf32, #tpu.memory_space<vmem>>)
      %dma_start3A_183 = arith.constant 2 : i32
      %dma_start3A_184 = arith.constant 0 : i32
      %dma_start3A_185 = arith.constant 2 : i32
      %dma_start3A_186 = arith.constant 1 : i32
      %dma_start3A_187 = arith.constant 0 : i32
      %dma_start3A_188 = arith.constant 0 : i32
      %dma_start3A_189 = tpu.memref_slice %arg7[%dma_start3A_183, %dma_start3A_187, %dma_start3A_188] : memref<3x112x128xf32, #tpu.memory_space<vmem>> -> memref<1x112x128xf32, #tpu.memory_space<vmem>>
      %dma_start3A_190 = tpu.memref_squeeze %dma_start3A_189 : memref<1x112x128xf32, #tpu.memory_space<vmem>> -> memref<112x128xf32, #tpu.memory_space<vmem>>
      %dma_start3A_191 = arith.constant 0 : i32
      %dma_start3A_192 = tpu.memref_slice %arg6[%dma_start3A_184, %dma_start3A_185, %dma_start3A_186, %dma_start3A_191] : memref<2x3x2x112xi32, #tpu.memory_space<vmem>> -> memref<1x1x1x112xi32, #tpu.memory_space<vmem>>
      %dma_start3A_193 = tpu.memref_squeeze %dma_start3A_192 : memref<1x1x1x112xi32, #tpu.memory_space<vmem>> -> memref<112xi32, #tpu.memory_space<vmem>>
      %dma_start3A_194 = arith.constant 0 : i32
      %dma_start3A_195 = arith.constant 0 : i32
      %dma_start3A_196 = tpu.memref_slice %arg8[%dma_start3A_194, %dma_start3A_195] : memref<10112x128xf32, #tpu.memory_space<vmem_shared>> -> memref<10112x128xf32, #tpu.memory_space<vmem_shared>>
      tpu.enqueue_indirect_dma source(%dma_start3A_190 : memref<112x128xf32, #tpu.memory_space<vmem>>) target(%dma_start3A_196 : memref<10112x128xf32, #tpu.memory_space<vmem_shared>>) offsets(%dma_start3A_193 : memref<112xi32, #tpu.memory_space<vmem>>) semaphore(%arg16 : memref<!tpu.dma_semaphore, #tpu.memory_space<semaphore_mem>>) {add = true}
      %dma_wait3A_197 = arith.constant 1 : i32
      %dma_wait3A_198 = arith.constant 0 : i32
      %dma_wait3A_199 = arith.constant 0 : i32
      %dma_wait3A_200 = arith.constant 0 : i32
      %dma_wait3A_201 = tpu.memref_slice %arg6[%dma_wait3A_197, %dma_wait3A_198, %dma_wait3A_199, %dma_wait3A_200] : memref<2x3x2x112xi32, #tpu.memory_space<vmem>> -> memref<1x3x2x112xi32, #tpu.memory_space<vmem>>
      %dma_wait3A_202 = tpu.memref_squeeze %dma_wait3A_201 : memref<1x3x2x112xi32, #tpu.memory_space<vmem>> -> memref<3x2x112xi32, #tpu.memory_space<vmem>>
      %dma_wait3A_203 = arith.constant 0 : i32
      %dma_wait3A_204 = arith.constant 0 : i32
      %dma_wait3A_205 = arith.constant 0 : i32
      %dma_wait3A_206 = tpu.memref_slice %arg3[%add3A, %dma_wait3A_203, %dma_wait3A_204, %dma_wait3A_205] : memref<32x90x2x112xi32, #tpu.memory_space<hbm>> -> memref<1x3x2x112xi32, #tpu.memory_space<hbm>>
      %dma_wait3A_207 = tpu.memref_squeeze %dma_wait3A_206 : memref<1x3x2x112xi32, #tpu.memory_space<hbm>> -> memref<3x2x112xi32, #tpu.memory_space<hbm>>
      %dma_wait3A_208 = arith.constant 0 : i32
      %dma_wait3A_209 = arith.constant 0 : i32
      %dma_wait3A_210 = arith.constant 0 : i32
      %dma_wait3A_211 = tpu.memref_slice %arg6[%dma_wait3A_197, %dma_wait3A_208, %dma_wait3A_209, %dma_wait3A_210] : memref<2x3x2x112xi32, #tpu.memory_space<vmem>> -> memref<1x3x2x112xi32, #tpu.memory_space<vmem>>
      %dma_wait3A_212 = tpu.memref_squeeze %dma_wait3A_211 : memref<1x3x2x112xi32, #tpu.memory_space<vmem>> -> memref<3x2x112xi32, #tpu.memory_space<vmem>>
      %dma_wait3A_213 = arith.constant 0 : i32
      %dma_wait3A_214 = arith.constant 0 : i32
      %dma_wait3A_215 = arith.constant 0 : i32
      %dma_wait3A_216 = tpu.memref_slice %arg3[%add3A, %dma_wait3A_213, %dma_wait3A_214, %dma_wait3A_215] : memref<32x90x2x112xi32, #tpu.memory_space<hbm>> -> memref<1x3x2x112xi32, #tpu.memory_space<hbm>>
      %dma_wait3A_217 = tpu.memref_squeeze %dma_wait3A_216 : memref<1x3x2x112xi32, #tpu.memory_space<hbm>> -> memref<3x2x112xi32, #tpu.memory_space<hbm>>
      tpu.wait_dma2 semaphore(%arg10 : memref<!tpu.dma_semaphore, #tpu.memory_space<semaphore_mem>>) src(%dma_wait3A_217 : memref<3x2x112xi32, #tpu.memory_space<hbm>>) dst(%dma_wait3A_212 : memref<3x2x112xi32, #tpu.memory_space<vmem>>)
      %dma_wait3A_218 = arith.constant 0 : i32
      %dma_wait3A_219 = arith.constant 0 : i32
      %dma_wait3A_220 = arith.constant 0 : i32
      %dma_wait3A_221 = arith.constant 1 : i32
      %dma_wait3A_222 = arith.constant 0 : i32
      %dma_wait3A_223 = arith.constant 0 : i32
      %dma_wait3A_224 = tpu.memref_slice %arg7[%dma_wait3A_218, %dma_wait3A_222, %dma_wait3A_223] : memref<3x112x128xf32, #tpu.memory_space<vmem>> -> memref<1x112x128xf32, #tpu.memory_space<vmem>>
      %dma_wait3A_225 = tpu.memref_squeeze %dma_wait3A_224 : memref<1x112x128xf32, #tpu.memory_space<vmem>> -> memref<112x128xf32, #tpu.memory_space<vmem>>
      %dma_wait3A_226 = arith.constant 0 : i32
      %dma_wait3A_227 = tpu.memref_slice %arg6[%dma_wait3A_219, %dma_wait3A_220, %dma_wait3A_221, %dma_wait3A_226] : memref<2x3x2x112xi32, #tpu.memory_space<vmem>> -> memref<1x1x1x112xi32, #tpu.memory_space<vmem>>
      %dma_wait3A_228 = tpu.memref_squeeze %dma_wait3A_227 : memref<1x1x1x112xi32, #tpu.memory_space<vmem>> -> memref<112xi32, #tpu.memory_space<vmem>>
      %dma_wait3A_229 = arith.constant 0 : i32
      %dma_wait3A_230 = arith.constant 0 : i32
      %dma_wait3A_231 = tpu.memref_slice %arg8[%dma_wait3A_229, %dma_wait3A_230] : memref<10112x128xf32, #tpu.memory_space<vmem_shared>> -> memref<10112x128xf32, #tpu.memory_space<vmem_shared>>
      tpu.wait_indirect_dma semaphore(%arg14 : memref<!tpu.dma_semaphore, #tpu.memory_space<semaphore_mem>>) src(%dma_wait3A_225 : memref<112x128xf32, #tpu.memory_space<vmem>>) dst(%dma_wait3A_231 : memref<10112x128xf32, #tpu.memory_space<vmem_shared>>)
      %dma_start3A_232 = arith.constant 1 : i32
      %dma_start3A_233 = arith.constant 0 : i32
      %dma_start3A_234 = arith.constant 0 : i32
      %dma_start3A_235 = arith.constant 0 : i32
      %dma_start3A_236 = arith.constant 0 : i32
      %dma_start3A_237 = arith.constant 0 : i32
      %dma_start3A_238 = tpu.memref_slice %arg7[%dma_start3A_235, %dma_start3A_236, %dma_start3A_237] : memref<3x112x128xf32, #tpu.memory_space<vmem>> -> memref<1x112x128xf32, #tpu.memory_space<vmem>>
      %dma_start3A_239 = tpu.memref_squeeze %dma_start3A_238 : memref<1x112x128xf32, #tpu.memory_space<vmem>> -> memref<112x128xf32, #tpu.memory_space<vmem>>
      %dma_start3A_240 = arith.constant 0 : i32
      %dma_start3A_241 = tpu.memref_slice %arg6[%dma_start3A_232, %dma_start3A_233, %dma_start3A_234, %dma_start3A_240] : memref<2x3x2x112xi32, #tpu.memory_space<vmem>> -> memref<1x1x1x112xi32, #tpu.memory_space<vmem>>
      %dma_start3A_242 = tpu.memref_squeeze %dma_start3A_241 : memref<1x1x1x112xi32, #tpu.memory_space<vmem>> -> memref<112xi32, #tpu.memory_space<vmem>>
      %dma_start3A_243 = arith.constant 0 : i32
      %dma_start3A_244 = arith.constant 0 : i32
      %dma_start3A_245 = tpu.memref_slice %arg2[%dma_start3A_243, %dma_start3A_244] : memref<10000x128xf32, #tpu.memory_space<hbm>> -> memref<10000x128xf32, #tpu.memory_space<hbm>>
      tpu.enqueue_indirect_dma source(%dma_start3A_245 : memref<10000x128xf32, #tpu.memory_space<hbm>>) target(%dma_start3A_239 : memref<112x128xf32, #tpu.memory_space<vmem>>) offsets(%dma_start3A_242 : memref<112xi32, #tpu.memory_space<vmem>>) semaphore(%arg11 : memref<!tpu.dma_semaphore, #tpu.memory_space<semaphore_mem>>)
      %dma_wait3A_246 = arith.constant 1 : i32
      %dma_wait3A_247 = arith.constant 0 : i32
      %dma_wait3A_248 = arith.constant 1 : i32
      %dma_wait3A_249 = arith.constant 1 : i32
      %dma_wait3A_250 = arith.constant 0 : i32
      %dma_wait3A_251 = arith.constant 0 : i32
      %dma_wait3A_252 = tpu.memref_slice %arg7[%dma_wait3A_246, %dma_wait3A_250, %dma_wait3A_251] : memref<3x112x128xf32, #tpu.memory_space<vmem>> -> memref<1x112x128xf32, #tpu.memory_space<vmem>>
      %dma_wait3A_253 = tpu.memref_squeeze %dma_wait3A_252 : memref<1x112x128xf32, #tpu.memory_space<vmem>> -> memref<112x128xf32, #tpu.memory_space<vmem>>
      %dma_wait3A_254 = arith.constant 0 : i32
      %dma_wait3A_255 = tpu.memref_slice %arg6[%dma_wait3A_247, %dma_wait3A_248, %dma_wait3A_249, %dma_wait3A_254] : memref<2x3x2x112xi32, #tpu.memory_space<vmem>> -> memref<1x1x1x112xi32, #tpu.memory_space<vmem>>
      %dma_wait3A_256 = tpu.memref_squeeze %dma_wait3A_255 : memref<1x1x1x112xi32, #tpu.memory_space<vmem>> -> memref<112xi32, #tpu.memory_space<vmem>>
      %dma_wait3A_257 = arith.constant 0 : i32
      %dma_wait3A_258 = arith.constant 0 : i32
      %dma_wait3A_259 = tpu.memref_slice %arg8[%dma_wait3A_257, %dma_wait3A_258] : memref<10112x128xf32, #tpu.memory_space<vmem_shared>> -> memref<10112x128xf32, #tpu.memory_space<vmem_shared>>
      tpu.wait_indirect_dma semaphore(%arg15 : memref<!tpu.dma_semaphore, #tpu.memory_space<semaphore_mem>>) src(%dma_wait3A_253 : memref<112x128xf32, #tpu.memory_space<vmem>>) dst(%dma_wait3A_259 : memref<10112x128xf32, #tpu.memory_space<vmem_shared>>)
      %dma_start3A_260 = arith.constant 1 : i32
      %dma_start3A_261 = arith.constant 1 : i32
      %dma_start3A_262 = arith.constant 0 : i32
      %dma_start3A_263 = arith.constant 1 : i32
      %dma_start3A_264 = arith.constant 0 : i32
      %dma_start3A_265 = arith.constant 0 : i32
      %dma_start3A_266 = tpu.memref_slice %arg7[%dma_start3A_263, %dma_start3A_264, %dma_start3A_265] : memref<3x112x128xf32, #tpu.memory_space<vmem>> -> memref<1x112x128xf32, #tpu.memory_space<vmem>>
      %dma_start3A_267 = tpu.memref_squeeze %dma_start3A_266 : memref<1x112x128xf32, #tpu.memory_space<vmem>> -> memref<112x128xf32, #tpu.memory_space<vmem>>
      %dma_start3A_268 = arith.constant 0 : i32
      %dma_start3A_269 = tpu.memref_slice %arg6[%dma_start3A_260, %dma_start3A_261, %dma_start3A_262, %dma_start3A_268] : memref<2x3x2x112xi32, #tpu.memory_space<vmem>> -> memref<1x1x1x112xi32, #tpu.memory_space<vmem>>
      %dma_start3A_270 = tpu.memref_squeeze %dma_start3A_269 : memref<1x1x1x112xi32, #tpu.memory_space<vmem>> -> memref<112xi32, #tpu.memory_space<vmem>>
      %dma_start3A_271 = arith.constant 0 : i32
      %dma_start3A_272 = arith.constant 0 : i32
      %dma_start3A_273 = tpu.memref_slice %arg2[%dma_start3A_271, %dma_start3A_272] : memref<10000x128xf32, #tpu.memory_space<hbm>> -> memref<10000x128xf32, #tpu.memory_space<hbm>>
      tpu.enqueue_indirect_dma source(%dma_start3A_273 : memref<10000x128xf32, #tpu.memory_space<hbm>>) target(%dma_start3A_267 : memref<112x128xf32, #tpu.memory_space<vmem>>) offsets(%dma_start3A_270 : memref<112xi32, #tpu.memory_space<vmem>>) semaphore(%arg12 : memref<!tpu.dma_semaphore, #tpu.memory_space<semaphore_mem>>)
      %dma_wait3A_274 = arith.constant 2 : i32
      %dma_wait3A_275 = arith.constant 0 : i32
      %dma_wait3A_276 = arith.constant 2 : i32
      %dma_wait3A_277 = arith.constant 1 : i32
      %dma_wait3A_278 = arith.constant 0 : i32
      %dma_wait3A_279 = arith.constant 0 : i32
      %dma_wait3A_280 = tpu.memref_slice %arg7[%dma_wait3A_274, %dma_wait3A_278, %dma_wait3A_279] : memref<3x112x128xf32, #tpu.memory_space<vmem>> -> memref<1x112x128xf32, #tpu.memory_space<vmem>>
      %dma_wait3A_281 = tpu.memref_squeeze %dma_wait3A_280 : memref<1x112x128xf32, #tpu.memory_space<vmem>> -> memref<112x128xf32, #tpu.memory_space<vmem>>
      %dma_wait3A_282 = arith.constant 0 : i32
      %dma_wait3A_283 = tpu.memref_slice %arg6[%dma_wait3A_275, %dma_wait3A_276, %dma_wait3A_277, %dma_wait3A_282] : memref<2x3x2x112xi32, #tpu.memory_space<vmem>> -> memref<1x1x1x112xi32, #tpu.memory_space<vmem>>
      %dma_wait3A_284 = tpu.memref_squeeze %dma_wait3A_283 : memref<1x1x1x112xi32, #tpu.memory_space<vmem>> -> memref<112xi32, #tpu.memory_space<vmem>>
      %dma_wait3A_285 = arith.constant 0 : i32
      %dma_wait3A_286 = arith.constant 0 : i32
      %dma_wait3A_287 = tpu.memref_slice %arg8[%dma_wait3A_285, %dma_wait3A_286] : memref<10112x128xf32, #tpu.memory_space<vmem_shared>> -> memref<10112x128xf32, #tpu.memory_space<vmem_shared>>
      tpu.wait_indirect_dma semaphore(%arg16 : memref<!tpu.dma_semaphore, #tpu.memory_space<semaphore_mem>>) src(%dma_wait3A_281 : memref<112x128xf32, #tpu.memory_space<vmem>>) dst(%dma_wait3A_287 : memref<10112x128xf32, #tpu.memory_space<vmem_shared>>)
      %dma_start3A_288 = arith.constant 1 : i32
      %dma_start3A_289 = arith.constant 2 : i32
      %dma_start3A_290 = arith.constant 0 : i32
      %dma_start3A_291 = arith.constant 2 : i32
      %dma_start3A_292 = arith.constant 0 : i32
      %dma_start3A_293 = arith.constant 0 : i32
      %dma_start3A_294 = tpu.memref_slice %arg7[%dma_start3A_291, %dma_start3A_292, %dma_start3A_293] : memref<3x112x128xf32, #tpu.memory_space<vmem>> -> memref<1x112x128xf32, #tpu.memory_space<vmem>>
      %dma_start3A_295 = tpu.memref_squeeze %dma_start3A_294 : memref<1x112x128xf32, #tpu.memory_space<vmem>> -> memref<112x128xf32, #tpu.memory_space<vmem>>
      %dma_start3A_296 = arith.constant 0 : i32
      %dma_start3A_297 = tpu.memref_slice %arg6[%dma_start3A_288, %dma_start3A_289, %dma_start3A_290, %dma_start3A_296] : memref<2x3x2x112xi32, #tpu.memory_space<vmem>> -> memref<1x1x1x112xi32, #tpu.memory_space<vmem>>
      %dma_start3A_298 = tpu.memref_squeeze %dma_start3A_297 : memref<1x1x1x112xi32, #tpu.memory_space<vmem>> -> memref<112xi32, #tpu.memory_space<vmem>>
      %dma_start3A_299 = arith.constant 0 : i32
      %dma_start3A_300 = arith.constant 0 : i32
      %dma_start3A_301 = tpu.memref_slice %arg2[%dma_start3A_299, %dma_start3A_300] : memref<10000x128xf32, #tpu.memory_space<hbm>> -> memref<10000x128xf32, #tpu.memory_space<hbm>>
      tpu.enqueue_indirect_dma source(%dma_start3A_301 : memref<10000x128xf32, #tpu.memory_space<hbm>>) target(%dma_start3A_295 : memref<112x128xf32, #tpu.memory_space<vmem>>) offsets(%dma_start3A_298 : memref<112xi32, #tpu.memory_space<vmem>>) semaphore(%arg13 : memref<!tpu.dma_semaphore, #tpu.memory_space<semaphore_mem>>)
      %lt3A = arith.constant 14 : i32
      %lt3A_302 = arith.cmpi slt, %scan3A_112, %lt3A : i32
      %convert_element_type3A = arith.extui %lt3A_302 : i1 to i32
      %cond3A = arith.constant 0 : i32
      %cond3A_303 = arith.cmpi ne, %convert_element_type3A, %cond3A : i32
      scf.if %cond3A_303 {
        %mul3A_397 = arith.constant 2 : i32
        %mul3A_398 = arith.muli %mul3A_397, %scan3A_112 : i32
        %add3A_399 = arith.constant 2 : i32
        %add3A_400 = arith.addi %mul3A_398, %add3A_399 : i32
        %mul3A_401 = arith.constant 3 : i32
        %mul3A_402 = arith.muli %add3A_400, %mul3A_401 : i32
        %dma_start3A_403 = arith.constant 0 : i32
        %dma_start3A_404 = arith.constant 0 : i32
        %dma_start3A_405 = arith.constant 0 : i32
        %dma_start3A_406 = arith.constant 0 : i32
        %dma_start3A_407 = tpu.memref_slice %arg6[%dma_start3A_403, %dma_start3A_404, %dma_start3A_405, %dma_start3A_406] : memref<2x3x2x112xi32, #tpu.memory_space<vmem>> -> memref<1x3x2x112xi32, #tpu.memory_space<vmem>>
        %dma_start3A_408 = tpu.memref_squeeze %dma_start3A_407 : memref<1x3x2x112xi32, #tpu.memory_space<vmem>> -> memref<3x2x112xi32, #tpu.memory_space<vmem>>
        %dma_start3A_409 = arith.constant 0 : i32
        %dma_start3A_410 = arith.constant 0 : i32
        %dma_start3A_411 = tpu.memref_slice %arg3[%add3A, %mul3A_402, %dma_start3A_409, %dma_start3A_410] : memref<32x90x2x112xi32, #tpu.memory_space<hbm>> -> memref<1x3x2x112xi32, #tpu.memory_space<hbm>>
        %dma_start3A_412 = tpu.memref_squeeze %dma_start3A_411 : memref<1x3x2x112xi32, #tpu.memory_space<hbm>> -> memref<3x2x112xi32, #tpu.memory_space<hbm>>
        %dma_start3A_413 = arith.constant 0 : i32
        %dma_start3A_414 = arith.constant 0 : i32
        %dma_start3A_415 = arith.constant 0 : i32
        %dma_start3A_416 = tpu.memref_slice %arg6[%dma_start3A_403, %dma_start3A_413, %dma_start3A_414, %dma_start3A_415] : memref<2x3x2x112xi32, #tpu.memory_space<vmem>> -> memref<1x3x2x112xi32, #tpu.memory_space<vmem>>
        %dma_start3A_417 = tpu.memref_squeeze %dma_start3A_416 : memref<1x3x2x112xi32, #tpu.memory_space<vmem>> -> memref<3x2x112xi32, #tpu.memory_space<vmem>>
        %dma_start3A_418 = arith.constant 0 : i32
        %dma_start3A_419 = arith.constant 0 : i32
        %dma_start3A_420 = tpu.memref_slice %arg3[%add3A, %mul3A_402, %dma_start3A_418, %dma_start3A_419] : memref<32x90x2x112xi32, #tpu.memory_space<hbm>> -> memref<1x3x2x112xi32, #tpu.memory_space<hbm>>
        %dma_start3A_421 = tpu.memref_squeeze %dma_start3A_420 : memref<1x3x2x112xi32, #tpu.memory_space<hbm>> -> memref<3x2x112xi32, #tpu.memory_space<hbm>>
        tpu.enqueue_dma source(%dma_start3A_421 : memref<3x2x112xi32, #tpu.memory_space<hbm>>) target(%dma_start3A_417 : memref<3x2x112xi32, #tpu.memory_space<vmem>>) target_semaphore(%arg9 : memref<!tpu.dma_semaphore, #tpu.memory_space<semaphore_mem>>)
      } else {
      }
      %dma_wait3A_304 = arith.constant 1 : i32
      %dma_wait3A_305 = arith.constant 0 : i32
      %dma_wait3A_306 = arith.constant 0 : i32
      %dma_wait3A_307 = arith.constant 0 : i32
      %dma_wait3A_308 = arith.constant 0 : i32
      %dma_wait3A_309 = arith.constant 0 : i32
      %dma_wait3A_310 = tpu.memref_slice %arg7[%dma_wait3A_307, %dma_wait3A_308, %dma_wait3A_309] : memref<3x112x128xf32, #tpu.memory_space<vmem>> -> memref<1x112x128xf32, #tpu.memory_space<vmem>>
      %dma_wait3A_311 = tpu.memref_squeeze %dma_wait3A_310 : memref<1x112x128xf32, #tpu.memory_space<vmem>> -> memref<112x128xf32, #tpu.memory_space<vmem>>
      %dma_wait3A_312 = arith.constant 0 : i32
      %dma_wait3A_313 = tpu.memref_slice %arg6[%dma_wait3A_304, %dma_wait3A_305, %dma_wait3A_306, %dma_wait3A_312] : memref<2x3x2x112xi32, #tpu.memory_space<vmem>> -> memref<1x1x1x112xi32, #tpu.memory_space<vmem>>
      %dma_wait3A_314 = tpu.memref_squeeze %dma_wait3A_313 : memref<1x1x1x112xi32, #tpu.memory_space<vmem>> -> memref<112xi32, #tpu.memory_space<vmem>>
      %dma_wait3A_315 = arith.constant 0 : i32
      %dma_wait3A_316 = arith.constant 0 : i32
      %dma_wait3A_317 = tpu.memref_slice %arg2[%dma_wait3A_315, %dma_wait3A_316] : memref<10000x128xf32, #tpu.memory_space<hbm>> -> memref<10000x128xf32, #tpu.memory_space<hbm>>
      tpu.wait_indirect_dma semaphore(%arg11 : memref<!tpu.dma_semaphore, #tpu.memory_space<semaphore_mem>>) src(%dma_wait3A_317 : memref<10000x128xf32, #tpu.memory_space<hbm>>) dst(%dma_wait3A_311 : memref<112x128xf32, #tpu.memory_space<vmem>>)
      %dma_start3A_318 = arith.constant 0 : i32
      %dma_start3A_319 = arith.constant 1 : i32
      %dma_start3A_320 = arith.constant 0 : i32
      %dma_start3A_321 = arith.constant 1 : i32
      %dma_start3A_322 = arith.constant 0 : i32
      %dma_start3A_323 = arith.constant 0 : i32
      %dma_start3A_324 = tpu.memref_slice %arg7[%dma_start3A_318, %dma_start3A_322, %dma_start3A_323] : memref<3x112x128xf32, #tpu.memory_space<vmem>> -> memref<1x112x128xf32, #tpu.memory_space<vmem>>
      %dma_start3A_325 = tpu.memref_squeeze %dma_start3A_324 : memref<1x112x128xf32, #tpu.memory_space<vmem>> -> memref<112x128xf32, #tpu.memory_space<vmem>>
      %dma_start3A_326 = arith.constant 0 : i32
      %dma_start3A_327 = tpu.memref_slice %arg6[%dma_start3A_319, %dma_start3A_320, %dma_start3A_321, %dma_start3A_326] : memref<2x3x2x112xi32, #tpu.memory_space<vmem>> -> memref<1x1x1x112xi32, #tpu.memory_space<vmem>>
      %dma_start3A_328 = tpu.memref_squeeze %dma_start3A_327 : memref<1x1x1x112xi32, #tpu.memory_space<vmem>> -> memref<112xi32, #tpu.memory_space<vmem>>
      %dma_start3A_329 = arith.constant 0 : i32
      %dma_start3A_330 = arith.constant 0 : i32
      %dma_start3A_331 = tpu.memref_slice %arg8[%dma_start3A_329, %dma_start3A_330] : memref<10112x128xf32, #tpu.memory_space<vmem_shared>> -> memref<10112x128xf32, #tpu.memory_space<vmem_shared>>
      tpu.enqueue_indirect_dma source(%dma_start3A_325 : memref<112x128xf32, #tpu.memory_space<vmem>>) target(%dma_start3A_331 : memref<10112x128xf32, #tpu.memory_space<vmem_shared>>) offsets(%dma_start3A_328 : memref<112xi32, #tpu.memory_space<vmem>>) semaphore(%arg14 : memref<!tpu.dma_semaphore, #tpu.memory_space<semaphore_mem>>) {add = true}
      %dma_wait3A_332 = arith.constant 1 : i32
      %dma_wait3A_333 = arith.constant 1 : i32
      %dma_wait3A_334 = arith.constant 0 : i32
      %dma_wait3A_335 = arith.constant 1 : i32
      %dma_wait3A_336 = arith.constant 0 : i32
      %dma_wait3A_337 = arith.constant 0 : i32
      %dma_wait3A_338 = tpu.memref_slice %arg7[%dma_wait3A_335, %dma_wait3A_336, %dma_wait3A_337] : memref<3x112x128xf32, #tpu.memory_space<vmem>> -> memref<1x112x128xf32, #tpu.memory_space<vmem>>
      %dma_wait3A_339 = tpu.memref_squeeze %dma_wait3A_338 : memref<1x112x128xf32, #tpu.memory_space<vmem>> -> memref<112x128xf32, #tpu.memory_space<vmem>>
      %dma_wait3A_340 = arith.constant 0 : i32
      %dma_wait3A_341 = tpu.memref_slice %arg6[%dma_wait3A_332, %dma_wait3A_333, %dma_wait3A_334, %dma_wait3A_340] : memref<2x3x2x112xi32, #tpu.memory_space<vmem>> -> memref<1x1x1x112xi32, #tpu.memory_space<vmem>>
      %dma_wait3A_342 = tpu.memref_squeeze %dma_wait3A_341 : memref<1x1x1x112xi32, #tpu.memory_space<vmem>> -> memref<112xi32, #tpu.memory_space<vmem>>
      %dma_wait3A_343 = arith.constant 0 : i32
      %dma_wait3A_344 = arith.constant 0 : i32
      %dma_wait3A_345 = tpu.memref_slice %arg2[%dma_wait3A_343, %dma_wait3A_344] : memref<10000x128xf32, #tpu.memory_space<hbm>> -> memref<10000x128xf32, #tpu.memory_space<hbm>>
      tpu.wait_indirect_dma semaphore(%arg12 : memref<!tpu.dma_semaphore, #tpu.memory_space<semaphore_mem>>) src(%dma_wait3A_345 : memref<10000x128xf32, #tpu.memory_space<hbm>>) dst(%dma_wait3A_339 : memref<112x128xf32, #tpu.memory_space<vmem>>)
      %dma_start3A_346 = arith.constant 1 : i32
      %dma_start3A_347 = arith.constant 1 : i32
      %dma_start3A_348 = arith.constant 1 : i32
      %dma_start3A_349 = arith.constant 1 : i32
      %dma_start3A_350 = arith.constant 0 : i32
      %dma_start3A_351 = arith.constant 0 : i32
      %dma_start3A_352 = tpu.memref_slice %arg7[%dma_start3A_346, %dma_start3A_350, %dma_start3A_351] : memref<3x112x128xf32, #tpu.memory_space<vmem>> -> memref<1x112x128xf32, #tpu.memory_space<vmem>>
      %dma_start3A_353 = tpu.memref_squeeze %dma_start3A_352 : memref<1x112x128xf32, #tpu.memory_space<vmem>> -> memref<112x128xf32, #tpu.memory_space<vmem>>
      %dma_start3A_354 = arith.constant 0 : i32
      %dma_start3A_355 = tpu.memref_slice %arg6[%dma_start3A_347, %dma_start3A_348, %dma_start3A_349, %dma_start3A_354] : memref<2x3x2x112xi32, #tpu.memory_space<vmem>> -> memref<1x1x1x112xi32, #tpu.memory_space<vmem>>
      %dma_start3A_356 = tpu.memref_squeeze %dma_start3A_355 : memref<1x1x1x112xi32, #tpu.memory_space<vmem>> -> memref<112xi32, #tpu.memory_space<vmem>>
      %dma_start3A_357 = arith.constant 0 : i32
      %dma_start3A_358 = arith.constant 0 : i32
      %dma_start3A_359 = tpu.memref_slice %arg8[%dma_start3A_357, %dma_start3A_358] : memref<10112x128xf32, #tpu.memory_space<vmem_shared>> -> memref<10112x128xf32, #tpu.memory_space<vmem_shared>>
      tpu.enqueue_indirect_dma source(%dma_start3A_353 : memref<112x128xf32, #tpu.memory_space<vmem>>) target(%dma_start3A_359 : memref<10112x128xf32, #tpu.memory_space<vmem_shared>>) offsets(%dma_start3A_356 : memref<112xi32, #tpu.memory_space<vmem>>) semaphore(%arg15 : memref<!tpu.dma_semaphore, #tpu.memory_space<semaphore_mem>>) {add = true}
      %dma_wait3A_360 = arith.constant 1 : i32
      %dma_wait3A_361 = arith.constant 2 : i32
      %dma_wait3A_362 = arith.constant 0 : i32
      %dma_wait3A_363 = arith.constant 2 : i32
      %dma_wait3A_364 = arith.constant 0 : i32
      %dma_wait3A_365 = arith.constant 0 : i32
      %dma_wait3A_366 = tpu.memref_slice %arg7[%dma_wait3A_363, %dma_wait3A_364, %dma_wait3A_365] : memref<3x112x128xf32, #tpu.memory_space<vmem>> -> memref<1x112x128xf32, #tpu.memory_space<vmem>>
      %dma_wait3A_367 = tpu.memref_squeeze %dma_wait3A_366 : memref<1x112x128xf32, #tpu.memory_space<vmem>> -> memref<112x128xf32, #tpu.memory_space<vmem>>
      %dma_wait3A_368 = arith.constant 0 : i32
      %dma_wait3A_369 = tpu.memref_slice %arg6[%dma_wait3A_360, %dma_wait3A_361, %dma_wait3A_362, %dma_wait3A_368] : memref<2x3x2x112xi32, #tpu.memory_space<vmem>> -> memref<1x1x1x112xi32, #tpu.memory_space<vmem>>
      %dma_wait3A_370 = tpu.memref_squeeze %dma_wait3A_369 : memref<1x1x1x112xi32, #tpu.memory_space<vmem>> -> memref<112xi32, #tpu.memory_space<vmem>>
      %dma_wait3A_371 = arith.constant 0 : i32
      %dma_wait3A_372 = arith.constant 0 : i32
      %dma_wait3A_373 = tpu.memref_slice %arg2[%dma_wait3A_371, %dma_wait3A_372] : memref<10000x128xf32, #tpu.memory_space<hbm>> -> memref<10000x128xf32, #tpu.memory_space<hbm>>
      tpu.wait_indirect_dma semaphore(%arg13 : memref<!tpu.dma_semaphore, #tpu.memory_space<semaphore_mem>>) src(%dma_wait3A_373 : memref<10000x128xf32, #tpu.memory_space<hbm>>) dst(%dma_wait3A_367 : memref<112x128xf32, #tpu.memory_space<vmem>>)
      %dma_start3A_374 = arith.constant 2 : i32
      %dma_start3A_375 = arith.constant 1 : i32
      %dma_start3A_376 = arith.constant 2 : i32
      %dma_start3A_377 = arith.constant 1 : i32
      %dma_start3A_378 = arith.constant 0 : i32
      %dma_start3A_379 = arith.constant 0 : i32
      %dma_start3A_380 = tpu.memref_slice %arg7[%dma_start3A_374, %dma_start3A_378, %dma_start3A_379] : memref<3x112x128xf32, #tpu.memory_space<vmem>> -> memref<1x112x128xf32, #tpu.memory_space<vmem>>
      %dma_start3A_381 = tpu.memref_squeeze %dma_start3A_380 : memref<1x112x128xf32, #tpu.memory_space<vmem>> -> memref<112x128xf32, #tpu.memory_space<vmem>>
      %dma_start3A_382 = arith.constant 0 : i32
      %dma_start3A_383 = tpu.memref_slice %arg6[%dma_start3A_375, %dma_start3A_376, %dma_start3A_377, %dma_start3A_382] : memref<2x3x2x112xi32, #tpu.memory_space<vmem>> -> memref<1x1x1x112xi32, #tpu.memory_space<vmem>>
      %dma_start3A_384 = tpu.memref_squeeze %dma_start3A_383 : memref<1x1x1x112xi32, #tpu.memory_space<vmem>> -> memref<112xi32, #tpu.memory_space<vmem>>
      %dma_start3A_385 = arith.constant 0 : i32
      %dma_start3A_386 = arith.constant 0 : i32
      %dma_start3A_387 = tpu.memref_slice %arg8[%dma_start3A_385, %dma_start3A_386] : memref<10112x128xf32, #tpu.memory_space<vmem_shared>> -> memref<10112x128xf32, #tpu.memory_space<vmem_shared>>
      tpu.enqueue_indirect_dma source(%dma_start3A_381 : memref<112x128xf32, #tpu.memory_space<vmem>>) target(%dma_start3A_387 : memref<10112x128xf32, #tpu.memory_space<vmem_shared>>) offsets(%dma_start3A_384 : memref<112xi32, #tpu.memory_space<vmem>>) semaphore(%arg16 : memref<!tpu.dma_semaphore, #tpu.memory_space<semaphore_mem>>) {add = true}
      %lt3A_388 = arith.constant 14 : i32
      %lt3A_389 = arith.cmpi slt, %scan3A_112, %lt3A_388 : i32
      %convert_element_type3A_390 = arith.extui %lt3A_389 : i1 to i32
      %cond3A_391 = arith.constant 0 : i32
      %cond3A_392 = arith.cmpi ne, %convert_element_type3A_390, %cond3A_391 : i32
      scf.if %cond3A_392 {
        %dma_wait3A_397 = arith.constant 0 : i32
        %dma_wait3A_398 = arith.constant 0 : i32
        %dma_wait3A_399 = arith.constant 0 : i32
        %dma_wait3A_400 = arith.constant 0 : i32
        %dma_wait3A_401 = tpu.memref_slice %arg6[%dma_wait3A_397, %dma_wait3A_398, %dma_wait3A_399, %dma_wait3A_400] : memref<2x3x2x112xi32, #tpu.memory_space<vmem>> -> memref<1x3x2x112xi32, #tpu.memory_space<vmem>>
        %dma_wait3A_402 = tpu.memref_squeeze %dma_wait3A_401 : memref<1x3x2x112xi32, #tpu.memory_space<vmem>> -> memref<3x2x112xi32, #tpu.memory_space<vmem>>
        %dma_wait3A_403 = arith.constant 0 : i32
        %dma_wait3A_404 = arith.constant 0 : i32
        %dma_wait3A_405 = arith.constant 0 : i32
        %dma_wait3A_406 = tpu.memref_slice %arg3[%add3A, %dma_wait3A_403, %dma_wait3A_404, %dma_wait3A_405] : memref<32x90x2x112xi32, #tpu.memory_space<hbm>> -> memref<1x3x2x112xi32, #tpu.memory_space<hbm>>
        %dma_wait3A_407 = tpu.memref_squeeze %dma_wait3A_406 : memref<1x3x2x112xi32, #tpu.memory_space<hbm>> -> memref<3x2x112xi32, #tpu.memory_space<hbm>>
        %dma_wait3A_408 = arith.constant 0 : i32
        %dma_wait3A_409 = arith.constant 0 : i32
        %dma_wait3A_410 = arith.constant 0 : i32
        %dma_wait3A_411 = tpu.memref_slice %arg6[%dma_wait3A_397, %dma_wait3A_408, %dma_wait3A_409, %dma_wait3A_410] : memref<2x3x2x112xi32, #tpu.memory_space<vmem>> -> memref<1x3x2x112xi32, #tpu.memory_space<vmem>>
        %dma_wait3A_412 = tpu.memref_squeeze %dma_wait3A_411 : memref<1x3x2x112xi32, #tpu.memory_space<vmem>> -> memref<3x2x112xi32, #tpu.memory_space<vmem>>
        %dma_wait3A_413 = arith.constant 0 : i32
        %dma_wait3A_414 = arith.constant 0 : i32
        %dma_wait3A_415 = arith.constant 0 : i32
        %dma_wait3A_416 = tpu.memref_slice %arg3[%add3A, %dma_wait3A_413, %dma_wait3A_414, %dma_wait3A_415] : memref<32x90x2x112xi32, #tpu.memory_space<hbm>> -> memref<1x3x2x112xi32, #tpu.memory_space<hbm>>
        %dma_wait3A_417 = tpu.memref_squeeze %dma_wait3A_416 : memref<1x3x2x112xi32, #tpu.memory_space<hbm>> -> memref<3x2x112xi32, #tpu.memory_space<hbm>>
        tpu.wait_dma2 semaphore(%arg9 : memref<!tpu.dma_semaphore, #tpu.memory_space<semaphore_mem>>) src(%dma_wait3A_417 : memref<3x2x112xi32, #tpu.memory_space<hbm>>) dst(%dma_wait3A_412 : memref<3x2x112xi32, #tpu.memory_space<vmem>>)
        %dma_wait3A_418 = arith.constant 0 : i32
        %dma_wait3A_419 = arith.constant 1 : i32
        %dma_wait3A_420 = arith.constant 0 : i32
        %dma_wait3A_421 = arith.constant 1 : i32
        %dma_wait3A_422 = arith.constant 0 : i32
        %dma_wait3A_423 = arith.constant 0 : i32
        %dma_wait3A_424 = tpu.memref_slice %arg7[%dma_wait3A_418, %dma_wait3A_422, %dma_wait3A_423] : memref<3x112x128xf32, #tpu.memory_space<vmem>> -> memref<1x112x128xf32, #tpu.memory_space<vmem>>
        %dma_wait3A_425 = tpu.memref_squeeze %dma_wait3A_424 : memref<1x112x128xf32, #tpu.memory_space<vmem>> -> memref<112x128xf32, #tpu.memory_space<vmem>>
        %dma_wait3A_426 = arith.constant 0 : i32
        %dma_wait3A_427 = tpu.memref_slice %arg6[%dma_wait3A_419, %dma_wait3A_420, %dma_wait3A_421, %dma_wait3A_426] : memref<2x3x2x112xi32, #tpu.memory_space<vmem>> -> memref<1x1x1x112xi32, #tpu.memory_space<vmem>>
        %dma_wait3A_428 = tpu.memref_squeeze %dma_wait3A_427 : memref<1x1x1x112xi32, #tpu.memory_space<vmem>> -> memref<112xi32, #tpu.memory_space<vmem>>
        %dma_wait3A_429 = arith.constant 0 : i32
        %dma_wait3A_430 = arith.constant 0 : i32
        %dma_wait3A_431 = tpu.memref_slice %arg8[%dma_wait3A_429, %dma_wait3A_430] : memref<10112x128xf32, #tpu.memory_space<vmem_shared>> -> memref<10112x128xf32, #tpu.memory_space<vmem_shared>>
        tpu.wait_indirect_dma semaphore(%arg14 : memref<!tpu.dma_semaphore, #tpu.memory_space<semaphore_mem>>) src(%dma_wait3A_425 : memref<112x128xf32, #tpu.memory_space<vmem>>) dst(%dma_wait3A_431 : memref<10112x128xf32, #tpu.memory_space<vmem_shared>>)
        %dma_start3A_432 = arith.constant 0 : i32
        %dma_start3A_433 = arith.constant 0 : i32
        %dma_start3A_434 = arith.constant 0 : i32
        %dma_start3A_435 = arith.constant 0 : i32
        %dma_start3A_436 = arith.constant 0 : i32
        %dma_start3A_437 = arith.constant 0 : i32
        %dma_start3A_438 = tpu.memref_slice %arg7[%dma_start3A_435, %dma_start3A_436, %dma_start3A_437] : memref<3x112x128xf32, #tpu.memory_space<vmem>> -> memref<1x112x128xf32, #tpu.memory_space<vmem>>
        %dma_start3A_439 = tpu.memref_squeeze %dma_start3A_438 : memref<1x112x128xf32, #tpu.memory_space<vmem>> -> memref<112x128xf32, #tpu.memory_space<vmem>>
        %dma_start3A_440 = arith.constant 0 : i32
        %dma_start3A_441 = tpu.memref_slice %arg6[%dma_start3A_432, %dma_start3A_433, %dma_start3A_434, %dma_start3A_440] : memref<2x3x2x112xi32, #tpu.memory_space<vmem>> -> memref<1x1x1x112xi32, #tpu.memory_space<vmem>>
        %dma_start3A_442 = tpu.memref_squeeze %dma_start3A_441 : memref<1x1x1x112xi32, #tpu.memory_space<vmem>> -> memref<112xi32, #tpu.memory_space<vmem>>
        %dma_start3A_443 = arith.constant 0 : i32
        %dma_start3A_444 = arith.constant 0 : i32
        %dma_start3A_445 = tpu.memref_slice %arg2[%dma_start3A_443, %dma_start3A_444] : memref<10000x128xf32, #tpu.memory_space<hbm>> -> memref<10000x128xf32, #tpu.memory_space<hbm>>
        tpu.enqueue_indirect_dma source(%dma_start3A_445 : memref<10000x128xf32, #tpu.memory_space<hbm>>) target(%dma_start3A_439 : memref<112x128xf32, #tpu.memory_space<vmem>>) offsets(%dma_start3A_442 : memref<112xi32, #tpu.memory_space<vmem>>) semaphore(%arg11 : memref<!tpu.dma_semaphore, #tpu.memory_space<semaphore_mem>>)
        %dma_wait3A_446 = arith.constant 1 : i32
        %dma_wait3A_447 = arith.constant 1 : i32
        %dma_wait3A_448 = arith.constant 1 : i32
        %dma_wait3A_449 = arith.constant 1 : i32
        %dma_wait3A_450 = arith.constant 0 : i32
        %dma_wait3A_451 = arith.constant 0 : i32
        %dma_wait3A_452 = tpu.memref_slice %arg7[%dma_wait3A_446, %dma_wait3A_450, %dma_wait3A_451] : memref<3x112x128xf32, #tpu.memory_space<vmem>> -> memref<1x112x128xf32, #tpu.memory_space<vmem>>
        %dma_wait3A_453 = tpu.memref_squeeze %dma_wait3A_452 : memref<1x112x128xf32, #tpu.memory_space<vmem>> -> memref<112x128xf32, #tpu.memory_space<vmem>>
        %dma_wait3A_454 = arith.constant 0 : i32
        %dma_wait3A_455 = tpu.memref_slice %arg6[%dma_wait3A_447, %dma_wait3A_448, %dma_wait3A_449, %dma_wait3A_454] : memref<2x3x2x112xi32, #tpu.memory_space<vmem>> -> memref<1x1x1x112xi32, #tpu.memory_space<vmem>>
        %dma_wait3A_456 = tpu.memref_squeeze %dma_wait3A_455 : memref<1x1x1x112xi32, #tpu.memory_space<vmem>> -> memref<112xi32, #tpu.memory_space<vmem>>
        %dma_wait3A_457 = arith.constant 0 : i32
        %dma_wait3A_458 = arith.constant 0 : i32
        %dma_wait3A_459 = tpu.memref_slice %arg8[%dma_wait3A_457, %dma_wait3A_458] : memref<10112x128xf32, #tpu.memory_space<vmem_shared>> -> memref<10112x128xf32, #tpu.memory_space<vmem_shared>>
        tpu.wait_indirect_dma semaphore(%arg15 : memref<!tpu.dma_semaphore, #tpu.memory_space<semaphore_mem>>) src(%dma_wait3A_453 : memref<112x128xf32, #tpu.memory_space<vmem>>) dst(%dma_wait3A_459 : memref<10112x128xf32, #tpu.memory_space<vmem_shared>>)
        %dma_start3A_460 = arith.constant 0 : i32
        %dma_start3A_461 = arith.constant 1 : i32
        %dma_start3A_462 = arith.constant 0 : i32
        %dma_start3A_463 = arith.constant 1 : i32
        %dma_start3A_464 = arith.constant 0 : i32
        %dma_start3A_465 = arith.constant 0 : i32
        %dma_start3A_466 = tpu.memref_slice %arg7[%dma_start3A_463, %dma_start3A_464, %dma_start3A_465] : memref<3x112x128xf32, #tpu.memory_space<vmem>> -> memref<1x112x128xf32, #tpu.memory_space<vmem>>
        %dma_start3A_467 = tpu.memref_squeeze %dma_start3A_466 : memref<1x112x128xf32, #tpu.memory_space<vmem>> -> memref<112x128xf32, #tpu.memory_space<vmem>>
        %dma_start3A_468 = arith.constant 0 : i32
        %dma_start3A_469 = tpu.memref_slice %arg6[%dma_start3A_460, %dma_start3A_461, %dma_start3A_462, %dma_start3A_468] : memref<2x3x2x112xi32, #tpu.memory_space<vmem>> -> memref<1x1x1x112xi32, #tpu.memory_space<vmem>>
        %dma_start3A_470 = tpu.memref_squeeze %dma_start3A_469 : memref<1x1x1x112xi32, #tpu.memory_space<vmem>> -> memref<112xi32, #tpu.memory_space<vmem>>
        %dma_start3A_471 = arith.constant 0 : i32
        %dma_start3A_472 = arith.constant 0 : i32
        %dma_start3A_473 = tpu.memref_slice %arg2[%dma_start3A_471, %dma_start3A_472] : memref<10000x128xf32, #tpu.memory_space<hbm>> -> memref<10000x128xf32, #tpu.memory_space<hbm>>
        tpu.enqueue_indirect_dma source(%dma_start3A_473 : memref<10000x128xf32, #tpu.memory_space<hbm>>) target(%dma_start3A_467 : memref<112x128xf32, #tpu.memory_space<vmem>>) offsets(%dma_start3A_470 : memref<112xi32, #tpu.memory_space<vmem>>) semaphore(%arg12 : memref<!tpu.dma_semaphore, #tpu.memory_space<semaphore_mem>>)
        %dma_wait3A_474 = arith.constant 2 : i32
        %dma_wait3A_475 = arith.constant 1 : i32
        %dma_wait3A_476 = arith.constant 2 : i32
        %dma_wait3A_477 = arith.constant 1 : i32
        %dma_wait3A_478 = arith.constant 0 : i32
        %dma_wait3A_479 = arith.constant 0 : i32
        %dma_wait3A_480 = tpu.memref_slice %arg7[%dma_wait3A_474, %dma_wait3A_478, %dma_wait3A_479] : memref<3x112x128xf32, #tpu.memory_space<vmem>> -> memref<1x112x128xf32, #tpu.memory_space<vmem>>
        %dma_wait3A_481 = tpu.memref_squeeze %dma_wait3A_480 : memref<1x112x128xf32, #tpu.memory_space<vmem>> -> memref<112x128xf32, #tpu.memory_space<vmem>>
        %dma_wait3A_482 = arith.constant 0 : i32
        %dma_wait3A_483 = tpu.memref_slice %arg6[%dma_wait3A_475, %dma_wait3A_476, %dma_wait3A_477, %dma_wait3A_482] : memref<2x3x2x112xi32, #tpu.memory_space<vmem>> -> memref<1x1x1x112xi32, #tpu.memory_space<vmem>>
        %dma_wait3A_484 = tpu.memref_squeeze %dma_wait3A_483 : memref<1x1x1x112xi32, #tpu.memory_space<vmem>> -> memref<112xi32, #tpu.memory_space<vmem>>
        %dma_wait3A_485 = arith.constant 0 : i32
        %dma_wait3A_486 = arith.constant 0 : i32
        %dma_wait3A_487 = tpu.memref_slice %arg8[%dma_wait3A_485, %dma_wait3A_486] : memref<10112x128xf32, #tpu.memory_space<vmem_shared>> -> memref<10112x128xf32, #tpu.memory_space<vmem_shared>>
        tpu.wait_indirect_dma semaphore(%arg16 : memref<!tpu.dma_semaphore, #tpu.memory_space<semaphore_mem>>) src(%dma_wait3A_481 : memref<112x128xf32, #tpu.memory_space<vmem>>) dst(%dma_wait3A_487 : memref<10112x128xf32, #tpu.memory_space<vmem_shared>>)
        %dma_start3A_488 = arith.constant 0 : i32
        %dma_start3A_489 = arith.constant 2 : i32
        %dma_start3A_490 = arith.constant 0 : i32
        %dma_start3A_491 = arith.constant 2 : i32
        %dma_start3A_492 = arith.constant 0 : i32
        %dma_start3A_493 = arith.constant 0 : i32
        %dma_start3A_494 = tpu.memref_slice %arg7[%dma_start3A_491, %dma_start3A_492, %dma_start3A_493] : memref<3x112x128xf32, #tpu.memory_space<vmem>> -> memref<1x112x128xf32, #tpu.memory_space<vmem>>
        %dma_start3A_495 = tpu.memref_squeeze %dma_start3A_494 : memref<1x112x128xf32, #tpu.memory_space<vmem>> -> memref<112x128xf32, #tpu.memory_space<vmem>>
        %dma_start3A_496 = arith.constant 0 : i32
        %dma_start3A_497 = tpu.memref_slice %arg6[%dma_start3A_488, %dma_start3A_489, %dma_start3A_490, %dma_start3A_496] : memref<2x3x2x112xi32, #tpu.memory_space<vmem>> -> memref<1x1x1x112xi32, #tpu.memory_space<vmem>>
        %dma_start3A_498 = tpu.memref_squeeze %dma_start3A_497 : memref<1x1x1x112xi32, #tpu.memory_space<vmem>> -> memref<112xi32, #tpu.memory_space<vmem>>
        %dma_start3A_499 = arith.constant 0 : i32
        %dma_start3A_500 = arith.constant 0 : i32
        %dma_start3A_501 = tpu.memref_slice %arg2[%dma_start3A_499, %dma_start3A_500] : memref<10000x128xf32, #tpu.memory_space<hbm>> -> memref<10000x128xf32, #tpu.memory_space<hbm>>
        tpu.enqueue_indirect_dma source(%dma_start3A_501 : memref<10000x128xf32, #tpu.memory_space<hbm>>) target(%dma_start3A_495 : memref<112x128xf32, #tpu.memory_space<vmem>>) offsets(%dma_start3A_498 : memref<112xi32, #tpu.memory_space<vmem>>) semaphore(%arg13 : memref<!tpu.dma_semaphore, #tpu.memory_space<semaphore_mem>>)
        %mul3A_502 = arith.constant 2 : i32
        %mul3A_503 = arith.muli %mul3A_502, %scan3A_112 : i32
        %add3A_504 = arith.constant 3 : i32
        %add3A_505 = arith.addi %mul3A_503, %add3A_504 : i32
        %mul3A_506 = arith.constant 3 : i32
        %mul3A_507 = arith.muli %add3A_505, %mul3A_506 : i32
        %dma_start3A_508 = arith.constant 1 : i32
        %dma_start3A_509 = arith.constant 0 : i32
        %dma_start3A_510 = arith.constant 0 : i32
        %dma_start3A_511 = arith.constant 0 : i32
        %dma_start3A_512 = tpu.memref_slice %arg6[%dma_start3A_508, %dma_start3A_509, %dma_start3A_510, %dma_start3A_511] : memref<2x3x2x112xi32, #tpu.memory_space<vmem>> -> memref<1x3x2x112xi32, #tpu.memory_space<vmem>>
        %dma_start3A_513 = tpu.memref_squeeze %dma_start3A_512 : memref<1x3x2x112xi32, #tpu.memory_space<vmem>> -> memref<3x2x112xi32, #tpu.memory_space<vmem>>
        %dma_start3A_514 = arith.constant 0 : i32
        %dma_start3A_515 = arith.constant 0 : i32
        %dma_start3A_516 = tpu.memref_slice %arg3[%add3A, %mul3A_507, %dma_start3A_514, %dma_start3A_515] : memref<32x90x2x112xi32, #tpu.memory_space<hbm>> -> memref<1x3x2x112xi32, #tpu.memory_space<hbm>>
        %dma_start3A_517 = tpu.memref_squeeze %dma_start3A_516 : memref<1x3x2x112xi32, #tpu.memory_space<hbm>> -> memref<3x2x112xi32, #tpu.memory_space<hbm>>
        %dma_start3A_518 = arith.constant 0 : i32
        %dma_start3A_519 = arith.constant 0 : i32
        %dma_start3A_520 = arith.constant 0 : i32
        %dma_start3A_521 = tpu.memref_slice %arg6[%dma_start3A_508, %dma_start3A_518, %dma_start3A_519, %dma_start3A_520] : memref<2x3x2x112xi32, #tpu.memory_space<vmem>> -> memref<1x3x2x112xi32, #tpu.memory_space<vmem>>
        %dma_start3A_522 = tpu.memref_squeeze %dma_start3A_521 : memref<1x3x2x112xi32, #tpu.memory_space<vmem>> -> memref<3x2x112xi32, #tpu.memory_space<vmem>>
        %dma_start3A_523 = arith.constant 0 : i32
        %dma_start3A_524 = arith.constant 0 : i32
        %dma_start3A_525 = tpu.memref_slice %arg3[%add3A, %mul3A_507, %dma_start3A_523, %dma_start3A_524] : memref<32x90x2x112xi32, #tpu.memory_space<hbm>> -> memref<1x3x2x112xi32, #tpu.memory_space<hbm>>
        %dma_start3A_526 = tpu.memref_squeeze %dma_start3A_525 : memref<1x3x2x112xi32, #tpu.memory_space<hbm>> -> memref<3x2x112xi32, #tpu.memory_space<hbm>>
        tpu.enqueue_dma source(%dma_start3A_526 : memref<3x2x112xi32, #tpu.memory_space<hbm>>) target(%dma_start3A_522 : memref<3x2x112xi32, #tpu.memory_space<vmem>>) target_semaphore(%arg10 : memref<!tpu.dma_semaphore, #tpu.memory_space<semaphore_mem>>)
      } else {
      }
      %eq3A = arith.constant 14 : i32
      %eq3A_393 = arith.cmpi eq, %scan3A_112, %eq3A : i32
      %convert_element_type3A_394 = arith.extui %eq3A_393 : i1 to i32
      %cond3A_395 = arith.constant 0 : i32
      %cond3A_396 = arith.cmpi ne, %convert_element_type3A_394, %cond3A_395 : i32
      scf.if %cond3A_396 {
        %dma_wait3A_397 = arith.constant 0 : i32
        %dma_wait3A_398 = arith.constant 1 : i32
        %dma_wait3A_399 = arith.constant 0 : i32
        %dma_wait3A_400 = arith.constant 1 : i32
        %dma_wait3A_401 = arith.constant 0 : i32
        %dma_wait3A_402 = arith.constant 0 : i32
        %dma_wait3A_403 = tpu.memref_slice %arg7[%dma_wait3A_397, %dma_wait3A_401, %dma_wait3A_402] : memref<3x112x128xf32, #tpu.memory_space<vmem>> -> memref<1x112x128xf32, #tpu.memory_space<vmem>>
        %dma_wait3A_404 = tpu.memref_squeeze %dma_wait3A_403 : memref<1x112x128xf32, #tpu.memory_space<vmem>> -> memref<112x128xf32, #tpu.memory_space<vmem>>
        %dma_wait3A_405 = arith.constant 0 : i32
        %dma_wait3A_406 = tpu.memref_slice %arg6[%dma_wait3A_398, %dma_wait3A_399, %dma_wait3A_400, %dma_wait3A_405] : memref<2x3x2x112xi32, #tpu.memory_space<vmem>> -> memref<1x1x1x112xi32, #tpu.memory_space<vmem>>
        %dma_wait3A_407 = tpu.memref_squeeze %dma_wait3A_406 : memref<1x1x1x112xi32, #tpu.memory_space<vmem>> -> memref<112xi32, #tpu.memory_space<vmem>>
        %dma_wait3A_408 = arith.constant 0 : i32
        %dma_wait3A_409 = arith.constant 0 : i32
        %dma_wait3A_410 = tpu.memref_slice %arg8[%dma_wait3A_408, %dma_wait3A_409] : memref<10112x128xf32, #tpu.memory_space<vmem_shared>> -> memref<10112x128xf32, #tpu.memory_space<vmem_shared>>
        tpu.wait_indirect_dma semaphore(%arg14 : memref<!tpu.dma_semaphore, #tpu.memory_space<semaphore_mem>>) src(%dma_wait3A_404 : memref<112x128xf32, #tpu.memory_space<vmem>>) dst(%dma_wait3A_410 : memref<10112x128xf32, #tpu.memory_space<vmem_shared>>)
        %dma_wait3A_411 = arith.constant 1 : i32
        %dma_wait3A_412 = arith.constant 1 : i32
        %dma_wait3A_413 = arith.constant 1 : i32
        %dma_wait3A_414 = arith.constant 1 : i32
        %dma_wait3A_415 = arith.constant 0 : i32
        %dma_wait3A_416 = arith.constant 0 : i32
        %dma_wait3A_417 = tpu.memref_slice %arg7[%dma_wait3A_411, %dma_wait3A_415, %dma_wait3A_416] : memref<3x112x128xf32, #tpu.memory_space<vmem>> -> memref<1x112x128xf32, #tpu.memory_space<vmem>>
        %dma_wait3A_418 = tpu.memref_squeeze %dma_wait3A_417 : memref<1x112x128xf32, #tpu.memory_space<vmem>> -> memref<112x128xf32, #tpu.memory_space<vmem>>
        %dma_wait3A_419 = arith.constant 0 : i32
        %dma_wait3A_420 = tpu.memref_slice %arg6[%dma_wait3A_412, %dma_wait3A_413, %dma_wait3A_414, %dma_wait3A_419] : memref<2x3x2x112xi32, #tpu.memory_space<vmem>> -> memref<1x1x1x112xi32, #tpu.memory_space<vmem>>
        %dma_wait3A_421 = tpu.memref_squeeze %dma_wait3A_420 : memref<1x1x1x112xi32, #tpu.memory_space<vmem>> -> memref<112xi32, #tpu.memory_space<vmem>>
        %dma_wait3A_422 = arith.constant 0 : i32
        %dma_wait3A_423 = arith.constant 0 : i32
        %dma_wait3A_424 = tpu.memref_slice %arg8[%dma_wait3A_422, %dma_wait3A_423] : memref<10112x128xf32, #tpu.memory_space<vmem_shared>> -> memref<10112x128xf32, #tpu.memory_space<vmem_shared>>
        tpu.wait_indirect_dma semaphore(%arg15 : memref<!tpu.dma_semaphore, #tpu.memory_space<semaphore_mem>>) src(%dma_wait3A_418 : memref<112x128xf32, #tpu.memory_space<vmem>>) dst(%dma_wait3A_424 : memref<10112x128xf32, #tpu.memory_space<vmem_shared>>)
        %dma_wait3A_425 = arith.constant 2 : i32
        %dma_wait3A_426 = arith.constant 1 : i32
        %dma_wait3A_427 = arith.constant 2 : i32
        %dma_wait3A_428 = arith.constant 1 : i32
        %dma_wait3A_429 = arith.constant 0 : i32
        %dma_wait3A_430 = arith.constant 0 : i32
        %dma_wait3A_431 = tpu.memref_slice %arg7[%dma_wait3A_425, %dma_wait3A_429, %dma_wait3A_430] : memref<3x112x128xf32, #tpu.memory_space<vmem>> -> memref<1x112x128xf32, #tpu.memory_space<vmem>>
        %dma_wait3A_432 = tpu.memref_squeeze %dma_wait3A_431 : memref<1x112x128xf32, #tpu.memory_space<vmem>> -> memref<112x128xf32, #tpu.memory_space<vmem>>
        %dma_wait3A_433 = arith.constant 0 : i32
        %dma_wait3A_434 = tpu.memref_slice %arg6[%dma_wait3A_426, %dma_wait3A_427, %dma_wait3A_428, %dma_wait3A_433] : memref<2x3x2x112xi32, #tpu.memory_space<vmem>> -> memref<1x1x1x112xi32, #tpu.memory_space<vmem>>
        %dma_wait3A_435 = tpu.memref_squeeze %dma_wait3A_434 : memref<1x1x1x112xi32, #tpu.memory_space<vmem>> -> memref<112xi32, #tpu.memory_space<vmem>>
        %dma_wait3A_436 = arith.constant 0 : i32
        %dma_wait3A_437 = arith.constant 0 : i32
        %dma_wait3A_438 = tpu.memref_slice %arg8[%dma_wait3A_436, %dma_wait3A_437] : memref<10112x128xf32, #tpu.memory_space<vmem_shared>> -> memref<10112x128xf32, #tpu.memory_space<vmem_shared>>
        tpu.wait_indirect_dma semaphore(%arg16 : memref<!tpu.dma_semaphore, #tpu.memory_space<semaphore_mem>>) src(%dma_wait3A_432 : memref<112x128xf32, #tpu.memory_space<vmem>>) dst(%dma_wait3A_438 : memref<10112x128xf32, #tpu.memory_space<vmem_shared>>)
      } else {
      }
    }
    %scan3A_110 = arith.constant 15 : i32
    %barrier3A_111 = arith.constant 0 : index
    tpu.barrier barrier_id(%barrier3A_111)
    "tpu.region"() ({
      %run_scoped3A = tpu.sem_alloc : memref<!tpu.dma_semaphore, #tpu.memory_space<semaphore_mem>>
      %dma_start3A_112 = arith.constant 0 : i32
      %dma_start3A_113 = tpu.memref_slice %arg5[%arg0, %mul3A_2, %dma_start3A_112] : memref<2x10112x128xf32, #tpu.memory_space<hbm>> -> memref<1x632x128xf32, #tpu.memory_space<hbm>>
      %dma_start3A_114 = tpu.memref_squeeze %dma_start3A_113 : memref<1x632x128xf32, #tpu.memory_space<hbm>> -> memref<632x128xf32, #tpu.memory_space<hbm>>
      %dma_start3A_115 = arith.constant 0 : i32
      %dma_start3A_116 = tpu.memref_slice %arg8[%mul3A_2, %dma_start3A_115] : memref<10112x128xf32, #tpu.memory_space<vmem_shared>> -> memref<632x128xf32, #tpu.memory_space<vmem_shared>>
      tpu.enqueue_dma source(%dma_start3A_116 : memref<632x128xf32, #tpu.memory_space<vmem_shared>>) target(%dma_start3A_114 : memref<632x128xf32, #tpu.memory_space<hbm>>) target_semaphore(%run_scoped3A : memref<!tpu.dma_semaphore, #tpu.memory_space<semaphore_mem>>)
      %dma_wait3A_117 = arith.constant 0 : i32
      %dma_wait3A_118 = tpu.memref_slice %arg5[%arg0, %mul3A_2, %dma_wait3A_117] : memref<2x10112x128xf32, #tpu.memory_space<hbm>> -> memref<1x632x128xf32, #tpu.memory_space<hbm>>
      %dma_wait3A_119 = tpu.memref_squeeze %dma_wait3A_118 : memref<1x632x128xf32, #tpu.memory_space<hbm>> -> memref<632x128xf32, #tpu.memory_space<hbm>>
      %dma_wait3A_120 = arith.constant 0 : i32
      %dma_wait3A_121 = tpu.memref_slice %arg8[%mul3A_2, %dma_wait3A_120] : memref<10112x128xf32, #tpu.memory_space<vmem_shared>> -> memref<632x128xf32, #tpu.memory_space<vmem_shared>>
      tpu.wait_dma2 semaphore(%run_scoped3A : memref<!tpu.dma_semaphore, #tpu.memory_space<semaphore_mem>>) src(%dma_wait3A_121 : memref<632x128xf32, #tpu.memory_space<vmem_shared>>) dst(%dma_wait3A_119 : memref<632x128xf32, #tpu.memory_space<hbm>>)
      tpu.yield
    }) : () -> ()
    return
  }
}

#map = affine_map<(d0, d1) -> (0, 0)>
#map1 = affine_map<(d0, d1) -> (0, 0, 0, 0)>
#map2 = affine_map<(d0, d1) -> (0, 0, 0)>
module attributes {stable_mosaic.version = 14 : i64} {
  func.func @_sc_aggregate(%arg0: i32, %arg1: i32, %arg2: memref<10000x128xf32, #tpu.memory_space<hbm>>, %arg3: memref<32x90x2x112xi32, #tpu.memory_space<hbm>>, %arg4: memref<10112x128xf32, #tpu.memory_space<hbm>>, %arg5: memref<2x10112x128xf32, #tpu.memory_space<hbm>>, %arg6: memref<2x3x2x112xi32, #tpu.memory_space<vmem>>, %arg7: memref<3x112x128xf32, #tpu.memory_space<vmem>>, %arg8: memref<10112x128xf32, #tpu.memory_space<vmem_shared>>, %arg9: memref<!tpu.dma_semaphore, #tpu.memory_space<semaphore_mem>>, %arg10: memref<!tpu.dma_semaphore, #tpu.memory_space<semaphore_mem>>, %arg11: memref<!tpu.dma_semaphore, #tpu.memory_space<semaphore_mem>>, %arg12: memref<!tpu.dma_semaphore, #tpu.memory_space<semaphore_mem>>, %arg13: memref<!tpu.dma_semaphore, #tpu.memory_space<semaphore_mem>>, %arg14: memref<!tpu.dma_semaphore, #tpu.memory_space<semaphore_mem>>, %arg15: memref<!tpu.dma_semaphore, #tpu.memory_space<semaphore_mem>>, %arg16: memref<!tpu.dma_semaphore, #tpu.memory_space<semaphore_mem>>) attributes {dimension_semantics = [#tpu.dimension_semantics<core_parallel>, #tpu.dimension_semantics<subcore_parallel>], iteration_bounds = array<i64: 2, 16>, scalar_prefetch = 0 : i64, scratch_operands = 11 : i64, tpu.core_type = #tpu.core_type<sc_vector_subcore>, window_params = [{transform_indices = #map}, {transform_indices = #map1}, {transform_indices = #map}, {transform_indices = #map2}]} {
    %mul3A = arith.constant 2 : i32
    %mul3A_0 = arith.muli %arg1, %mul3A : i32
    %add3A = arith.addi %mul3A_0, %arg0 : i32
    %mul3A_1 = arith.constant 632 : i32
    %mul3A_2 = arith.muli %arg1, %mul3A_1 : i32
    "tpu.region"() ({
      %run_scoped3A = tpu.sem_alloc : memref<!tpu.dma_semaphore, #tpu.memory_space<semaphore_mem>>
      %dma_start3A_112 = arith.constant 0 : i32
      %dma_start3A_113 = tpu.memref_slice %arg8[%mul3A_2, %dma_start3A_112] : memref<10112x128xf32, #tpu.memory_space<vmem_shared>> -> memref<632x128xf32, #tpu.memory_space<vmem_shared>>
      %dma_start3A_114 = arith.constant 0 : i32
      %dma_start3A_115 = tpu.memref_slice %arg4[%mul3A_2, %dma_start3A_114] : memref<10112x128xf32, #tpu.memory_space<hbm>> -> memref<632x128xf32, #tpu.memory_space<hbm>>
      tpu.enqueue_dma source(%dma_start3A_115 : memref<632x128xf32, #tpu.memory_space<hbm>>) target(%dma_start3A_113 : memref<632x128xf32, #tpu.memory_space<vmem_shared>>) target_semaphore(%run_scoped3A : memref<!tpu.dma_semaphore, #tpu.memory_space<semaphore_mem>>)
      %dma_wait3A_116 = arith.constant 0 : i32
      %dma_wait3A_117 = tpu.memref_slice %arg8[%mul3A_2, %dma_wait3A_116] : memref<10112x128xf32, #tpu.memory_space<vmem_shared>> -> memref<632x128xf32, #tpu.memory_space<vmem_shared>>
      %dma_wait3A_118 = arith.constant 0 : i32
      %dma_wait3A_119 = tpu.memref_slice %arg4[%mul3A_2, %dma_wait3A_118] : memref<10112x128xf32, #tpu.memory_space<hbm>> -> memref<632x128xf32, #tpu.memory_space<hbm>>
      tpu.wait_dma2 semaphore(%run_scoped3A : memref<!tpu.dma_semaphore, #tpu.memory_space<semaphore_mem>>) src(%dma_wait3A_119 : memref<632x128xf32, #tpu.memory_space<hbm>>) dst(%dma_wait3A_117 : memref<632x128xf32, #tpu.memory_space<vmem_shared>>)
      tpu.yield
    }) : () -> ()
    %barrier3A = arith.constant 0 : index
    tpu.barrier barrier_id(%barrier3A)
    %dma_start3A = arith.constant 0 : i32
    %dma_start3A_3 = arith.constant 0 : i32
    %dma_start3A_4 = arith.constant 0 : i32
    %dma_start3A_5 = arith.constant 0 : i32
    %dma_start3A_6 = tpu.memref_slice %arg6[%dma_start3A, %dma_start3A_3, %dma_start3A_4, %dma_start3A_5] : memref<2x3x2x112xi32, #tpu.memory_space<vmem>> -> memref<1x3x2x112xi32, #tpu.memory_space<vmem>>
    %dma_start3A_7 = tpu.memref_squeeze %dma_start3A_6 : memref<1x3x2x112xi32, #tpu.memory_space<vmem>> -> memref<3x2x112xi32, #tpu.memory_space<vmem>>
    %dma_start3A_8 = arith.constant 0 : i32
    %dma_start3A_9 = arith.constant 0 : i32
    %dma_start3A_10 = arith.constant 0 : i32
    %dma_start3A_11 = tpu.memref_slice %arg3[%add3A, %dma_start3A_8, %dma_start3A_9, %dma_start3A_10] : memref<32x90x2x112xi32, #tpu.memory_space<hbm>> -> memref<1x3x2x112xi32, #tpu.memory_space<hbm>>
    %dma_start3A_12 = tpu.memref_squeeze %dma_start3A_11 : memref<1x3x2x112xi32, #tpu.memory_space<hbm>> -> memref<3x2x112xi32, #tpu.memory_space<hbm>>
    %dma_start3A_13 = arith.constant 0 : i32
    %dma_start3A_14 = arith.constant 0 : i32
    %dma_start3A_15 = arith.constant 0 : i32
    %dma_start3A_16 = tpu.memref_slice %arg6[%dma_start3A, %dma_start3A_13, %dma_start3A_14, %dma_start3A_15] : memref<2x3x2x112xi32, #tpu.memory_space<vmem>> -> memref<1x3x2x112xi32, #tpu.memory_space<vmem>>
    %dma_start3A_17 = tpu.memref_squeeze %dma_start3A_16 : memref<1x3x2x112xi32, #tpu.memory_space<vmem>> -> memref<3x2x112xi32, #tpu.memory_space<vmem>>
    %dma_start3A_18 = arith.constant 0 : i32
    %dma_start3A_19 = arith.constant 0 : i32
    %dma_start3A_20 = arith.constant 0 : i32
    %dma_start3A_21 = tpu.memref_slice %arg3[%add3A, %dma_start3A_18, %dma_start3A_19, %dma_start3A_20] : memref<32x90x2x112xi32, #tpu.memory_space<hbm>> -> memref<1x3x2x112xi32, #tpu.memory_space<hbm>>
    %dma_start3A_22 = tpu.memref_squeeze %dma_start3A_21 : memref<1x3x2x112xi32, #tpu.memory_space<hbm>> -> memref<3x2x112xi32, #tpu.memory_space<hbm>>
    tpu.enqueue_dma source(%dma_start3A_22 : memref<3x2x112xi32, #tpu.memory_space<hbm>>) target(%dma_start3A_17 : memref<3x2x112xi32, #tpu.memory_space<vmem>>) target_semaphore(%arg9 : memref<!tpu.dma_semaphore, #tpu.memory_space<semaphore_mem>>)
    %dma_start3A_23 = arith.constant 1 : i32
    %dma_start3A_24 = arith.constant 0 : i32
    %dma_start3A_25 = arith.constant 0 : i32
    %dma_start3A_26 = arith.constant 0 : i32
    %dma_start3A_27 = tpu.memref_slice %arg6[%dma_start3A_23, %dma_start3A_24, %dma_start3A_25, %dma_start3A_26] : memref<2x3x2x112xi32, #tpu.memory_space<vmem>> -> memref<1x3x2x112xi32, #tpu.memory_space<vmem>>
    %dma_start3A_28 = tpu.memref_squeeze %dma_start3A_27 : memref<1x3x2x112xi32, #tpu.memory_space<vmem>> -> memref<3x2x112xi32, #tpu.memory_space<vmem>>
    %dma_start3A_29 = arith.constant 3 : i32
    %dma_start3A_30 = arith.constant 0 : i32
    %dma_start3A_31 = arith.constant 0 : i32
    %dma_start3A_32 = tpu.memref_slice %arg3[%add3A, %dma_start3A_29, %dma_start3A_30, %dma_start3A_31] : memref<32x90x2x112xi32, #tpu.memory_space<hbm>> -> memref<1x3x2x112xi32, #tpu.memory_space<hbm>>
    %dma_start3A_33 = tpu.memref_squeeze %dma_start3A_32 : memref<1x3x2x112xi32, #tpu.memory_space<hbm>> -> memref<3x2x112xi32, #tpu.memory_space<hbm>>
    %dma_start3A_34 = arith.constant 0 : i32
    %dma_start3A_35 = arith.constant 0 : i32
    %dma_start3A_36 = arith.constant 0 : i32
    %dma_start3A_37 = tpu.memref_slice %arg6[%dma_start3A_23, %dma_start3A_34, %dma_start3A_35, %dma_start3A_36] : memref<2x3x2x112xi32, #tpu.memory_space<vmem>> -> memref<1x3x2x112xi32, #tpu.memory_space<vmem>>
    %dma_start3A_38 = tpu.memref_squeeze %dma_start3A_37 : memref<1x3x2x112xi32, #tpu.memory_space<vmem>> -> memref<3x2x112xi32, #tpu.memory_space<vmem>>
    %dma_start3A_39 = arith.constant 3 : i32
    %dma_start3A_40 = arith.constant 0 : i32
    %dma_start3A_41 = arith.constant 0 : i32
    %dma_start3A_42 = tpu.memref_slice %arg3[%add3A, %dma_start3A_39, %dma_start3A_40, %dma_start3A_41] : memref<32x90x2x112xi32, #tpu.memory_space<hbm>> -> memref<1x3x2x112xi32, #tpu.memory_space<hbm>>
    %dma_start3A_43 = tpu.memref_squeeze %dma_start3A_42 : memref<1x3x2x112xi32, #tpu.memory_space<hbm>> -> memref<3x2x112xi32, #tpu.memory_space<hbm>>
    tpu.enqueue_dma source(%dma_start3A_43 : memref<3x2x112xi32, #tpu.memory_space<hbm>>) target(%dma_start3A_38 : memref<3x2x112xi32, #tpu.memory_space<vmem>>) target_semaphore(%arg10 : memref<!tpu.dma_semaphore, #tpu.memory_space<semaphore_mem>>)
    %dma_wait3A = arith.constant 0 : i32
    %dma_wait3A_44 = arith.constant 0 : i32
    %dma_wait3A_45 = arith.constant 0 : i32
    %dma_wait3A_46 = arith.constant 0 : i32
    %dma_wait3A_47 = tpu.memref_slice %arg6[%dma_wait3A, %dma_wait3A_44, %dma_wait3A_45, %dma_wait3A_46] : memref<2x3x2x112xi32, #tpu.memory_space<vmem>> -> memref<1x3x2x112xi32, #tpu.memory_space<vmem>>
    %dma_wait3A_48 = tpu.memref_squeeze %dma_wait3A_47 : memref<1x3x2x112xi32, #tpu.memory_space<vmem>> -> memref<3x2x112xi32, #tpu.memory_space<vmem>>
    %dma_wait3A_49 = arith.constant 0 : i32
    %dma_wait3A_50 = arith.constant 0 : i32
    %dma_wait3A_51 = arith.constant 0 : i32
    %dma_wait3A_52 = tpu.memref_slice %arg3[%add3A, %dma_wait3A_49, %dma_wait3A_50, %dma_wait3A_51] : memref<32x90x2x112xi32, #tpu.memory_space<hbm>> -> memref<1x3x2x112xi32, #tpu.memory_space<hbm>>
    %dma_wait3A_53 = tpu.memref_squeeze %dma_wait3A_52 : memref<1x3x2x112xi32, #tpu.memory_space<hbm>> -> memref<3x2x112xi32, #tpu.memory_space<hbm>>
    %dma_wait3A_54 = arith.constant 0 : i32
    %dma_wait3A_55 = arith.constant 0 : i32
    %dma_wait3A_56 = arith.constant 0 : i32
    %dma_wait3A_57 = tpu.memref_slice %arg6[%dma_wait3A, %dma_wait3A_54, %dma_wait3A_55, %dma_wait3A_56] : memref<2x3x2x112xi32, #tpu.memory_space<vmem>> -> memref<1x3x2x112xi32, #tpu.memory_space<vmem>>
    %dma_wait3A_58 = tpu.memref_squeeze %dma_wait3A_57 : memref<1x3x2x112xi32, #tpu.memory_space<vmem>> -> memref<3x2x112xi32, #tpu.memory_space<vmem>>
    %dma_wait3A_59 = arith.constant 0 : i32
    %dma_wait3A_60 = arith.constant 0 : i32
    %dma_wait3A_61 = arith.constant 0 : i32
    %dma_wait3A_62 = tpu.memref_slice %arg3[%add3A, %dma_wait3A_59, %dma_wait3A_60, %dma_wait3A_61] : memref<32x90x2x112xi32, #tpu.memory_space<hbm>> -> memref<1x3x2x112xi32, #tpu.memory_space<hbm>>
    %dma_wait3A_63 = tpu.memref_squeeze %dma_wait3A_62 : memref<1x3x2x112xi32, #tpu.memory_space<hbm>> -> memref<3x2x112xi32, #tpu.memory_space<hbm>>
    tpu.wait_dma2 semaphore(%arg9 : memref<!tpu.dma_semaphore, #tpu.memory_space<semaphore_mem>>) src(%dma_wait3A_63 : memref<3x2x112xi32, #tpu.memory_space<hbm>>) dst(%dma_wait3A_58 : memref<3x2x112xi32, #tpu.memory_space<vmem>>)
    %dma_start3A_64 = arith.constant 0 : i32
    %dma_start3A_65 = arith.constant 0 : i32
    %dma_start3A_66 = arith.constant 0 : i32
    %dma_start3A_67 = arith.constant 0 : i32
    %dma_start3A_68 = arith.constant 0 : i32
    %dma_start3A_69 = arith.constant 0 : i32
    %dma_start3A_70 = tpu.memref_slice %arg7[%dma_start3A_67, %dma_start3A_68, %dma_start3A_69] : memref<3x112x128xf32, #tpu.memory_space<vmem>> -> memref<1x112x128xf32, #tpu.memory_space<vmem>>
    %dma_start3A_71 = tpu.memref_squeeze %dma_start3A_70 : memref<1x112x128xf32, #tpu.memory_space<vmem>> -> memref<112x128xf32, #tpu.memory_space<vmem>>
    %dma_start3A_72 = arith.constant 0 : i32
    %dma_start3A_73 = tpu.memref_slice %arg6[%dma_start3A_64, %dma_start3A_65, %dma_start3A_66, %dma_start3A_72] : memref<2x3x2x112xi32, #tpu.memory_space<vmem>> -> memref<1x1x1x112xi32, #tpu.memory_space<vmem>>
    %dma_start3A_74 = tpu.memref_squeeze %dma_start3A_73 : memref<1x1x1x112xi32, #tpu.memory_space<vmem>> -> memref<112xi32, #tpu.memory_space<vmem>>
    %dma_start3A_75 = arith.constant 0 : i32
    %dma_start3A_76 = arith.constant 0 : i32
    %dma_start3A_77 = tpu.memref_slice %arg2[%dma_start3A_75, %dma_start3A_76] : memref<10000x128xf32, #tpu.memory_space<hbm>> -> memref<10000x128xf32, #tpu.memory_space<hbm>>
    tpu.enqueue_indirect_dma source(%dma_start3A_77 : memref<10000x128xf32, #tpu.memory_space<hbm>>) target(%dma_start3A_71 : memref<112x128xf32, #tpu.memory_space<vmem>>) offsets(%dma_start3A_74 : memref<112xi32, #tpu.memory_space<vmem>>) semaphore(%arg11 : memref<!tpu.dma_semaphore, #tpu.memory_space<semaphore_mem>>)
    %dma_start3A_78 = arith.constant 0 : i32
    %dma_start3A_79 = arith.constant 1 : i32
    %dma_start3A_80 = arith.constant 0 : i32
    %dma_start3A_81 = arith.constant 1 : i32
    %dma_start3A_82 = arith.constant 0 : i32
    %dma_start3A_83 = arith.constant 0 : i32
    %dma_start3A_84 = tpu.memref_slice %arg7[%dma_start3A_81, %dma_start3A_82, %dma_start3A_83] : memref<3x112x128xf32, #tpu.memory_space<vmem>> -> memref<1x112x128xf32, #tpu.memory_space<vmem>>
    %dma_start3A_85 = tpu.memref_squeeze %dma_start3A_84 : memref<1x112x128xf32, #tpu.memory_space<vmem>> -> memref<112x128xf32, #tpu.memory_space<vmem>>
    %dma_start3A_86 = arith.constant 0 : i32
    %dma_start3A_87 = tpu.memref_slice %arg6[%dma_start3A_78, %dma_start3A_79, %dma_start3A_80, %dma_start3A_86] : memref<2x3x2x112xi32, #tpu.memory_space<vmem>> -> memref<1x1x1x112xi32, #tpu.memory_space<vmem>>
    %dma_start3A_88 = tpu.memref_squeeze %dma_start3A_87 : memref<1x1x1x112xi32, #tpu.memory_space<vmem>> -> memref<112xi32, #tpu.memory_space<vmem>>
    %dma_start3A_89 = arith.constant 0 : i32
    %dma_start3A_90 = arith.constant 0 : i32
    %dma_start3A_91 = tpu.memref_slice %arg2[%dma_start3A_89, %dma_start3A_90] : memref<10000x128xf32, #tpu.memory_space<hbm>> -> memref<10000x128xf32, #tpu.memory_space<hbm>>
    tpu.enqueue_indirect_dma source(%dma_start3A_91 : memref<10000x128xf32, #tpu.memory_space<hbm>>) target(%dma_start3A_85 : memref<112x128xf32, #tpu.memory_space<vmem>>) offsets(%dma_start3A_88 : memref<112xi32, #tpu.memory_space<vmem>>) semaphore(%arg12 : memref<!tpu.dma_semaphore, #tpu.memory_space<semaphore_mem>>)
    %dma_start3A_92 = arith.constant 0 : i32
    %dma_start3A_93 = arith.constant 2 : i32
    %dma_start3A_94 = arith.constant 0 : i32
    %dma_start3A_95 = arith.constant 2 : i32
    %dma_start3A_96 = arith.constant 0 : i32
    %dma_start3A_97 = arith.constant 0 : i32
    %dma_start3A_98 = tpu.memref_slice %arg7[%dma_start3A_95, %dma_start3A_96, %dma_start3A_97] : memref<3x112x128xf32, #tpu.memory_space<vmem>> -> memref<1x112x128xf32, #tpu.memory_space<vmem>>
    %dma_start3A_99 = tpu.memref_squeeze %dma_start3A_98 : memref<1x112x128xf32, #tpu.memory_space<vmem>> -> memref<112x128xf32, #tpu.memory_space<vmem>>
    %dma_start3A_100 = arith.constant 0 : i32
    %dma_start3A_101 = tpu.memref_slice %arg6[%dma_start3A_92, %dma_start3A_93, %dma_start3A_94, %dma_start3A_100] : memref<2x3x2x112xi32, #tpu.memory_space<vmem>> -> memref<1x1x1x112xi32, #tpu.memory_space<vmem>>
    %dma_start3A_102 = tpu.memref_squeeze %dma_start3A_101 : memref<1x1x1x112xi32, #tpu.memory_space<vmem>> -> memref<112xi32, #tpu.memory_space<vmem>>
    %dma_start3A_103 = arith.constant 0 : i32
    %dma_start3A_104 = arith.constant 0 : i32
    %dma_start3A_105 = tpu.memref_slice %arg2[%dma_start3A_103, %dma_start3A_104] : memref<10000x128xf32, #tpu.memory_space<hbm>> -> memref<10000x128xf32, #tpu.memory_space<hbm>>
    tpu.enqueue_indirect_dma source(%dma_start3A_105 : memref<10000x128xf32, #tpu.memory_space<hbm>>) target(%dma_start3A_99 : memref<112x128xf32, #tpu.memory_space<vmem>>) offsets(%dma_start3A_102 : memref<112xi32, #tpu.memory_space<vmem>>) semaphore(%arg13 : memref<!tpu.dma_semaphore, #tpu.memory_space<semaphore_mem>>)
    %scan3A = arith.constant 0 : i32
    %scan3A_106 = arith.constant 0 : i32
    %scan3A_107 = arith.constant 15 : i32
    %scan3A_108 = arith.addi %scan3A_106, %scan3A_107 : i32
    %scan3A_109 = arith.constant 1 : i32
    scf.for %scan3A_112 = %scan3A_106 to %scan3A_108 step %scan3A_109  : i32 {
      %dma_wait3A_113 = arith.constant 0 : i32
      %dma_wait3A_114 = arith.constant 0 : i32
      %dma_wait3A_115 = arith.constant 0 : i32
      %dma_wait3A_116 = arith.constant 0 : i32
      %dma_wait3A_117 = arith.constant 0 : i32
      %dma_wait3A_118 = arith.constant 0 : i32
      %dma_wait3A_119 = tpu.memref_slice %arg7[%dma_wait3A_116, %dma_wait3A_117, %dma_wait3A_118] : memref<3x112x128xf32, #tpu.memory_space<vmem>> -> memref<1x112x128xf32, #tpu.memory_space<vmem>>
      %dma_wait3A_120 = tpu.memref_squeeze %dma_wait3A_119 : memref<1x112x128xf32, #tpu.memory_space<vmem>> -> memref<112x128xf32, #tpu.memory_space<vmem>>
      %dma_wait3A_121 = arith.constant 0 : i32
      %dma_wait3A_122 = tpu.memref_slice %arg6[%dma_wait3A_113, %dma_wait3A_114, %dma_wait3A_115, %dma_wait3A_121] : memref<2x3x2x112xi32, #tpu.memory_space<vmem>> -> memref<1x1x1x112xi32, #tpu.memory_space<vmem>>
      %dma_wait3A_123 = tpu.memref_squeeze %dma_wait3A_122 : memref<1x1x1x112xi32, #tpu.memory_space<vmem>> -> memref<112xi32, #tpu.memory_space<vmem>>
      %dma_wait3A_124 = arith.constant 0 : i32
      %dma_wait3A_125 = arith.constant 0 : i32
      %dma_wait3A_126 = tpu.memref_slice %arg2[%dma_wait3A_124, %dma_wait3A_125] : memref<10000x128xf32, #tpu.memory_space<hbm>> -> memref<10000x128xf32, #tpu.memory_space<hbm>>
      tpu.wait_indirect_dma semaphore(%arg11 : memref<!tpu.dma_semaphore, #tpu.memory_space<semaphore_mem>>) src(%dma_wait3A_126 : memref<10000x128xf32, #tpu.memory_space<hbm>>) dst(%dma_wait3A_120 : memref<112x128xf32, #tpu.memory_space<vmem>>)
      %dma_start3A_127 = arith.constant 0 : i32
      %dma_start3A_128 = arith.constant 0 : i32
      %dma_start3A_129 = arith.constant 0 : i32
      %dma_start3A_130 = arith.constant 1 : i32
      %dma_start3A_131 = arith.constant 0 : i32
      %dma_start3A_132 = arith.constant 0 : i32
      %dma_start3A_133 = tpu.memref_slice %arg7[%dma_start3A_127, %dma_start3A_131, %dma_start3A_132] : memref<3x112x128xf32, #tpu.memory_space<vmem>> -> memref<1x112x128xf32, #tpu.memory_space<vmem>>
      %dma_start3A_134 = tpu.memref_squeeze %dma_start3A_133 : memref<1x112x128xf32, #tpu.memory_space<vmem>> -> memref<112x128xf32, #tpu.memory_space<vmem>>
      %dma_start3A_135 = arith.constant 0 : i32
      %dma_start3A_136 = tpu.memref_slice %arg6[%dma_start3A_128, %dma_start3A_129, %dma_start3A_130, %dma_start3A_135] : memref<2x3x2x112xi32, #tpu.memory_space<vmem>> -> memref<1x1x1x112xi32, #tpu.memory_space<vmem>>
      %dma_start3A_137 = tpu.memref_squeeze %dma_start3A_136 : memref<1x1x1x112xi32, #tpu.memory_space<vmem>> -> memref<112xi32, #tpu.memory_space<vmem>>
      %dma_start3A_138 = arith.constant 0 : i32
      %dma_start3A_139 = arith.constant 0 : i32
      %dma_start3A_140 = tpu.memref_slice %arg8[%dma_start3A_138, %dma_start3A_139] : memref<10112x128xf32, #tpu.memory_space<vmem_shared>> -> memref<10112x128xf32, #tpu.memory_space<vmem_shared>>
      tpu.enqueue_indirect_dma source(%dma_start3A_134 : memref<112x128xf32, #tpu.memory_space<vmem>>) target(%dma_start3A_140 : memref<10112x128xf32, #tpu.memory_space<vmem_shared>>) offsets(%dma_start3A_137 : memref<112xi32, #tpu.memory_space<vmem>>) semaphore(%arg14 : memref<!tpu.dma_semaphore, #tpu.memory_space<semaphore_mem>>) {add = true}
      %dma_wait3A_141 = arith.constant 0 : i32
      %dma_wait3A_142 = arith.constant 1 : i32
      %dma_wait3A_143 = arith.constant 0 : i32
      %dma_wait3A_144 = arith.constant 1 : i32
      %dma_wait3A_145 = arith.constant 0 : i32
      %dma_wait3A_146 = arith.constant 0 : i32
      %dma_wait3A_147 = tpu.memref_slice %arg7[%dma_wait3A_144, %dma_wait3A_145, %dma_wait3A_146] : memref<3x112x128xf32, #tpu.memory_space<vmem>> -> memref<1x112x128xf32, #tpu.memory_space<vmem>>
      %dma_wait3A_148 = tpu.memref_squeeze %dma_wait3A_147 : memref<1x112x128xf32, #tpu.memory_space<vmem>> -> memref<112x128xf32, #tpu.memory_space<vmem>>
      %dma_wait3A_149 = arith.constant 0 : i32
      %dma_wait3A_150 = tpu.memref_slice %arg6[%dma_wait3A_141, %dma_wait3A_142, %dma_wait3A_143, %dma_wait3A_149] : memref<2x3x2x112xi32, #tpu.memory_space<vmem>> -> memref<1x1x1x112xi32, #tpu.memory_space<vmem>>
      %dma_wait3A_151 = tpu.memref_squeeze %dma_wait3A_150 : memref<1x1x1x112xi32, #tpu.memory_space<vmem>> -> memref<112xi32, #tpu.memory_space<vmem>>
      %dma_wait3A_152 = arith.constant 0 : i32
      %dma_wait3A_153 = arith.constant 0 : i32
      %dma_wait3A_154 = tpu.memref_slice %arg2[%dma_wait3A_152, %dma_wait3A_153] : memref<10000x128xf32, #tpu.memory_space<hbm>> -> memref<10000x128xf32, #tpu.memory_space<hbm>>
      tpu.wait_indirect_dma semaphore(%arg12 : memref<!tpu.dma_semaphore, #tpu.memory_space<semaphore_mem>>) src(%dma_wait3A_154 : memref<10000x128xf32, #tpu.memory_space<hbm>>) dst(%dma_wait3A_148 : memref<112x128xf32, #tpu.memory_space<vmem>>)
      %dma_start3A_155 = arith.constant 1 : i32
      %dma_start3A_156 = arith.constant 0 : i32
      %dma_start3A_157 = arith.constant 1 : i32
      %dma_start3A_158 = arith.constant 1 : i32
      %dma_start3A_159 = arith.constant 0 : i32
      %dma_start3A_160 = arith.constant 0 : i32
      %dma_start3A_161 = tpu.memref_slice %arg7[%dma_start3A_155, %dma_start3A_159, %dma_start3A_160] : memref<3x112x128xf32, #tpu.memory_space<vmem>> -> memref<1x112x128xf32, #tpu.memory_space<vmem>>
      %dma_start3A_162 = tpu.memref_squeeze %dma_start3A_161 : memref<1x112x128xf32, #tpu.memory_space<vmem>> -> memref<112x128xf32, #tpu.memory_space<vmem>>
      %dma_start3A_163 = arith.constant 0 : i32
      %dma_start3A_164 = tpu.memref_slice %arg6[%dma_start3A_156, %dma_start3A_157, %dma_start3A_158, %dma_start3A_163] : memref<2x3x2x112xi32, #tpu.memory_space<vmem>> -> memref<1x1x1x112xi32, #tpu.memory_space<vmem>>
      %dma_start3A_165 = tpu.memref_squeeze %dma_start3A_164 : memref<1x1x1x112xi32, #tpu.memory_space<vmem>> -> memref<112xi32, #tpu.memory_space<vmem>>
      %dma_start3A_166 = arith.constant 0 : i32
      %dma_start3A_167 = arith.constant 0 : i32
      %dma_start3A_168 = tpu.memref_slice %arg8[%dma_start3A_166, %dma_start3A_167] : memref<10112x128xf32, #tpu.memory_space<vmem_shared>> -> memref<10112x128xf32, #tpu.memory_space<vmem_shared>>
      tpu.enqueue_indirect_dma source(%dma_start3A_162 : memref<112x128xf32, #tpu.memory_space<vmem>>) target(%dma_start3A_168 : memref<10112x128xf32, #tpu.memory_space<vmem_shared>>) offsets(%dma_start3A_165 : memref<112xi32, #tpu.memory_space<vmem>>) semaphore(%arg15 : memref<!tpu.dma_semaphore, #tpu.memory_space<semaphore_mem>>) {add = true}
      %dma_wait3A_169 = arith.constant 0 : i32
      %dma_wait3A_170 = arith.constant 2 : i32
      %dma_wait3A_171 = arith.constant 0 : i32
      %dma_wait3A_172 = arith.constant 2 : i32
      %dma_wait3A_173 = arith.constant 0 : i32
      %dma_wait3A_174 = arith.constant 0 : i32
      %dma_wait3A_175 = tpu.memref_slice %arg7[%dma_wait3A_172, %dma_wait3A_173, %dma_wait3A_174] : memref<3x112x128xf32, #tpu.memory_space<vmem>> -> memref<1x112x128xf32, #tpu.memory_space<vmem>>
      %dma_wait3A_176 = tpu.memref_squeeze %dma_wait3A_175 : memref<1x112x128xf32, #tpu.memory_space<vmem>> -> memref<112x128xf32, #tpu.memory_space<vmem>>
      %dma_wait3A_177 = arith.constant 0 : i32
      %dma_wait3A_178 = tpu.memref_slice %arg6[%dma_wait3A_169, %dma_wait3A_170, %dma_wait3A_171, %dma_wait3A_177] : memref<2x3x2x112xi32, #tpu.memory_space<vmem>> -> memref<1x1x1x112xi32, #tpu.memory_space<vmem>>
      %dma_wait3A_179 = tpu.memref_squeeze %dma_wait3A_178 : memref<1x1x1x112xi32, #tpu.memory_space<vmem>> -> memref<112xi32, #tpu.memory_space<vmem>>
      %dma_wait3A_180 = arith.constant 0 : i32
      %dma_wait3A_181 = arith.constant 0 : i32
      %dma_wait3A_182 = tpu.memref_slice %arg2[%dma_wait3A_180, %dma_wait3A_181] : memref<10000x128xf32, #tpu.memory_space<hbm>> -> memref<10000x128xf32, #tpu.memory_space<hbm>>
      tpu.wait_indirect_dma semaphore(%arg13 : memref<!tpu.dma_semaphore, #tpu.memory_space<semaphore_mem>>) src(%dma_wait3A_182 : memref<10000x128xf32, #tpu.memory_space<hbm>>) dst(%dma_wait3A_176 : memref<112x128xf32, #tpu.memory_space<vmem>>)
      %dma_start3A_183 = arith.constant 2 : i32
      %dma_start3A_184 = arith.constant 0 : i32
      %dma_start3A_185 = arith.constant 2 : i32
      %dma_start3A_186 = arith.constant 1 : i32
      %dma_start3A_187 = arith.constant 0 : i32
      %dma_start3A_188 = arith.constant 0 : i32
      %dma_start3A_189 = tpu.memref_slice %arg7[%dma_start3A_183, %dma_start3A_187, %dma_start3A_188] : memref<3x112x128xf32, #tpu.memory_space<vmem>> -> memref<1x112x128xf32, #tpu.memory_space<vmem>>
      %dma_start3A_190 = tpu.memref_squeeze %dma_start3A_189 : memref<1x112x128xf32, #tpu.memory_space<vmem>> -> memref<112x128xf32, #tpu.memory_space<vmem>>
      %dma_start3A_191 = arith.constant 0 : i32
      %dma_start3A_192 = tpu.memref_slice %arg6[%dma_start3A_184, %dma_start3A_185, %dma_start3A_186, %dma_start3A_191] : memref<2x3x2x112xi32, #tpu.memory_space<vmem>> -> memref<1x1x1x112xi32, #tpu.memory_space<vmem>>
      %dma_start3A_193 = tpu.memref_squeeze %dma_start3A_192 : memref<1x1x1x112xi32, #tpu.memory_space<vmem>> -> memref<112xi32, #tpu.memory_space<vmem>>
      %dma_start3A_194 = arith.constant 0 : i32
      %dma_start3A_195 = arith.constant 0 : i32
      %dma_start3A_196 = tpu.memref_slice %arg8[%dma_start3A_194, %dma_start3A_195] : memref<10112x128xf32, #tpu.memory_space<vmem_shared>> -> memref<10112x128xf32, #tpu.memory_space<vmem_shared>>
      tpu.enqueue_indirect_dma source(%dma_start3A_190 : memref<112x128xf32, #tpu.memory_space<vmem>>) target(%dma_start3A_196 : memref<10112x128xf32, #tpu.memory_space<vmem_shared>>) offsets(%dma_start3A_193 : memref<112xi32, #tpu.memory_space<vmem>>) semaphore(%arg16 : memref<!tpu.dma_semaphore, #tpu.memory_space<semaphore_mem>>) {add = true}
      %dma_wait3A_197 = arith.constant 1 : i32
      %dma_wait3A_198 = arith.constant 0 : i32
      %dma_wait3A_199 = arith.constant 0 : i32
      %dma_wait3A_200 = arith.constant 0 : i32
      %dma_wait3A_201 = tpu.memref_slice %arg6[%dma_wait3A_197, %dma_wait3A_198, %dma_wait3A_199, %dma_wait3A_200] : memref<2x3x2x112xi32, #tpu.memory_space<vmem>> -> memref<1x3x2x112xi32, #tpu.memory_space<vmem>>
      %dma_wait3A_202 = tpu.memref_squeeze %dma_wait3A_201 : memref<1x3x2x112xi32, #tpu.memory_space<vmem>> -> memref<3x2x112xi32, #tpu.memory_space<vmem>>
      %dma_wait3A_203 = arith.constant 0 : i32
      %dma_wait3A_204 = arith.constant 0 : i32
      %dma_wait3A_205 = arith.constant 0 : i32
      %dma_wait3A_206 = tpu.memref_slice %arg3[%add3A, %dma_wait3A_203, %dma_wait3A_204, %dma_wait3A_205] : memref<32x90x2x112xi32, #tpu.memory_space<hbm>> -> memref<1x3x2x112xi32, #tpu.memory_space<hbm>>
      %dma_wait3A_207 = tpu.memref_squeeze %dma_wait3A_206 : memref<1x3x2x112xi32, #tpu.memory_space<hbm>> -> memref<3x2x112xi32, #tpu.memory_space<hbm>>
      %dma_wait3A_208 = arith.constant 0 : i32
      %dma_wait3A_209 = arith.constant 0 : i32
      %dma_wait3A_210 = arith.constant 0 : i32
      %dma_wait3A_211 = tpu.memref_slice %arg6[%dma_wait3A_197, %dma_wait3A_208, %dma_wait3A_209, %dma_wait3A_210] : memref<2x3x2x112xi32, #tpu.memory_space<vmem>> -> memref<1x3x2x112xi32, #tpu.memory_space<vmem>>
      %dma_wait3A_212 = tpu.memref_squeeze %dma_wait3A_211 : memref<1x3x2x112xi32, #tpu.memory_space<vmem>> -> memref<3x2x112xi32, #tpu.memory_space<vmem>>
      %dma_wait3A_213 = arith.constant 0 : i32
      %dma_wait3A_214 = arith.constant 0 : i32
      %dma_wait3A_215 = arith.constant 0 : i32
      %dma_wait3A_216 = tpu.memref_slice %arg3[%add3A, %dma_wait3A_213, %dma_wait3A_214, %dma_wait3A_215] : memref<32x90x2x112xi32, #tpu.memory_space<hbm>> -> memref<1x3x2x112xi32, #tpu.memory_space<hbm>>
      %dma_wait3A_217 = tpu.memref_squeeze %dma_wait3A_216 : memref<1x3x2x112xi32, #tpu.memory_space<hbm>> -> memref<3x2x112xi32, #tpu.memory_space<hbm>>
      tpu.wait_dma2 semaphore(%arg10 : memref<!tpu.dma_semaphore, #tpu.memory_space<semaphore_mem>>) src(%dma_wait3A_217 : memref<3x2x112xi32, #tpu.memory_space<hbm>>) dst(%dma_wait3A_212 : memref<3x2x112xi32, #tpu.memory_space<vmem>>)
      %dma_wait3A_218 = arith.constant 0 : i32
      %dma_wait3A_219 = arith.constant 0 : i32
      %dma_wait3A_220 = arith.constant 0 : i32
      %dma_wait3A_221 = arith.constant 1 : i32
      %dma_wait3A_222 = arith.constant 0 : i32
      %dma_wait3A_223 = arith.constant 0 : i32
      %dma_wait3A_224 = tpu.memref_slice %arg7[%dma_wait3A_218, %dma_wait3A_222, %dma_wait3A_223] : memref<3x112x128xf32, #tpu.memory_space<vmem>> -> memref<1x112x128xf32, #tpu.memory_space<vmem>>
      %dma_wait3A_225 = tpu.memref_squeeze %dma_wait3A_224 : memref<1x112x128xf32, #tpu.memory_space<vmem>> -> memref<112x128xf32, #tpu.memory_space<vmem>>
      %dma_wait3A_226 = arith.constant 0 : i32
      %dma_wait3A_227 = tpu.memref_slice %arg6[%dma_wait3A_219, %dma_wait3A_220, %dma_wait3A_221, %dma_wait3A_226] : memref<2x3x2x112xi32, #tpu.memory_space<vmem>> -> memref<1x1x1x112xi32, #tpu.memory_space<vmem>>
      %dma_wait3A_228 = tpu.memref_squeeze %dma_wait3A_227 : memref<1x1x1x112xi32, #tpu.memory_space<vmem>> -> memref<112xi32, #tpu.memory_space<vmem>>
      %dma_wait3A_229 = arith.constant 0 : i32
      %dma_wait3A_230 = arith.constant 0 : i32
      %dma_wait3A_231 = tpu.memref_slice %arg8[%dma_wait3A_229, %dma_wait3A_230] : memref<10112x128xf32, #tpu.memory_space<vmem_shared>> -> memref<10112x128xf32, #tpu.memory_space<vmem_shared>>
      tpu.wait_indirect_dma semaphore(%arg14 : memref<!tpu.dma_semaphore, #tpu.memory_space<semaphore_mem>>) src(%dma_wait3A_225 : memref<112x128xf32, #tpu.memory_space<vmem>>) dst(%dma_wait3A_231 : memref<10112x128xf32, #tpu.memory_space<vmem_shared>>)
      %dma_start3A_232 = arith.constant 1 : i32
      %dma_start3A_233 = arith.constant 0 : i32
      %dma_start3A_234 = arith.constant 0 : i32
      %dma_start3A_235 = arith.constant 0 : i32
      %dma_start3A_236 = arith.constant 0 : i32
      %dma_start3A_237 = arith.constant 0 : i32
      %dma_start3A_238 = tpu.memref_slice %arg7[%dma_start3A_235, %dma_start3A_236, %dma_start3A_237] : memref<3x112x128xf32, #tpu.memory_space<vmem>> -> memref<1x112x128xf32, #tpu.memory_space<vmem>>
      %dma_start3A_239 = tpu.memref_squeeze %dma_start3A_238 : memref<1x112x128xf32, #tpu.memory_space<vmem>> -> memref<112x128xf32, #tpu.memory_space<vmem>>
      %dma_start3A_240 = arith.constant 0 : i32
      %dma_start3A_241 = tpu.memref_slice %arg6[%dma_start3A_232, %dma_start3A_233, %dma_start3A_234, %dma_start3A_240] : memref<2x3x2x112xi32, #tpu.memory_space<vmem>> -> memref<1x1x1x112xi32, #tpu.memory_space<vmem>>
      %dma_start3A_242 = tpu.memref_squeeze %dma_start3A_241 : memref<1x1x1x112xi32, #tpu.memory_space<vmem>> -> memref<112xi32, #tpu.memory_space<vmem>>
      %dma_start3A_243 = arith.constant 0 : i32
      %dma_start3A_244 = arith.constant 0 : i32
      %dma_start3A_245 = tpu.memref_slice %arg2[%dma_start3A_243, %dma_start3A_244] : memref<10000x128xf32, #tpu.memory_space<hbm>> -> memref<10000x128xf32, #tpu.memory_space<hbm>>
      tpu.enqueue_indirect_dma source(%dma_start3A_245 : memref<10000x128xf32, #tpu.memory_space<hbm>>) target(%dma_start3A_239 : memref<112x128xf32, #tpu.memory_space<vmem>>) offsets(%dma_start3A_242 : memref<112xi32, #tpu.memory_space<vmem>>) semaphore(%arg11 : memref<!tpu.dma_semaphore, #tpu.memory_space<semaphore_mem>>)
      %dma_wait3A_246 = arith.constant 1 : i32
      %dma_wait3A_247 = arith.constant 0 : i32
      %dma_wait3A_248 = arith.constant 1 : i32
      %dma_wait3A_249 = arith.constant 1 : i32
      %dma_wait3A_250 = arith.constant 0 : i32
      %dma_wait3A_251 = arith.constant 0 : i32
      %dma_wait3A_252 = tpu.memref_slice %arg7[%dma_wait3A_246, %dma_wait3A_250, %dma_wait3A_251] : memref<3x112x128xf32, #tpu.memory_space<vmem>> -> memref<1x112x128xf32, #tpu.memory_space<vmem>>
      %dma_wait3A_253 = tpu.memref_squeeze %dma_wait3A_252 : memref<1x112x128xf32, #tpu.memory_space<vmem>> -> memref<112x128xf32, #tpu.memory_space<vmem>>
      %dma_wait3A_254 = arith.constant 0 : i32
      %dma_wait3A_255 = tpu.memref_slice %arg6[%dma_wait3A_247, %dma_wait3A_248, %dma_wait3A_249, %dma_wait3A_254] : memref<2x3x2x112xi32, #tpu.memory_space<vmem>> -> memref<1x1x1x112xi32, #tpu.memory_space<vmem>>
      %dma_wait3A_256 = tpu.memref_squeeze %dma_wait3A_255 : memref<1x1x1x112xi32, #tpu.memory_space<vmem>> -> memref<112xi32, #tpu.memory_space<vmem>>
      %dma_wait3A_257 = arith.constant 0 : i32
      %dma_wait3A_258 = arith.constant 0 : i32
      %dma_wait3A_259 = tpu.memref_slice %arg8[%dma_wait3A_257, %dma_wait3A_258] : memref<10112x128xf32, #tpu.memory_space<vmem_shared>> -> memref<10112x128xf32, #tpu.memory_space<vmem_shared>>
      tpu.wait_indirect_dma semaphore(%arg15 : memref<!tpu.dma_semaphore, #tpu.memory_space<semaphore_mem>>) src(%dma_wait3A_253 : memref<112x128xf32, #tpu.memory_space<vmem>>) dst(%dma_wait3A_259 : memref<10112x128xf32, #tpu.memory_space<vmem_shared>>)
      %dma_start3A_260 = arith.constant 1 : i32
      %dma_start3A_261 = arith.constant 1 : i32
      %dma_start3A_262 = arith.constant 0 : i32
      %dma_start3A_263 = arith.constant 1 : i32
      %dma_start3A_264 = arith.constant 0 : i32
      %dma_start3A_265 = arith.constant 0 : i32
      %dma_start3A_266 = tpu.memref_slice %arg7[%dma_start3A_263, %dma_start3A_264, %dma_start3A_265] : memref<3x112x128xf32, #tpu.memory_space<vmem>> -> memref<1x112x128xf32, #tpu.memory_space<vmem>>
      %dma_start3A_267 = tpu.memref_squeeze %dma_start3A_266 : memref<1x112x128xf32, #tpu.memory_space<vmem>> -> memref<112x128xf32, #tpu.memory_space<vmem>>
      %dma_start3A_268 = arith.constant 0 : i32
      %dma_start3A_269 = tpu.memref_slice %arg6[%dma_start3A_260, %dma_start3A_261, %dma_start3A_262, %dma_start3A_268] : memref<2x3x2x112xi32, #tpu.memory_space<vmem>> -> memref<1x1x1x112xi32, #tpu.memory_space<vmem>>
      %dma_start3A_270 = tpu.memref_squeeze %dma_start3A_269 : memref<1x1x1x112xi32, #tpu.memory_space<vmem>> -> memref<112xi32, #tpu.memory_space<vmem>>
      %dma_start3A_271 = arith.constant 0 : i32
      %dma_start3A_272 = arith.constant 0 : i32
      %dma_start3A_273 = tpu.memref_slice %arg2[%dma_start3A_271, %dma_start3A_272] : memref<10000x128xf32, #tpu.memory_space<hbm>> -> memref<10000x128xf32, #tpu.memory_space<hbm>>
      tpu.enqueue_indirect_dma source(%dma_start3A_273 : memref<10000x128xf32, #tpu.memory_space<hbm>>) target(%dma_start3A_267 : memref<112x128xf32, #tpu.memory_space<vmem>>) offsets(%dma_start3A_270 : memref<112xi32, #tpu.memory_space<vmem>>) semaphore(%arg12 : memref<!tpu.dma_semaphore, #tpu.memory_space<semaphore_mem>>)
      %dma_wait3A_274 = arith.constant 2 : i32
      %dma_wait3A_275 = arith.constant 0 : i32
      %dma_wait3A_276 = arith.constant 2 : i32
      %dma_wait3A_277 = arith.constant 1 : i32
      %dma_wait3A_278 = arith.constant 0 : i32
      %dma_wait3A_279 = arith.constant 0 : i32
      %dma_wait3A_280 = tpu.memref_slice %arg7[%dma_wait3A_274, %dma_wait3A_278, %dma_wait3A_279] : memref<3x112x128xf32, #tpu.memory_space<vmem>> -> memref<1x112x128xf32, #tpu.memory_space<vmem>>
      %dma_wait3A_281 = tpu.memref_squeeze %dma_wait3A_280 : memref<1x112x128xf32, #tpu.memory_space<vmem>> -> memref<112x128xf32, #tpu.memory_space<vmem>>
      %dma_wait3A_282 = arith.constant 0 : i32
      %dma_wait3A_283 = tpu.memref_slice %arg6[%dma_wait3A_275, %dma_wait3A_276, %dma_wait3A_277, %dma_wait3A_282] : memref<2x3x2x112xi32, #tpu.memory_space<vmem>> -> memref<1x1x1x112xi32, #tpu.memory_space<vmem>>
      %dma_wait3A_284 = tpu.memref_squeeze %dma_wait3A_283 : memref<1x1x1x112xi32, #tpu.memory_space<vmem>> -> memref<112xi32, #tpu.memory_space<vmem>>
      %dma_wait3A_285 = arith.constant 0 : i32
      %dma_wait3A_286 = arith.constant 0 : i32
      %dma_wait3A_287 = tpu.memref_slice %arg8[%dma_wait3A_285, %dma_wait3A_286] : memref<10112x128xf32, #tpu.memory_space<vmem_shared>> -> memref<10112x128xf32, #tpu.memory_space<vmem_shared>>
      tpu.wait_indirect_dma semaphore(%arg16 : memref<!tpu.dma_semaphore, #tpu.memory_space<semaphore_mem>>) src(%dma_wait3A_281 : memref<112x128xf32, #tpu.memory_space<vmem>>) dst(%dma_wait3A_287 : memref<10112x128xf32, #tpu.memory_space<vmem_shared>>)
      %dma_start3A_288 = arith.constant 1 : i32
      %dma_start3A_289 = arith.constant 2 : i32
      %dma_start3A_290 = arith.constant 0 : i32
      %dma_start3A_291 = arith.constant 2 : i32
      %dma_start3A_292 = arith.constant 0 : i32
      %dma_start3A_293 = arith.constant 0 : i32
      %dma_start3A_294 = tpu.memref_slice %arg7[%dma_start3A_291, %dma_start3A_292, %dma_start3A_293] : memref<3x112x128xf32, #tpu.memory_space<vmem>> -> memref<1x112x128xf32, #tpu.memory_space<vmem>>
      %dma_start3A_295 = tpu.memref_squeeze %dma_start3A_294 : memref<1x112x128xf32, #tpu.memory_space<vmem>> -> memref<112x128xf32, #tpu.memory_space<vmem>>
      %dma_start3A_296 = arith.constant 0 : i32
      %dma_start3A_297 = tpu.memref_slice %arg6[%dma_start3A_288, %dma_start3A_289, %dma_start3A_290, %dma_start3A_296] : memref<2x3x2x112xi32, #tpu.memory_space<vmem>> -> memref<1x1x1x112xi32, #tpu.memory_space<vmem>>
      %dma_start3A_298 = tpu.memref_squeeze %dma_start3A_297 : memref<1x1x1x112xi32, #tpu.memory_space<vmem>> -> memref<112xi32, #tpu.memory_space<vmem>>
      %dma_start3A_299 = arith.constant 0 : i32
      %dma_start3A_300 = arith.constant 0 : i32
      %dma_start3A_301 = tpu.memref_slice %arg2[%dma_start3A_299, %dma_start3A_300] : memref<10000x128xf32, #tpu.memory_space<hbm>> -> memref<10000x128xf32, #tpu.memory_space<hbm>>
      tpu.enqueue_indirect_dma source(%dma_start3A_301 : memref<10000x128xf32, #tpu.memory_space<hbm>>) target(%dma_start3A_295 : memref<112x128xf32, #tpu.memory_space<vmem>>) offsets(%dma_start3A_298 : memref<112xi32, #tpu.memory_space<vmem>>) semaphore(%arg13 : memref<!tpu.dma_semaphore, #tpu.memory_space<semaphore_mem>>)
      %lt3A = arith.constant 14 : i32
      %lt3A_302 = arith.cmpi slt, %scan3A_112, %lt3A : i32
      %convert_element_type3A = arith.extui %lt3A_302 : i1 to i32
      %cond3A = arith.constant 0 : i32
      %cond3A_303 = arith.cmpi ne, %convert_element_type3A, %cond3A : i32
      scf.if %cond3A_303 {
        %mul3A_397 = arith.constant 2 : i32
        %mul3A_398 = arith.muli %mul3A_397, %scan3A_112 : i32
        %add3A_399 = arith.constant 2 : i32
        %add3A_400 = arith.addi %mul3A_398, %add3A_399 : i32
        %mul3A_401 = arith.constant 3 : i32
        %mul3A_402 = arith.muli %add3A_400, %mul3A_401 : i32
        %dma_start3A_403 = arith.constant 0 : i32
        %dma_start3A_404 = arith.constant 0 : i32
        %dma_start3A_405 = arith.constant 0 : i32
        %dma_start3A_406 = arith.constant 0 : i32
        %dma_start3A_407 = tpu.memref_slice %arg6[%dma_start3A_403, %dma_start3A_404, %dma_start3A_405, %dma_start3A_406] : memref<2x3x2x112xi32, #tpu.memory_space<vmem>> -> memref<1x3x2x112xi32, #tpu.memory_space<vmem>>
        %dma_start3A_408 = tpu.memref_squeeze %dma_start3A_407 : memref<1x3x2x112xi32, #tpu.memory_space<vmem>> -> memref<3x2x112xi32, #tpu.memory_space<vmem>>
        %dma_start3A_409 = arith.constant 0 : i32
        %dma_start3A_410 = arith.constant 0 : i32
        %dma_start3A_411 = tpu.memref_slice %arg3[%add3A, %mul3A_402, %dma_start3A_409, %dma_start3A_410] : memref<32x90x2x112xi32, #tpu.memory_space<hbm>> -> memref<1x3x2x112xi32, #tpu.memory_space<hbm>>
        %dma_start3A_412 = tpu.memref_squeeze %dma_start3A_411 : memref<1x3x2x112xi32, #tpu.memory_space<hbm>> -> memref<3x2x112xi32, #tpu.memory_space<hbm>>
        %dma_start3A_413 = arith.constant 0 : i32
        %dma_start3A_414 = arith.constant 0 : i32
        %dma_start3A_415 = arith.constant 0 : i32
        %dma_start3A_416 = tpu.memref_slice %arg6[%dma_start3A_403, %dma_start3A_413, %dma_start3A_414, %dma_start3A_415] : memref<2x3x2x112xi32, #tpu.memory_space<vmem>> -> memref<1x3x2x112xi32, #tpu.memory_space<vmem>>
        %dma_start3A_417 = tpu.memref_squeeze %dma_start3A_416 : memref<1x3x2x112xi32, #tpu.memory_space<vmem>> -> memref<3x2x112xi32, #tpu.memory_space<vmem>>
        %dma_start3A_418 = arith.constant 0 : i32
        %dma_start3A_419 = arith.constant 0 : i32
        %dma_start3A_420 = tpu.memref_slice %arg3[%add3A, %mul3A_402, %dma_start3A_418, %dma_start3A_419] : memref<32x90x2x112xi32, #tpu.memory_space<hbm>> -> memref<1x3x2x112xi32, #tpu.memory_space<hbm>>
        %dma_start3A_421 = tpu.memref_squeeze %dma_start3A_420 : memref<1x3x2x112xi32, #tpu.memory_space<hbm>> -> memref<3x2x112xi32, #tpu.memory_space<hbm>>
        tpu.enqueue_dma source(%dma_start3A_421 : memref<3x2x112xi32, #tpu.memory_space<hbm>>) target(%dma_start3A_417 : memref<3x2x112xi32, #tpu.memory_space<vmem>>) target_semaphore(%arg9 : memref<!tpu.dma_semaphore, #tpu.memory_space<semaphore_mem>>)
      } else {
      }
      %dma_wait3A_304 = arith.constant 1 : i32
      %dma_wait3A_305 = arith.constant 0 : i32
      %dma_wait3A_306 = arith.constant 0 : i32
      %dma_wait3A_307 = arith.constant 0 : i32
      %dma_wait3A_308 = arith.constant 0 : i32
      %dma_wait3A_309 = arith.constant 0 : i32
      %dma_wait3A_310 = tpu.memref_slice %arg7[%dma_wait3A_307, %dma_wait3A_308, %dma_wait3A_309] : memref<3x112x128xf32, #tpu.memory_space<vmem>> -> memref<1x112x128xf32, #tpu.memory_space<vmem>>
      %dma_wait3A_311 = tpu.memref_squeeze %dma_wait3A_310 : memref<1x112x128xf32, #tpu.memory_space<vmem>> -> memref<112x128xf32, #tpu.memory_space<vmem>>
      %dma_wait3A_312 = arith.constant 0 : i32
      %dma_wait3A_313 = tpu.memref_slice %arg6[%dma_wait3A_304, %dma_wait3A_305, %dma_wait3A_306, %dma_wait3A_312] : memref<2x3x2x112xi32, #tpu.memory_space<vmem>> -> memref<1x1x1x112xi32, #tpu.memory_space<vmem>>
      %dma_wait3A_314 = tpu.memref_squeeze %dma_wait3A_313 : memref<1x1x1x112xi32, #tpu.memory_space<vmem>> -> memref<112xi32, #tpu.memory_space<vmem>>
      %dma_wait3A_315 = arith.constant 0 : i32
      %dma_wait3A_316 = arith.constant 0 : i32
      %dma_wait3A_317 = tpu.memref_slice %arg2[%dma_wait3A_315, %dma_wait3A_316] : memref<10000x128xf32, #tpu.memory_space<hbm>> -> memref<10000x128xf32, #tpu.memory_space<hbm>>
      tpu.wait_indirect_dma semaphore(%arg11 : memref<!tpu.dma_semaphore, #tpu.memory_space<semaphore_mem>>) src(%dma_wait3A_317 : memref<10000x128xf32, #tpu.memory_space<hbm>>) dst(%dma_wait3A_311 : memref<112x128xf32, #tpu.memory_space<vmem>>)
      %dma_start3A_318 = arith.constant 0 : i32
      %dma_start3A_319 = arith.constant 1 : i32
      %dma_start3A_320 = arith.constant 0 : i32
      %dma_start3A_321 = arith.constant 1 : i32
      %dma_start3A_322 = arith.constant 0 : i32
      %dma_start3A_323 = arith.constant 0 : i32
      %dma_start3A_324 = tpu.memref_slice %arg7[%dma_start3A_318, %dma_start3A_322, %dma_start3A_323] : memref<3x112x128xf32, #tpu.memory_space<vmem>> -> memref<1x112x128xf32, #tpu.memory_space<vmem>>
      %dma_start3A_325 = tpu.memref_squeeze %dma_start3A_324 : memref<1x112x128xf32, #tpu.memory_space<vmem>> -> memref<112x128xf32, #tpu.memory_space<vmem>>
      %dma_start3A_326 = arith.constant 0 : i32
      %dma_start3A_327 = tpu.memref_slice %arg6[%dma_start3A_319, %dma_start3A_320, %dma_start3A_321, %dma_start3A_326] : memref<2x3x2x112xi32, #tpu.memory_space<vmem>> -> memref<1x1x1x112xi32, #tpu.memory_space<vmem>>
      %dma_start3A_328 = tpu.memref_squeeze %dma_start3A_327 : memref<1x1x1x112xi32, #tpu.memory_space<vmem>> -> memref<112xi32, #tpu.memory_space<vmem>>
      %dma_start3A_329 = arith.constant 0 : i32
      %dma_start3A_330 = arith.constant 0 : i32
      %dma_start3A_331 = tpu.memref_slice %arg8[%dma_start3A_329, %dma_start3A_330] : memref<10112x128xf32, #tpu.memory_space<vmem_shared>> -> memref<10112x128xf32, #tpu.memory_space<vmem_shared>>
      tpu.enqueue_indirect_dma source(%dma_start3A_325 : memref<112x128xf32, #tpu.memory_space<vmem>>) target(%dma_start3A_331 : memref<10112x128xf32, #tpu.memory_space<vmem_shared>>) offsets(%dma_start3A_328 : memref<112xi32, #tpu.memory_space<vmem>>) semaphore(%arg14 : memref<!tpu.dma_semaphore, #tpu.memory_space<semaphore_mem>>) {add = true}
      %dma_wait3A_332 = arith.constant 1 : i32
      %dma_wait3A_333 = arith.constant 1 : i32
      %dma_wait3A_334 = arith.constant 0 : i32
      %dma_wait3A_335 = arith.constant 1 : i32
      %dma_wait3A_336 = arith.constant 0 : i32
      %dma_wait3A_337 = arith.constant 0 : i32
      %dma_wait3A_338 = tpu.memref_slice %arg7[%dma_wait3A_335, %dma_wait3A_336, %dma_wait3A_337] : memref<3x112x128xf32, #tpu.memory_space<vmem>> -> memref<1x112x128xf32, #tpu.memory_space<vmem>>
      %dma_wait3A_339 = tpu.memref_squeeze %dma_wait3A_338 : memref<1x112x128xf32, #tpu.memory_space<vmem>> -> memref<112x128xf32, #tpu.memory_space<vmem>>
      %dma_wait3A_340 = arith.constant 0 : i32
      %dma_wait3A_341 = tpu.memref_slice %arg6[%dma_wait3A_332, %dma_wait3A_333, %dma_wait3A_334, %dma_wait3A_340] : memref<2x3x2x112xi32, #tpu.memory_space<vmem>> -> memref<1x1x1x112xi32, #tpu.memory_space<vmem>>
      %dma_wait3A_342 = tpu.memref_squeeze %dma_wait3A_341 : memref<1x1x1x112xi32, #tpu.memory_space<vmem>> -> memref<112xi32, #tpu.memory_space<vmem>>
      %dma_wait3A_343 = arith.constant 0 : i32
      %dma_wait3A_344 = arith.constant 0 : i32
      %dma_wait3A_345 = tpu.memref_slice %arg2[%dma_wait3A_343, %dma_wait3A_344] : memref<10000x128xf32, #tpu.memory_space<hbm>> -> memref<10000x128xf32, #tpu.memory_space<hbm>>
      tpu.wait_indirect_dma semaphore(%arg12 : memref<!tpu.dma_semaphore, #tpu.memory_space<semaphore_mem>>) src(%dma_wait3A_345 : memref<10000x128xf32, #tpu.memory_space<hbm>>) dst(%dma_wait3A_339 : memref<112x128xf32, #tpu.memory_space<vmem>>)
      %dma_start3A_346 = arith.constant 1 : i32
      %dma_start3A_347 = arith.constant 1 : i32
      %dma_start3A_348 = arith.constant 1 : i32
      %dma_start3A_349 = arith.constant 1 : i32
      %dma_start3A_350 = arith.constant 0 : i32
      %dma_start3A_351 = arith.constant 0 : i32
      %dma_start3A_352 = tpu.memref_slice %arg7[%dma_start3A_346, %dma_start3A_350, %dma_start3A_351] : memref<3x112x128xf32, #tpu.memory_space<vmem>> -> memref<1x112x128xf32, #tpu.memory_space<vmem>>
      %dma_start3A_353 = tpu.memref_squeeze %dma_start3A_352 : memref<1x112x128xf32, #tpu.memory_space<vmem>> -> memref<112x128xf32, #tpu.memory_space<vmem>>
      %dma_start3A_354 = arith.constant 0 : i32
      %dma_start3A_355 = tpu.memref_slice %arg6[%dma_start3A_347, %dma_start3A_348, %dma_start3A_349, %dma_start3A_354] : memref<2x3x2x112xi32, #tpu.memory_space<vmem>> -> memref<1x1x1x112xi32, #tpu.memory_space<vmem>>
      %dma_start3A_356 = tpu.memref_squeeze %dma_start3A_355 : memref<1x1x1x112xi32, #tpu.memory_space<vmem>> -> memref<112xi32, #tpu.memory_space<vmem>>
      %dma_start3A_357 = arith.constant 0 : i32
      %dma_start3A_358 = arith.constant 0 : i32
      %dma_start3A_359 = tpu.memref_slice %arg8[%dma_start3A_357, %dma_start3A_358] : memref<10112x128xf32, #tpu.memory_space<vmem_shared>> -> memref<10112x128xf32, #tpu.memory_space<vmem_shared>>
      tpu.enqueue_indirect_dma source(%dma_start3A_353 : memref<112x128xf32, #tpu.memory_space<vmem>>) target(%dma_start3A_359 : memref<10112x128xf32, #tpu.memory_space<vmem_shared>>) offsets(%dma_start3A_356 : memref<112xi32, #tpu.memory_space<vmem>>) semaphore(%arg15 : memref<!tpu.dma_semaphore, #tpu.memory_space<semaphore_mem>>) {add = true}
      %dma_wait3A_360 = arith.constant 1 : i32
      %dma_wait3A_361 = arith.constant 2 : i32
      %dma_wait3A_362 = arith.constant 0 : i32
      %dma_wait3A_363 = arith.constant 2 : i32
      %dma_wait3A_364 = arith.constant 0 : i32
      %dma_wait3A_365 = arith.constant 0 : i32
      %dma_wait3A_366 = tpu.memref_slice %arg7[%dma_wait3A_363, %dma_wait3A_364, %dma_wait3A_365] : memref<3x112x128xf32, #tpu.memory_space<vmem>> -> memref<1x112x128xf32, #tpu.memory_space<vmem>>
      %dma_wait3A_367 = tpu.memref_squeeze %dma_wait3A_366 : memref<1x112x128xf32, #tpu.memory_space<vmem>> -> memref<112x128xf32, #tpu.memory_space<vmem>>
      %dma_wait3A_368 = arith.constant 0 : i32
      %dma_wait3A_369 = tpu.memref_slice %arg6[%dma_wait3A_360, %dma_wait3A_361, %dma_wait3A_362, %dma_wait3A_368] : memref<2x3x2x112xi32, #tpu.memory_space<vmem>> -> memref<1x1x1x112xi32, #tpu.memory_space<vmem>>
      %dma_wait3A_370 = tpu.memref_squeeze %dma_wait3A_369 : memref<1x1x1x112xi32, #tpu.memory_space<vmem>> -> memref<112xi32, #tpu.memory_space<vmem>>
      %dma_wait3A_371 = arith.constant 0 : i32
      %dma_wait3A_372 = arith.constant 0 : i32
      %dma_wait3A_373 = tpu.memref_slice %arg2[%dma_wait3A_371, %dma_wait3A_372] : memref<10000x128xf32, #tpu.memory_space<hbm>> -> memref<10000x128xf32, #tpu.memory_space<hbm>>
      tpu.wait_indirect_dma semaphore(%arg13 : memref<!tpu.dma_semaphore, #tpu.memory_space<semaphore_mem>>) src(%dma_wait3A_373 : memref<10000x128xf32, #tpu.memory_space<hbm>>) dst(%dma_wait3A_367 : memref<112x128xf32, #tpu.memory_space<vmem>>)
      %dma_start3A_374 = arith.constant 2 : i32
      %dma_start3A_375 = arith.constant 1 : i32
      %dma_start3A_376 = arith.constant 2 : i32
      %dma_start3A_377 = arith.constant 1 : i32
      %dma_start3A_378 = arith.constant 0 : i32
      %dma_start3A_379 = arith.constant 0 : i32
      %dma_start3A_380 = tpu.memref_slice %arg7[%dma_start3A_374, %dma_start3A_378, %dma_start3A_379] : memref<3x112x128xf32, #tpu.memory_space<vmem>> -> memref<1x112x128xf32, #tpu.memory_space<vmem>>
      %dma_start3A_381 = tpu.memref_squeeze %dma_start3A_380 : memref<1x112x128xf32, #tpu.memory_space<vmem>> -> memref<112x128xf32, #tpu.memory_space<vmem>>
      %dma_start3A_382 = arith.constant 0 : i32
      %dma_start3A_383 = tpu.memref_slice %arg6[%dma_start3A_375, %dma_start3A_376, %dma_start3A_377, %dma_start3A_382] : memref<2x3x2x112xi32, #tpu.memory_space<vmem>> -> memref<1x1x1x112xi32, #tpu.memory_space<vmem>>
      %dma_start3A_384 = tpu.memref_squeeze %dma_start3A_383 : memref<1x1x1x112xi32, #tpu.memory_space<vmem>> -> memref<112xi32, #tpu.memory_space<vmem>>
      %dma_start3A_385 = arith.constant 0 : i32
      %dma_start3A_386 = arith.constant 0 : i32
      %dma_start3A_387 = tpu.memref_slice %arg8[%dma_start3A_385, %dma_start3A_386] : memref<10112x128xf32, #tpu.memory_space<vmem_shared>> -> memref<10112x128xf32, #tpu.memory_space<vmem_shared>>
      tpu.enqueue_indirect_dma source(%dma_start3A_381 : memref<112x128xf32, #tpu.memory_space<vmem>>) target(%dma_start3A_387 : memref<10112x128xf32, #tpu.memory_space<vmem_shared>>) offsets(%dma_start3A_384 : memref<112xi32, #tpu.memory_space<vmem>>) semaphore(%arg16 : memref<!tpu.dma_semaphore, #tpu.memory_space<semaphore_mem>>) {add = true}
      %lt3A_388 = arith.constant 14 : i32
      %lt3A_389 = arith.cmpi slt, %scan3A_112, %lt3A_388 : i32
      %convert_element_type3A_390 = arith.extui %lt3A_389 : i1 to i32
      %cond3A_391 = arith.constant 0 : i32
      %cond3A_392 = arith.cmpi ne, %convert_element_type3A_390, %cond3A_391 : i32
      scf.if %cond3A_392 {
        %dma_wait3A_397 = arith.constant 0 : i32
        %dma_wait3A_398 = arith.constant 0 : i32
        %dma_wait3A_399 = arith.constant 0 : i32
        %dma_wait3A_400 = arith.constant 0 : i32
        %dma_wait3A_401 = tpu.memref_slice %arg6[%dma_wait3A_397, %dma_wait3A_398, %dma_wait3A_399, %dma_wait3A_400] : memref<2x3x2x112xi32, #tpu.memory_space<vmem>> -> memref<1x3x2x112xi32, #tpu.memory_space<vmem>>
        %dma_wait3A_402 = tpu.memref_squeeze %dma_wait3A_401 : memref<1x3x2x112xi32, #tpu.memory_space<vmem>> -> memref<3x2x112xi32, #tpu.memory_space<vmem>>
        %dma_wait3A_403 = arith.constant 0 : i32
        %dma_wait3A_404 = arith.constant 0 : i32
        %dma_wait3A_405 = arith.constant 0 : i32
        %dma_wait3A_406 = tpu.memref_slice %arg3[%add3A, %dma_wait3A_403, %dma_wait3A_404, %dma_wait3A_405] : memref<32x90x2x112xi32, #tpu.memory_space<hbm>> -> memref<1x3x2x112xi32, #tpu.memory_space<hbm>>
        %dma_wait3A_407 = tpu.memref_squeeze %dma_wait3A_406 : memref<1x3x2x112xi32, #tpu.memory_space<hbm>> -> memref<3x2x112xi32, #tpu.memory_space<hbm>>
        %dma_wait3A_408 = arith.constant 0 : i32
        %dma_wait3A_409 = arith.constant 0 : i32
        %dma_wait3A_410 = arith.constant 0 : i32
        %dma_wait3A_411 = tpu.memref_slice %arg6[%dma_wait3A_397, %dma_wait3A_408, %dma_wait3A_409, %dma_wait3A_410] : memref<2x3x2x112xi32, #tpu.memory_space<vmem>> -> memref<1x3x2x112xi32, #tpu.memory_space<vmem>>
        %dma_wait3A_412 = tpu.memref_squeeze %dma_wait3A_411 : memref<1x3x2x112xi32, #tpu.memory_space<vmem>> -> memref<3x2x112xi32, #tpu.memory_space<vmem>>
        %dma_wait3A_413 = arith.constant 0 : i32
        %dma_wait3A_414 = arith.constant 0 : i32
        %dma_wait3A_415 = arith.constant 0 : i32
        %dma_wait3A_416 = tpu.memref_slice %arg3[%add3A, %dma_wait3A_413, %dma_wait3A_414, %dma_wait3A_415] : memref<32x90x2x112xi32, #tpu.memory_space<hbm>> -> memref<1x3x2x112xi32, #tpu.memory_space<hbm>>
        %dma_wait3A_417 = tpu.memref_squeeze %dma_wait3A_416 : memref<1x3x2x112xi32, #tpu.memory_space<hbm>> -> memref<3x2x112xi32, #tpu.memory_space<hbm>>
        tpu.wait_dma2 semaphore(%arg9 : memref<!tpu.dma_semaphore, #tpu.memory_space<semaphore_mem>>) src(%dma_wait3A_417 : memref<3x2x112xi32, #tpu.memory_space<hbm>>) dst(%dma_wait3A_412 : memref<3x2x112xi32, #tpu.memory_space<vmem>>)
        %dma_wait3A_418 = arith.constant 0 : i32
        %dma_wait3A_419 = arith.constant 1 : i32
        %dma_wait3A_420 = arith.constant 0 : i32
        %dma_wait3A_421 = arith.constant 1 : i32
        %dma_wait3A_422 = arith.constant 0 : i32
        %dma_wait3A_423 = arith.constant 0 : i32
        %dma_wait3A_424 = tpu.memref_slice %arg7[%dma_wait3A_418, %dma_wait3A_422, %dma_wait3A_423] : memref<3x112x128xf32, #tpu.memory_space<vmem>> -> memref<1x112x128xf32, #tpu.memory_space<vmem>>
        %dma_wait3A_425 = tpu.memref_squeeze %dma_wait3A_424 : memref<1x112x128xf32, #tpu.memory_space<vmem>> -> memref<112x128xf32, #tpu.memory_space<vmem>>
        %dma_wait3A_426 = arith.constant 0 : i32
        %dma_wait3A_427 = tpu.memref_slice %arg6[%dma_wait3A_419, %dma_wait3A_420, %dma_wait3A_421, %dma_wait3A_426] : memref<2x3x2x112xi32, #tpu.memory_space<vmem>> -> memref<1x1x1x112xi32, #tpu.memory_space<vmem>>
        %dma_wait3A_428 = tpu.memref_squeeze %dma_wait3A_427 : memref<1x1x1x112xi32, #tpu.memory_space<vmem>> -> memref<112xi32, #tpu.memory_space<vmem>>
        %dma_wait3A_429 = arith.constant 0 : i32
        %dma_wait3A_430 = arith.constant 0 : i32
        %dma_wait3A_431 = tpu.memref_slice %arg8[%dma_wait3A_429, %dma_wait3A_430] : memref<10112x128xf32, #tpu.memory_space<vmem_shared>> -> memref<10112x128xf32, #tpu.memory_space<vmem_shared>>
        tpu.wait_indirect_dma semaphore(%arg14 : memref<!tpu.dma_semaphore, #tpu.memory_space<semaphore_mem>>) src(%dma_wait3A_425 : memref<112x128xf32, #tpu.memory_space<vmem>>) dst(%dma_wait3A_431 : memref<10112x128xf32, #tpu.memory_space<vmem_shared>>)
        %dma_start3A_432 = arith.constant 0 : i32
        %dma_start3A_433 = arith.constant 0 : i32
        %dma_start3A_434 = arith.constant 0 : i32
        %dma_start3A_435 = arith.constant 0 : i32
        %dma_start3A_436 = arith.constant 0 : i32
        %dma_start3A_437 = arith.constant 0 : i32
        %dma_start3A_438 = tpu.memref_slice %arg7[%dma_start3A_435, %dma_start3A_436, %dma_start3A_437] : memref<3x112x128xf32, #tpu.memory_space<vmem>> -> memref<1x112x128xf32, #tpu.memory_space<vmem>>
        %dma_start3A_439 = tpu.memref_squeeze %dma_start3A_438 : memref<1x112x128xf32, #tpu.memory_space<vmem>> -> memref<112x128xf32, #tpu.memory_space<vmem>>
        %dma_start3A_440 = arith.constant 0 : i32
        %dma_start3A_441 = tpu.memref_slice %arg6[%dma_start3A_432, %dma_start3A_433, %dma_start3A_434, %dma_start3A_440] : memref<2x3x2x112xi32, #tpu.memory_space<vmem>> -> memref<1x1x1x112xi32, #tpu.memory_space<vmem>>
        %dma_start3A_442 = tpu.memref_squeeze %dma_start3A_441 : memref<1x1x1x112xi32, #tpu.memory_space<vmem>> -> memref<112xi32, #tpu.memory_space<vmem>>
        %dma_start3A_443 = arith.constant 0 : i32
        %dma_start3A_444 = arith.constant 0 : i32
        %dma_start3A_445 = tpu.memref_slice %arg2[%dma_start3A_443, %dma_start3A_444] : memref<10000x128xf32, #tpu.memory_space<hbm>> -> memref<10000x128xf32, #tpu.memory_space<hbm>>
        tpu.enqueue_indirect_dma source(%dma_start3A_445 : memref<10000x128xf32, #tpu.memory_space<hbm>>) target(%dma_start3A_439 : memref<112x128xf32, #tpu.memory_space<vmem>>) offsets(%dma_start3A_442 : memref<112xi32, #tpu.memory_space<vmem>>) semaphore(%arg11 : memref<!tpu.dma_semaphore, #tpu.memory_space<semaphore_mem>>)
        %dma_wait3A_446 = arith.constant 1 : i32
        %dma_wait3A_447 = arith.constant 1 : i32
        %dma_wait3A_448 = arith.constant 1 : i32
        %dma_wait3A_449 = arith.constant 1 : i32
        %dma_wait3A_450 = arith.constant 0 : i32
        %dma_wait3A_451 = arith.constant 0 : i32
        %dma_wait3A_452 = tpu.memref_slice %arg7[%dma_wait3A_446, %dma_wait3A_450, %dma_wait3A_451] : memref<3x112x128xf32, #tpu.memory_space<vmem>> -> memref<1x112x128xf32, #tpu.memory_space<vmem>>
        %dma_wait3A_453 = tpu.memref_squeeze %dma_wait3A_452 : memref<1x112x128xf32, #tpu.memory_space<vmem>> -> memref<112x128xf32, #tpu.memory_space<vmem>>
        %dma_wait3A_454 = arith.constant 0 : i32
        %dma_wait3A_455 = tpu.memref_slice %arg6[%dma_wait3A_447, %dma_wait3A_448, %dma_wait3A_449, %dma_wait3A_454] : memref<2x3x2x112xi32, #tpu.memory_space<vmem>> -> memref<1x1x1x112xi32, #tpu.memory_space<vmem>>
        %dma_wait3A_456 = tpu.memref_squeeze %dma_wait3A_455 : memref<1x1x1x112xi32, #tpu.memory_space<vmem>> -> memref<112xi32, #tpu.memory_space<vmem>>
        %dma_wait3A_457 = arith.constant 0 : i32
        %dma_wait3A_458 = arith.constant 0 : i32
        %dma_wait3A_459 = tpu.memref_slice %arg8[%dma_wait3A_457, %dma_wait3A_458] : memref<10112x128xf32, #tpu.memory_space<vmem_shared>> -> memref<10112x128xf32, #tpu.memory_space<vmem_shared>>
        tpu.wait_indirect_dma semaphore(%arg15 : memref<!tpu.dma_semaphore, #tpu.memory_space<semaphore_mem>>) src(%dma_wait3A_453 : memref<112x128xf32, #tpu.memory_space<vmem>>) dst(%dma_wait3A_459 : memref<10112x128xf32, #tpu.memory_space<vmem_shared>>)
        %dma_start3A_460 = arith.constant 0 : i32
        %dma_start3A_461 = arith.constant 1 : i32
        %dma_start3A_462 = arith.constant 0 : i32
        %dma_start3A_463 = arith.constant 1 : i32
        %dma_start3A_464 = arith.constant 0 : i32
        %dma_start3A_465 = arith.constant 0 : i32
        %dma_start3A_466 = tpu.memref_slice %arg7[%dma_start3A_463, %dma_start3A_464, %dma_start3A_465] : memref<3x112x128xf32, #tpu.memory_space<vmem>> -> memref<1x112x128xf32, #tpu.memory_space<vmem>>
        %dma_start3A_467 = tpu.memref_squeeze %dma_start3A_466 : memref<1x112x128xf32, #tpu.memory_space<vmem>> -> memref<112x128xf32, #tpu.memory_space<vmem>>
        %dma_start3A_468 = arith.constant 0 : i32
        %dma_start3A_469 = tpu.memref_slice %arg6[%dma_start3A_460, %dma_start3A_461, %dma_start3A_462, %dma_start3A_468] : memref<2x3x2x112xi32, #tpu.memory_space<vmem>> -> memref<1x1x1x112xi32, #tpu.memory_space<vmem>>
        %dma_start3A_470 = tpu.memref_squeeze %dma_start3A_469 : memref<1x1x1x112xi32, #tpu.memory_space<vmem>> -> memref<112xi32, #tpu.memory_space<vmem>>
        %dma_start3A_471 = arith.constant 0 : i32
        %dma_start3A_472 = arith.constant 0 : i32
        %dma_start3A_473 = tpu.memref_slice %arg2[%dma_start3A_471, %dma_start3A_472] : memref<10000x128xf32, #tpu.memory_space<hbm>> -> memref<10000x128xf32, #tpu.memory_space<hbm>>
        tpu.enqueue_indirect_dma source(%dma_start3A_473 : memref<10000x128xf32, #tpu.memory_space<hbm>>) target(%dma_start3A_467 : memref<112x128xf32, #tpu.memory_space<vmem>>) offsets(%dma_start3A_470 : memref<112xi32, #tpu.memory_space<vmem>>) semaphore(%arg12 : memref<!tpu.dma_semaphore, #tpu.memory_space<semaphore_mem>>)
        %dma_wait3A_474 = arith.constant 2 : i32
        %dma_wait3A_475 = arith.constant 1 : i32
        %dma_wait3A_476 = arith.constant 2 : i32
        %dma_wait3A_477 = arith.constant 1 : i32
        %dma_wait3A_478 = arith.constant 0 : i32
        %dma_wait3A_479 = arith.constant 0 : i32
        %dma_wait3A_480 = tpu.memref_slice %arg7[%dma_wait3A_474, %dma_wait3A_478, %dma_wait3A_479] : memref<3x112x128xf32, #tpu.memory_space<vmem>> -> memref<1x112x128xf32, #tpu.memory_space<vmem>>
        %dma_wait3A_481 = tpu.memref_squeeze %dma_wait3A_480 : memref<1x112x128xf32, #tpu.memory_space<vmem>> -> memref<112x128xf32, #tpu.memory_space<vmem>>
        %dma_wait3A_482 = arith.constant 0 : i32
        %dma_wait3A_483 = tpu.memref_slice %arg6[%dma_wait3A_475, %dma_wait3A_476, %dma_wait3A_477, %dma_wait3A_482] : memref<2x3x2x112xi32, #tpu.memory_space<vmem>> -> memref<1x1x1x112xi32, #tpu.memory_space<vmem>>
        %dma_wait3A_484 = tpu.memref_squeeze %dma_wait3A_483 : memref<1x1x1x112xi32, #tpu.memory_space<vmem>> -> memref<112xi32, #tpu.memory_space<vmem>>
        %dma_wait3A_485 = arith.constant 0 : i32
        %dma_wait3A_486 = arith.constant 0 : i32
        %dma_wait3A_487 = tpu.memref_slice %arg8[%dma_wait3A_485, %dma_wait3A_486] : memref<10112x128xf32, #tpu.memory_space<vmem_shared>> -> memref<10112x128xf32, #tpu.memory_space<vmem_shared>>
        tpu.wait_indirect_dma semaphore(%arg16 : memref<!tpu.dma_semaphore, #tpu.memory_space<semaphore_mem>>) src(%dma_wait3A_481 : memref<112x128xf32, #tpu.memory_space<vmem>>) dst(%dma_wait3A_487 : memref<10112x128xf32, #tpu.memory_space<vmem_shared>>)
        %dma_start3A_488 = arith.constant 0 : i32
        %dma_start3A_489 = arith.constant 2 : i32
        %dma_start3A_490 = arith.constant 0 : i32
        %dma_start3A_491 = arith.constant 2 : i32
        %dma_start3A_492 = arith.constant 0 : i32
        %dma_start3A_493 = arith.constant 0 : i32
        %dma_start3A_494 = tpu.memref_slice %arg7[%dma_start3A_491, %dma_start3A_492, %dma_start3A_493] : memref<3x112x128xf32, #tpu.memory_space<vmem>> -> memref<1x112x128xf32, #tpu.memory_space<vmem>>
        %dma_start3A_495 = tpu.memref_squeeze %dma_start3A_494 : memref<1x112x128xf32, #tpu.memory_space<vmem>> -> memref<112x128xf32, #tpu.memory_space<vmem>>
        %dma_start3A_496 = arith.constant 0 : i32
        %dma_start3A_497 = tpu.memref_slice %arg6[%dma_start3A_488, %dma_start3A_489, %dma_start3A_490, %dma_start3A_496] : memref<2x3x2x112xi32, #tpu.memory_space<vmem>> -> memref<1x1x1x112xi32, #tpu.memory_space<vmem>>
        %dma_start3A_498 = tpu.memref_squeeze %dma_start3A_497 : memref<1x1x1x112xi32, #tpu.memory_space<vmem>> -> memref<112xi32, #tpu.memory_space<vmem>>
        %dma_start3A_499 = arith.constant 0 : i32
        %dma_start3A_500 = arith.constant 0 : i32
        %dma_start3A_501 = tpu.memref_slice %arg2[%dma_start3A_499, %dma_start3A_500] : memref<10000x128xf32, #tpu.memory_space<hbm>> -> memref<10000x128xf32, #tpu.memory_space<hbm>>
        tpu.enqueue_indirect_dma source(%dma_start3A_501 : memref<10000x128xf32, #tpu.memory_space<hbm>>) target(%dma_start3A_495 : memref<112x128xf32, #tpu.memory_space<vmem>>) offsets(%dma_start3A_498 : memref<112xi32, #tpu.memory_space<vmem>>) semaphore(%arg13 : memref<!tpu.dma_semaphore, #tpu.memory_space<semaphore_mem>>)
        %mul3A_502 = arith.constant 2 : i32
        %mul3A_503 = arith.muli %mul3A_502, %scan3A_112 : i32
        %add3A_504 = arith.constant 3 : i32
        %add3A_505 = arith.addi %mul3A_503, %add3A_504 : i32
        %mul3A_506 = arith.constant 3 : i32
        %mul3A_507 = arith.muli %add3A_505, %mul3A_506 : i32
        %dma_start3A_508 = arith.constant 1 : i32
        %dma_start3A_509 = arith.constant 0 : i32
        %dma_start3A_510 = arith.constant 0 : i32
        %dma_start3A_511 = arith.constant 0 : i32
        %dma_start3A_512 = tpu.memref_slice %arg6[%dma_start3A_508, %dma_start3A_509, %dma_start3A_510, %dma_start3A_511] : memref<2x3x2x112xi32, #tpu.memory_space<vmem>> -> memref<1x3x2x112xi32, #tpu.memory_space<vmem>>
        %dma_start3A_513 = tpu.memref_squeeze %dma_start3A_512 : memref<1x3x2x112xi32, #tpu.memory_space<vmem>> -> memref<3x2x112xi32, #tpu.memory_space<vmem>>
        %dma_start3A_514 = arith.constant 0 : i32
        %dma_start3A_515 = arith.constant 0 : i32
        %dma_start3A_516 = tpu.memref_slice %arg3[%add3A, %mul3A_507, %dma_start3A_514, %dma_start3A_515] : memref<32x90x2x112xi32, #tpu.memory_space<hbm>> -> memref<1x3x2x112xi32, #tpu.memory_space<hbm>>
        %dma_start3A_517 = tpu.memref_squeeze %dma_start3A_516 : memref<1x3x2x112xi32, #tpu.memory_space<hbm>> -> memref<3x2x112xi32, #tpu.memory_space<hbm>>
        %dma_start3A_518 = arith.constant 0 : i32
        %dma_start3A_519 = arith.constant 0 : i32
        %dma_start3A_520 = arith.constant 0 : i32
        %dma_start3A_521 = tpu.memref_slice %arg6[%dma_start3A_508, %dma_start3A_518, %dma_start3A_519, %dma_start3A_520] : memref<2x3x2x112xi32, #tpu.memory_space<vmem>> -> memref<1x3x2x112xi32, #tpu.memory_space<vmem>>
        %dma_start3A_522 = tpu.memref_squeeze %dma_start3A_521 : memref<1x3x2x112xi32, #tpu.memory_space<vmem>> -> memref<3x2x112xi32, #tpu.memory_space<vmem>>
        %dma_start3A_523 = arith.constant 0 : i32
        %dma_start3A_524 = arith.constant 0 : i32
        %dma_start3A_525 = tpu.memref_slice %arg3[%add3A, %mul3A_507, %dma_start3A_523, %dma_start3A_524] : memref<32x90x2x112xi32, #tpu.memory_space<hbm>> -> memref<1x3x2x112xi32, #tpu.memory_space<hbm>>
        %dma_start3A_526 = tpu.memref_squeeze %dma_start3A_525 : memref<1x3x2x112xi32, #tpu.memory_space<hbm>> -> memref<3x2x112xi32, #tpu.memory_space<hbm>>
        tpu.enqueue_dma source(%dma_start3A_526 : memref<3x2x112xi32, #tpu.memory_space<hbm>>) target(%dma_start3A_522 : memref<3x2x112xi32, #tpu.memory_space<vmem>>) target_semaphore(%arg10 : memref<!tpu.dma_semaphore, #tpu.memory_space<semaphore_mem>>)
      } else {
      }
      %eq3A = arith.constant 14 : i32
      %eq3A_393 = arith.cmpi eq, %scan3A_112, %eq3A : i32
      %convert_element_type3A_394 = arith.extui %eq3A_393 : i1 to i32
      %cond3A_395 = arith.constant 0 : i32
      %cond3A_396 = arith.cmpi ne, %convert_element_type3A_394, %cond3A_395 : i32
      scf.if %cond3A_396 {
        %dma_wait3A_397 = arith.constant 0 : i32
        %dma_wait3A_398 = arith.constant 1 : i32
        %dma_wait3A_399 = arith.constant 0 : i32
        %dma_wait3A_400 = arith.constant 1 : i32
        %dma_wait3A_401 = arith.constant 0 : i32
        %dma_wait3A_402 = arith.constant 0 : i32
        %dma_wait3A_403 = tpu.memref_slice %arg7[%dma_wait3A_397, %dma_wait3A_401, %dma_wait3A_402] : memref<3x112x128xf32, #tpu.memory_space<vmem>> -> memref<1x112x128xf32, #tpu.memory_space<vmem>>
        %dma_wait3A_404 = tpu.memref_squeeze %dma_wait3A_403 : memref<1x112x128xf32, #tpu.memory_space<vmem>> -> memref<112x128xf32, #tpu.memory_space<vmem>>
        %dma_wait3A_405 = arith.constant 0 : i32
        %dma_wait3A_406 = tpu.memref_slice %arg6[%dma_wait3A_398, %dma_wait3A_399, %dma_wait3A_400, %dma_wait3A_405] : memref<2x3x2x112xi32, #tpu.memory_space<vmem>> -> memref<1x1x1x112xi32, #tpu.memory_space<vmem>>
        %dma_wait3A_407 = tpu.memref_squeeze %dma_wait3A_406 : memref<1x1x1x112xi32, #tpu.memory_space<vmem>> -> memref<112xi32, #tpu.memory_space<vmem>>
        %dma_wait3A_408 = arith.constant 0 : i32
        %dma_wait3A_409 = arith.constant 0 : i32
        %dma_wait3A_410 = tpu.memref_slice %arg8[%dma_wait3A_408, %dma_wait3A_409] : memref<10112x128xf32, #tpu.memory_space<vmem_shared>> -> memref<10112x128xf32, #tpu.memory_space<vmem_shared>>
        tpu.wait_indirect_dma semaphore(%arg14 : memref<!tpu.dma_semaphore, #tpu.memory_space<semaphore_mem>>) src(%dma_wait3A_404 : memref<112x128xf32, #tpu.memory_space<vmem>>) dst(%dma_wait3A_410 : memref<10112x128xf32, #tpu.memory_space<vmem_shared>>)
        %dma_wait3A_411 = arith.constant 1 : i32
        %dma_wait3A_412 = arith.constant 1 : i32
        %dma_wait3A_413 = arith.constant 1 : i32
        %dma_wait3A_414 = arith.constant 1 : i32
        %dma_wait3A_415 = arith.constant 0 : i32
        %dma_wait3A_416 = arith.constant 0 : i32
        %dma_wait3A_417 = tpu.memref_slice %arg7[%dma_wait3A_411, %dma_wait3A_415, %dma_wait3A_416] : memref<3x112x128xf32, #tpu.memory_space<vmem>> -> memref<1x112x128xf32, #tpu.memory_space<vmem>>
        %dma_wait3A_418 = tpu.memref_squeeze %dma_wait3A_417 : memref<1x112x128xf32, #tpu.memory_space<vmem>> -> memref<112x128xf32, #tpu.memory_space<vmem>>
        %dma_wait3A_419 = arith.constant 0 : i32
        %dma_wait3A_420 = tpu.memref_slice %arg6[%dma_wait3A_412, %dma_wait3A_413, %dma_wait3A_414, %dma_wait3A_419] : memref<2x3x2x112xi32, #tpu.memory_space<vmem>> -> memref<1x1x1x112xi32, #tpu.memory_space<vmem>>
        %dma_wait3A_421 = tpu.memref_squeeze %dma_wait3A_420 : memref<1x1x1x112xi32, #tpu.memory_space<vmem>> -> memref<112xi32, #tpu.memory_space<vmem>>
        %dma_wait3A_422 = arith.constant 0 : i32
        %dma_wait3A_423 = arith.constant 0 : i32
        %dma_wait3A_424 = tpu.memref_slice %arg8[%dma_wait3A_422, %dma_wait3A_423] : memref<10112x128xf32, #tpu.memory_space<vmem_shared>> -> memref<10112x128xf32, #tpu.memory_space<vmem_shared>>
        tpu.wait_indirect_dma semaphore(%arg15 : memref<!tpu.dma_semaphore, #tpu.memory_space<semaphore_mem>>) src(%dma_wait3A_418 : memref<112x128xf32, #tpu.memory_space<vmem>>) dst(%dma_wait3A_424 : memref<10112x128xf32, #tpu.memory_space<vmem_shared>>)
        %dma_wait3A_425 = arith.constant 2 : i32
        %dma_wait3A_426 = arith.constant 1 : i32
        %dma_wait3A_427 = arith.constant 2 : i32
        %dma_wait3A_428 = arith.constant 1 : i32
        %dma_wait3A_429 = arith.constant 0 : i32
        %dma_wait3A_430 = arith.constant 0 : i32
        %dma_wait3A_431 = tpu.memref_slice %arg7[%dma_wait3A_425, %dma_wait3A_429, %dma_wait3A_430] : memref<3x112x128xf32, #tpu.memory_space<vmem>> -> memref<1x112x128xf32, #tpu.memory_space<vmem>>
        %dma_wait3A_432 = tpu.memref_squeeze %dma_wait3A_431 : memref<1x112x128xf32, #tpu.memory_space<vmem>> -> memref<112x128xf32, #tpu.memory_space<vmem>>
        %dma_wait3A_433 = arith.constant 0 : i32
        %dma_wait3A_434 = tpu.memref_slice %arg6[%dma_wait3A_426, %dma_wait3A_427, %dma_wait3A_428, %dma_wait3A_433] : memref<2x3x2x112xi32, #tpu.memory_space<vmem>> -> memref<1x1x1x112xi32, #tpu.memory_space<vmem>>
        %dma_wait3A_435 = tpu.memref_squeeze %dma_wait3A_434 : memref<1x1x1x112xi32, #tpu.memory_space<vmem>> -> memref<112xi32, #tpu.memory_space<vmem>>
        %dma_wait3A_436 = arith.constant 0 : i32
        %dma_wait3A_437 = arith.constant 0 : i32
        %dma_wait3A_438 = tpu.memref_slice %arg8[%dma_wait3A_436, %dma_wait3A_437] : memref<10112x128xf32, #tpu.memory_space<vmem_shared>> -> memref<10112x128xf32, #tpu.memory_space<vmem_shared>>
        tpu.wait_indirect_dma semaphore(%arg16 : memref<!tpu.dma_semaphore, #tpu.memory_space<semaphore_mem>>) src(%dma_wait3A_432 : memref<112x128xf32, #tpu.memory_space<vmem>>) dst(%dma_wait3A_438 : memref<10112x128xf32, #tpu.memory_space<vmem_shared>>)
      } else {
      }
    }
    %scan3A_110 = arith.constant 15 : i32
    %barrier3A_111 = arith.constant 0 : index
    tpu.barrier barrier_id(%barrier3A_111)
    "tpu.region"() ({
      %run_scoped3A = tpu.sem_alloc : memref<!tpu.dma_semaphore, #tpu.memory_space<semaphore_mem>>
      %dma_start3A_112 = arith.constant 0 : i32
      %dma_start3A_113 = tpu.memref_slice %arg5[%arg0, %mul3A_2, %dma_start3A_112] : memref<2x10112x128xf32, #tpu.memory_space<hbm>> -> memref<1x632x128xf32, #tpu.memory_space<hbm>>
      %dma_start3A_114 = tpu.memref_squeeze %dma_start3A_113 : memref<1x632x128xf32, #tpu.memory_space<hbm>> -> memref<632x128xf32, #tpu.memory_space<hbm>>
      %dma_start3A_115 = arith.constant 0 : i32
      %dma_start3A_116 = tpu.memref_slice %arg8[%mul3A_2, %dma_start3A_115] : memref<10112x128xf32, #tpu.memory_space<vmem_shared>> -> memref<632x128xf32, #tpu.memory_space<vmem_shared>>
      tpu.enqueue_dma source(%dma_start3A_116 : memref<632x128xf32, #tpu.memory_space<vmem_shared>>) target(%dma_start3A_114 : memref<632x128xf32, #tpu.memory_space<hbm>>) target_semaphore(%run_scoped3A : memref<!tpu.dma_semaphore, #tpu.memory_space<semaphore_mem>>)
      %dma_wait3A_117 = arith.constant 0 : i32
      %dma_wait3A_118 = tpu.memref_slice %arg5[%arg0, %mul3A_2, %dma_wait3A_117] : memref<2x10112x128xf32, #tpu.memory_space<hbm>> -> memref<1x632x128xf32, #tpu.memory_space<hbm>>
      %dma_wait3A_119 = tpu.memref_squeeze %dma_wait3A_118 : memref<1x632x128xf32, #tpu.memory_space<hbm>> -> memref<632x128xf32, #tpu.memory_space<hbm>>
      %dma_wait3A_120 = arith.constant 0 : i32
      %dma_wait3A_121 = tpu.memref_slice %arg8[%mul3A_2, %dma_wait3A_120] : memref<10112x128xf32, #tpu.memory_space<vmem_shared>> -> memref<632x128xf32, #tpu.memory_space<vmem_shared>>
      tpu.wait_dma2 semaphore(%run_scoped3A : memref<!tpu.dma_semaphore, #tpu.memory_space<semaphore_mem>>) src(%dma_wait3A_121 : memref<632x128xf32, #tpu.memory_space<vmem_shared>>) dst(%dma_wait3A_119 : memref<632x128xf32, #tpu.memory_space<hbm>>)
      tpu.yield
    }) : () -> ()
    return
  }
}

module attributes {stable_mosaic.version = 14 : i64} {
  func.func @_gin_mlp_kernel(%arg0: i32, %arg1: memref<1000x128xf32, #tpu.memory_space<vmem>>, %arg2: memref<1x1000x128xf32, #tpu.memory_space<vmem>>, %arg3: memref<1x1000x128xf32, #tpu.memory_space<vmem>>, %arg4: memref<128x128xf32, #tpu.memory_space<vmem>>, %arg5: memref<1x128xf32, #tpu.memory_space<vmem>>, %arg6: memref<128x128xf32, #tpu.memory_space<vmem>>, %arg7: memref<1x128xf32, #tpu.memory_space<vmem>>, %arg8: memref<1000x128xf32, #tpu.memory_space<vmem>>) attributes {dimension_semantics = [#tpu.dimension_semantics<arbitrary>], iteration_bounds = array<i64: 10>, scalar_prefetch = 0 : i64, scratch_operands = 0 : i64, tpu.core_type = #tpu.core_type<tc>, window_params = [{transform_indices = @transform_0, window_bounds = array<i64: 1000, 128>}, {transform_indices = @transform_1, window_bounds = array<i64: 1, 1000, 128>}, {transform_indices = @transform_2, window_bounds = array<i64: 1, 1000, 128>}, {pipeline_mode = #tpu.pipeline_mode<synchronous>, transform_indices = @transform_3, window_bounds = array<i64: 128, 128>}, {pipeline_mode = #tpu.pipeline_mode<synchronous>, transform_indices = @transform_4, window_bounds = array<i64: 1, 128>}, {pipeline_mode = #tpu.pipeline_mode<synchronous>, transform_indices = @transform_5, window_bounds = array<i64: 128, 128>}, {pipeline_mode = #tpu.pipeline_mode<synchronous>, transform_indices = @transform_6, window_bounds = array<i64: 1, 128>}, {transform_indices = @transform_7, window_bounds = array<i64: 1000, 128>}]} {
    %get3A = arith.constant 0 : index
    %get3A_0 = arith.constant 0 : index
    %get3A_1 = vector.load %arg1[%get3A, %get3A_0] : memref<1000x128xf32, #tpu.memory_space<vmem>>, vector<1000x128xf32>
    %get3A_2 = arith.constant 0 : index
    %get3A_3 = arith.constant 0 : index
    %get3A_4 = arith.constant 0 : index
    %get3A_5 = vector.load %arg2[%get3A_2, %get3A_3, %get3A_4] : memref<1x1000x128xf32, #tpu.memory_space<vmem>>, vector<1x1000x128xf32>
    %get3A_6 = vector.shape_cast %get3A_5 : vector<1x1000x128xf32> to vector<1000x128xf32>
    %add3A = arith.addf %get3A_1, %get3A_6 : vector<1000x128xf32>
    %get3A_7 = arith.constant 0 : index
    %get3A_8 = arith.constant 0 : index
    %get3A_9 = arith.constant 0 : index
    %get3A_10 = vector.load %arg3[%get3A_7, %get3A_8, %get3A_9] : memref<1x1000x128xf32, #tpu.memory_space<vmem>>, vector<1x1000x128xf32>
    %get3A_11 = vector.shape_cast %get3A_10 : vector<1x1000x128xf32> to vector<1000x128xf32>
    %add3A_12 = arith.addf %add3A, %get3A_11 : vector<1000x128xf32>
    %get3A_13 = arith.constant 0 : index
    %get3A_14 = arith.constant 0 : index
    %get3A_15 = vector.load %arg4[%get3A_13, %get3A_14] : memref<128x128xf32, #tpu.memory_space<vmem>>, vector<128x128xf32>
    %dot_general3A = arith.constant dense<0.000000e+00> : vector<1000x128xf32>
    %dot_general3A_16 = tpu.matmul %add3A_12, %get3A_15, %dot_general3A {dimension_numbers = #tpu.dot_dimension_numbers<[1], [0], [0], [1], [0, 0, 1, 1], [], []>, transpose_lhs_hint = false} : vector<1000x128xf32>, vector<128x128xf32>, vector<1000x128xf32> -> vector<1000x128xf32>
    %get3A_17 = arith.constant 0 : index
    %get3A_18 = arith.constant 0 : index
    %get3A_19 = vector.load %arg5[%get3A_17, %get3A_18] : memref<1x128xf32, #tpu.memory_space<vmem>>, vector<1x128xf32>
    %add3A_20 = vector.broadcast %get3A_19 : vector<1x128xf32> to vector<1000x128xf32>
    %add3A_21 = arith.addf %dot_general3A_16, %add3A_20 : vector<1000x128xf32>
    %max3A = arith.constant 0.000000e+00 : f32
    %max3A_22 = vector.broadcast %max3A : f32 to vector<1000x128xf32>
    %max3A_23 = arith.maximumf %add3A_21, %max3A_22 : vector<1000x128xf32>
    %get3A_24 = arith.constant 0 : index
    %get3A_25 = arith.constant 0 : index
    %get3A_26 = vector.load %arg6[%get3A_24, %get3A_25] : memref<128x128xf32, #tpu.memory_space<vmem>>, vector<128x128xf32>
    %dot_general3A_27 = arith.constant dense<0.000000e+00> : vector<1000x128xf32>
    %dot_general3A_28 = tpu.matmul %max3A_23, %get3A_26, %dot_general3A_27 {dimension_numbers = #tpu.dot_dimension_numbers<[1], [0], [0], [1], [0, 0, 1, 1], [], []>, transpose_lhs_hint = false} : vector<1000x128xf32>, vector<128x128xf32>, vector<1000x128xf32> -> vector<1000x128xf32>
    %get3A_29 = arith.constant 0 : index
    %get3A_30 = arith.constant 0 : index
    %get3A_31 = vector.load %arg7[%get3A_29, %get3A_30] : memref<1x128xf32, #tpu.memory_space<vmem>>, vector<1x128xf32>
    %add3A_32 = vector.broadcast %get3A_31 : vector<1x128xf32> to vector<1000x128xf32>
    %add3A_33 = arith.addf %dot_general3A_28, %add3A_32 : vector<1000x128xf32>
    %max3A_34 = arith.constant 0.000000e+00 : f32
    %max3A_35 = vector.broadcast %max3A_34 : f32 to vector<1000x128xf32>
    %max3A_36 = arith.maximumf %add3A_33, %max3A_35 : vector<1000x128xf32>
    %swap3A = arith.constant 0 : index
    %swap3A_37 = arith.constant 0 : index
    %swap3A_38 = vector.load %arg8[%swap3A, %swap3A_37] : memref<1000x128xf32, #tpu.memory_space<vmem>>, vector<1000x128xf32>
    tpu.vector_store %arg8[%swap3A, %swap3A_37], %max3A_36 {strides = array<i32>} : memref<1000x128xf32, #tpu.memory_space<vmem>>, vector<1000x128xf32>,
    return
  }
  func.func @transform_0(%arg0: i32) -> (i32, i32) {
    %c0_i32 = arith.constant 0 : i32
    %c0_i32_0 = arith.constant 0 : i32
    return %arg0, %c0_i32 : i32, i32
  }
  func.func @transform_1(%arg0: i32) -> (i32, i32, i32) {
    %c0_i32 = arith.constant 0 : i32
    %c0_i32_0 = arith.constant 0 : i32
    %c0_i32_1 = arith.constant 0 : i32
    return %c0_i32, %arg0, %c0_i32_0 : i32, i32, i32
  }
  func.func @transform_2(%arg0: i32) -> (i32, i32, i32) {
    %c1_i32 = arith.constant 1 : i32
    %c0_i32 = arith.constant 0 : i32
    %c0_i32_0 = arith.constant 0 : i32
    return %c1_i32, %arg0, %c0_i32 : i32, i32, i32
  }
  func.func @transform_3(%arg0: i32) -> (i32, i32) {
    %c0_i32 = arith.constant 0 : i32
    %c0_i32_0 = arith.constant 0 : i32
    %c0_i32_1 = arith.constant 0 : i32
    return %c0_i32, %c0_i32_0 : i32, i32
  }
  func.func @transform_4(%arg0: i32) -> (i32, i32) {
    %c0_i32 = arith.constant 0 : i32
    %c0_i32_0 = arith.constant 0 : i32
    %c0_i32_1 = arith.constant 0 : i32
    return %c0_i32, %c0_i32_0 : i32, i32
  }
  func.func @transform_5(%arg0: i32) -> (i32, i32) {
    %c0_i32 = arith.constant 0 : i32
    %c0_i32_0 = arith.constant 0 : i32
    %c0_i32_1 = arith.constant 0 : i32
    return %c0_i32, %c0_i32_0 : i32, i32
  }
  func.func @transform_6(%arg0: i32) -> (i32, i32) {
    %c0_i32 = arith.constant 0 : i32
    %c0_i32_0 = arith.constant 0 : i32
    %c0_i32_1 = arith.constant 0 : i32
    return %c0_i32, %c0_i32_0 : i32, i32
  }
  func.func @transform_7(%arg0: i32) -> (i32, i32) {
    %c0_i32 = arith.constant 0 : i32
    %c0_i32_0 = arith.constant 0 : i32
    return %arg0, %c0_i32 : i32, i32
  }
}

module attributes {stable_mosaic.version = 14 : i64} {
  func.func @_gin_mlp_final_kernel(%arg0: i32, %arg1: memref<10000x128xf32, #tpu.memory_space<vmem>>, %arg2: memref<1x10000x128xf32, #tpu.memory_space<vmem>>, %arg3: memref<1x10000x128xf32, #tpu.memory_space<vmem>>, %arg4: memref<128x128xf32, #tpu.memory_space<vmem>>, %arg5: memref<1x128xf32, #tpu.memory_space<vmem>>, %arg6: memref<128x128xf32, #tpu.memory_space<vmem>>, %arg7: memref<1x128xf32, #tpu.memory_space<vmem>>, %arg8: memref<128x64xf32, #tpu.memory_space<vmem>>, %arg9: memref<1x64xf32, #tpu.memory_space<vmem>>, %arg10: memref<64x1xf32, #tpu.memory_space<vmem>>, %arg11: memref<1x1xf32, #tpu.memory_space<vmem>>, %arg12: memref<10000xf32, #tpu.memory_space<vmem>>) attributes {dimension_semantics = [#tpu.dimension_semantics<arbitrary>], iteration_bounds = array<i64: 1>, scalar_prefetch = 0 : i64, scratch_operands = 0 : i64, tpu.core_type = #tpu.core_type<tc>, window_params = [{pipeline_mode = #tpu.pipeline_mode<synchronous>, transform_indices = @transform_0, window_bounds = array<i64: 10000, 128>}, {transform_indices = @transform_1, window_bounds = array<i64: 1, 10000, 128>}, {transform_indices = @transform_2, window_bounds = array<i64: 1, 10000, 128>}, {pipeline_mode = #tpu.pipeline_mode<synchronous>, transform_indices = @transform_3, window_bounds = array<i64: 128, 128>}, {pipeline_mode = #tpu.pipeline_mode<synchronous>, transform_indices = @transform_4, window_bounds = array<i64: 1, 128>}, {pipeline_mode = #tpu.pipeline_mode<synchronous>, transform_indices = @transform_5, window_bounds = array<i64: 128, 128>}, {pipeline_mode = #tpu.pipeline_mode<synchronous>, transform_indices = @transform_6, window_bounds = array<i64: 1, 128>}, {pipeline_mode = #tpu.pipeline_mode<synchronous>, transform_indices = @transform_7, window_bounds = array<i64: 128, 64>}, {pipeline_mode = #tpu.pipeline_mode<synchronous>, transform_indices = @transform_8, window_bounds = array<i64: 1, 64>}, {pipeline_mode = #tpu.pipeline_mode<synchronous>, transform_indices = @transform_9, window_bounds = array<i64: 64, 1>}, {pipeline_mode = #tpu.pipeline_mode<synchronous>, transform_indices = @transform_10, window_bounds = array<i64: 1, 1>}, {pipeline_mode = #tpu.pipeline_mode<synchronous>, transform_indices = @transform_11, window_bounds = array<i64: 10000>}]} {
    %get3A = arith.constant 0 : index
    %get3A_0 = arith.constant 0 : index
    %get3A_1 = vector.load %arg1[%get3A, %get3A_0] : memref<10000x128xf32, #tpu.memory_space<vmem>>, vector<10000x128xf32>
    %get3A_2 = arith.constant 0 : index
    %get3A_3 = arith.constant 0 : index
    %get3A_4 = arith.constant 0 : index
    %get3A_5 = vector.load %arg2[%get3A_2, %get3A_3, %get3A_4] : memref<1x10000x128xf32, #tpu.memory_space<vmem>>, vector<1x10000x128xf32>
    %get3A_6 = vector.shape_cast %get3A_5 : vector<1x10000x128xf32> to vector<10000x128xf32>
    %add3A = arith.addf %get3A_1, %get3A_6 : vector<10000x128xf32>
    %get3A_7 = arith.constant 0 : index
    %get3A_8 = arith.constant 0 : index
    %get3A_9 = arith.constant 0 : index
    %get3A_10 = vector.load %arg3[%get3A_7, %get3A_8, %get3A_9] : memref<1x10000x128xf32, #tpu.memory_space<vmem>>, vector<1x10000x128xf32>
    %get3A_11 = vector.shape_cast %get3A_10 : vector<1x10000x128xf32> to vector<10000x128xf32>
    %add3A_12 = arith.addf %add3A, %get3A_11 : vector<10000x128xf32>
    %get3A_13 = arith.constant 0 : index
    %get3A_14 = arith.constant 0 : index
    %get3A_15 = vector.load %arg4[%get3A_13, %get3A_14] : memref<128x128xf32, #tpu.memory_space<vmem>>, vector<128x128xf32>
    %dot_general3A = arith.constant dense<0.000000e+00> : vector<10000x128xf32>
    %dot_general3A_16 = tpu.matmul %add3A_12, %get3A_15, %dot_general3A {dimension_numbers = #tpu.dot_dimension_numbers<[1], [0], [0], [1], [0, 0, 1, 1], [], []>, transpose_lhs_hint = false} : vector<10000x128xf32>, vector<128x128xf32>, vector<10000x128xf32> -> vector<10000x128xf32>
    %get3A_17 = arith.constant 0 : index
    %get3A_18 = arith.constant 0 : index
    %get3A_19 = vector.load %arg5[%get3A_17, %get3A_18] : memref<1x128xf32, #tpu.memory_space<vmem>>, vector<1x128xf32>
    %add3A_20 = vector.broadcast %get3A_19 : vector<1x128xf32> to vector<10000x128xf32>
    %add3A_21 = arith.addf %dot_general3A_16, %add3A_20 : vector<10000x128xf32>
    %max3A = arith.constant 0.000000e+00 : f32
    %max3A_22 = vector.broadcast %max3A : f32 to vector<10000x128xf32>
    %max3A_23 = arith.maximumf %add3A_21, %max3A_22 : vector<10000x128xf32>
    %get3A_24 = arith.constant 0 : index
    %get3A_25 = arith.constant 0 : index
    %get3A_26 = vector.load %arg6[%get3A_24, %get3A_25] : memref<128x128xf32, #tpu.memory_space<vmem>>, vector<128x128xf32>
    %dot_general3A_27 = arith.constant dense<0.000000e+00> : vector<10000x128xf32>
    %dot_general3A_28 = tpu.matmul %max3A_23, %get3A_26, %dot_general3A_27 {dimension_numbers = #tpu.dot_dimension_numbers<[1], [0], [0], [1], [0, 0, 1, 1], [], []>, transpose_lhs_hint = false} : vector<10000x128xf32>, vector<128x128xf32>, vector<10000x128xf32> -> vector<10000x128xf32>
    %get3A_29 = arith.constant 0 : index
    %get3A_30 = arith.constant 0 : index
    %get3A_31 = vector.load %arg7[%get3A_29, %get3A_30] : memref<1x128xf32, #tpu.memory_space<vmem>>, vector<1x128xf32>
    %add3A_32 = vector.broadcast %get3A_31 : vector<1x128xf32> to vector<10000x128xf32>
    %add3A_33 = arith.addf %dot_general3A_28, %add3A_32 : vector<10000x128xf32>
    %max3A_34 = arith.constant 0.000000e+00 : f32
    %max3A_35 = vector.broadcast %max3A_34 : f32 to vector<10000x128xf32>
    %max3A_36 = arith.maximumf %add3A_33, %max3A_35 : vector<10000x128xf32>
    %get3A_37 = arith.constant 0 : index
    %get3A_38 = arith.constant 0 : index
    %get3A_39 = vector.load %arg8[%get3A_37, %get3A_38] : memref<128x64xf32, #tpu.memory_space<vmem>>, vector<128x64xf32>
    %dot_general3A_40 = arith.constant dense<0.000000e+00> : vector<10000x64xf32>
    %dot_general3A_41 = tpu.matmul %max3A_36, %get3A_39, %dot_general3A_40 {dimension_numbers = #tpu.dot_dimension_numbers<[1], [0], [0], [1], [0, 0, 1, 1], [], []>, transpose_lhs_hint = false} : vector<10000x128xf32>, vector<128x64xf32>, vector<10000x64xf32> -> vector<10000x64xf32>
    %get3A_42 = arith.constant 0 : index
    %get3A_43 = arith.constant 0 : index
    %get3A_44 = vector.load %arg9[%get3A_42, %get3A_43] : memref<1x64xf32, #tpu.memory_space<vmem>>, vector<1x64xf32>
    %add3A_45 = vector.broadcast %get3A_44 : vector<1x64xf32> to vector<10000x64xf32>
    %add3A_46 = arith.addf %dot_general3A_41, %add3A_45 : vector<10000x64xf32>
    %max3A_47 = arith.constant 0.000000e+00 : f32
    %max3A_48 = vector.broadcast %max3A_47 : f32 to vector<10000x64xf32>
    %max3A_49 = arith.maximumf %add3A_46, %max3A_48 : vector<10000x64xf32>
    %get3A_50 = arith.constant 0 : index
    %get3A_51 = arith.constant 0 : index
    %get3A_52 = vector.load %arg10[%get3A_50, %get3A_51] : memref<64x1xf32, #tpu.memory_space<vmem>>, vector<64x1xf32>
    %dot_general3A_53 = arith.constant dense<0.000000e+00> : vector<10000x1xf32>
    %dot_general3A_54 = tpu.matmul %max3A_49, %get3A_52, %dot_general3A_53 {dimension_numbers = #tpu.dot_dimension_numbers<[1], [0], [0], [1], [0, 0, 1, 1], [], []>, transpose_lhs_hint = false} : vector<10000x64xf32>, vector<64x1xf32>, vector<10000x1xf32> -> vector<10000x1xf32>
    %get3A_55 = arith.constant 0 : index
    %get3A_56 = arith.constant 0 : index
    %get3A_57 = vector.load %arg11[%get3A_55, %get3A_56] : memref<1x1xf32, #tpu.memory_space<vmem>>, vector<1x1xf32>
    %add3A_58 = vector.broadcast %get3A_57 : vector<1x1xf32> to vector<10000x1xf32>
    %add3A_59 = arith.addf %dot_general3A_54, %add3A_58 : vector<10000x1xf32>
    %squeeze3A = vector.shape_cast %add3A_59 : vector<10000x1xf32> to vector<10000xf32>
    %swap3A = arith.constant 0 : index
    %swap3A_60 = vector.load %arg12[%swap3A] : memref<10000xf32, #tpu.memory_space<vmem>>, vector<10000xf32>
    tpu.vector_store %arg12[%swap3A], %squeeze3A {strides = array<i32>} : memref<10000xf32, #tpu.memory_space<vmem>>, vector<10000xf32>,
    return
  }
  func.func @transform_0(%arg0: i32) -> (i32, i32) {
    %c0_i32 = arith.constant 0 : i32
    %c0_i32_0 = arith.constant 0 : i32
    %c0_i32_1 = arith.constant 0 : i32
    return %c0_i32, %c0_i32_0 : i32, i32
  }
  func.func @transform_1(%arg0: i32) -> (i32, i32, i32) {
    %c0_i32 = arith.constant 0 : i32
    %c0_i32_0 = arith.constant 0 : i32
    %c0_i32_1 = arith.constant 0 : i32
    %c0_i32_2 = arith.constant 0 : i32
    return %c0_i32, %c0_i32_0, %c0_i32_1 : i32, i32, i32
  }
  func.func @transform_2(%arg0: i32) -> (i32, i32, i32) {
    %c1_i32 = arith.constant 1 : i32
    %c0_i32 = arith.constant 0 : i32
    %c0_i32_0 = arith.constant 0 : i32
    %c0_i32_1 = arith.constant 0 : i32
    return %c1_i32, %c0_i32, %c0_i32_0 : i32, i32, i32
  }
  func.func @transform_3(%arg0: i32) -> (i32, i32) {
    %c0_i32 = arith.constant 0 : i32
    %c0_i32_0 = arith.constant 0 : i32
    %c0_i32_1 = arith.constant 0 : i32
    return %c0_i32, %c0_i32_0 : i32, i32
  }
  func.func @transform_4(%arg0: i32) -> (i32, i32) {
    %c0_i32 = arith.constant 0 : i32
    %c0_i32_0 = arith.constant 0 : i32
    %c0_i32_1 = arith.constant 0 : i32
    return %c0_i32, %c0_i32_0 : i32, i32
  }
  func.func @transform_5(%arg0: i32) -> (i32, i32) {
    %c0_i32 = arith.constant 0 : i32
    %c0_i32_0 = arith.constant 0 : i32
    %c0_i32_1 = arith.constant 0 : i32
    return %c0_i32, %c0_i32_0 : i32, i32
  }
  func.func @transform_6(%arg0: i32) -> (i32, i32) {
    %c0_i32 = arith.constant 0 : i32
    %c0_i32_0 = arith.constant 0 : i32
    %c0_i32_1 = arith.constant 0 : i32
    return %c0_i32, %c0_i32_0 : i32, i32
  }
  func.func @transform_7(%arg0: i32) -> (i32, i32) {
    %c0_i32 = arith.constant 0 : i32
    %c0_i32_0 = arith.constant 0 : i32
    %c0_i32_1 = arith.constant 0 : i32
    return %c0_i32, %c0_i32_0 : i32, i32
  }
  func.func @transform_8(%arg0: i32) -> (i32, i32) {
    %c0_i32 = arith.constant 0 : i32
    %c0_i32_0 = arith.constant 0 : i32
    %c0_i32_1 = arith.constant 0 : i32
    return %c0_i32, %c0_i32_0 : i32, i32
  }
  func.func @transform_9(%arg0: i32) -> (i32, i32) {
    %c0_i32 = arith.constant 0 : i32
    %c0_i32_0 = arith.constant 0 : i32
    %c0_i32_1 = arith.constant 0 : i32
    return %c0_i32, %c0_i32_0 : i32, i32
  }
  func.func @transform_10(%arg0: i32) -> (i32, i32) {
    %c0_i32 = arith.constant 0 : i32
    %c0_i32_0 = arith.constant 0 : i32
    %c0_i32_1 = arith.constant 0 : i32
    return %c0_i32, %c0_i32_0 : i32, i32
  }
  func.func @transform_11(%arg0: i32) -> i32 {
    %c0_i32 = arith.constant 0 : i32
    %c0_i32_0 = arith.constant 0 : i32
    return %c0_i32 : i32
  }
}

</mosaic_0001>

<sc_bundles>
// kernel: kernel.6.cloned.1.call-start
scs
__scs_entry_jumppad:
0x0: {  	(pc) =	sbr.rel $0x88, $3  }
0x1: {  	(tag) =	ssettag $0x0;
	lr =	simm.s32 $0x1  }
0x2: {  	[smem:$0x3F93] =	sst lr;
	_ =	strace $0xD0000000  }
0x3: {  	_ = 	snop  }
0x4: {  	_ = 	snop  }
0x5: {  	_ = 	snop  }
0x6: {  	_ = 	snop  }
0x7: {  	_ = 	snop  }
__scs_overlays_trampoline_lowered:
0x8: {  	[smem:$0x3FA2] =	sst s0  }
0x9: {  	[smem:$0x3FA3] =	sst s1  }
0xa: {  	[smem:$0x3FA4] =	sst s2  }
0xb: {  	[smem:$0x3FA5] =	sst s3  }
0xc: {  	[smem:$0x3FA6] =	sst s4  }
0xd: {  	[smem:$0x3FA7] =	sst s5  }
0xe: {  	[smem:$0x3FA8] =	sst s6  }
0xf: {  	[smem:$0x3FA9] =	sst s7  }
0x10: {  	[smem:$0x3FAA] =	sst s8  }
0x11: {  	[smem:$0x3FAB] =	sst s9;
	s0 =	simm.s32 @!p0 $0x0  }
0x12: {  	s1 =	sld [smem:$0x3F91];
	s0 =	simm.s32 @p0 $0x1  }
0x13: {  	[smem:$0x3FAC] =	sst s0;
	s0 =	simm.s32 @!p1 $0x0  }
0x14: {  	s2 =	sld [smem:$0x3F90];
	s0 =	simm.s32 @p1 $0x1  }
0x15: {  	[smem:$0x3FAD] =	sst s0;
	s0 =	simm.s32 @!p2 $0x0  }
0x16: {  	s3 =	sld [smem:$0x3FDB];
	s0 =	simm.s32 @p2 $0x1  }
0x17: {  	s4 =	simm.s32 $0x1BF5;
	[smem:$0x3FAF] =	sst s0  }
0x18: {  	s0 =	sld [smem:$0x3F92];
	_ =	swait.ge [sflag:s4], $0x0  }
0x19: {  	s7 =	sld [smem:$0x3F93]  }
0x1a: {  	s8 =	sadd.s32 $0xFFFFE003, lr  }
0x1b: {  	s9 =	sadd.s32 $0xFFFFFEF7, lr;
	s5 =	simm.s32 $0xFFFFFFFF;
	p2 =	slt.u32 s8, $0xFFFFF086  }
0x1c: {  	p1 =	slt.u32 s9, $0xF7A;
	s5 =	simm.s32 @!p2 $0x0  }
0x1d: {  	s5 =	simm.s32 @p1 $0x1;
	p0 =	seq.s32 s7, s2  }
0x1e: {  	s7 =	smul.u32 @!p0 $0xF7A, s2;
	p2 =	seq.s32 @!p0 s5, $0x0  }
0x1f: {  	s9 =	smul.u32 $0xF7A, s1;
	s8 =	simm.s32 @!p0 $0x1BF5;
	p2 =	por !p2, p0  }
0x20: {  	[sflag:s8] =	ssyncset.s32 @!p0 $0xFFFFF086;
	s6 =	sadd.s32 @!p0 s3, s7;
	s7 =	simm.s32 @!p0 $0x108  }
0x21: {  	s3 =	sadd.s32 s3, s9;
	s6 =	sadd.s32 @!p0 $0x88, s6;
	s7 =	simm.s32 @p2 $0x1082  }
0x22: {  	[simem:s7], [sflag:s8] =	dma.local @!p0 [hbm:s6], $0xF7A  }
0x23: {  	s9 =	sor.u32 $0xD0000000, s2;
	s6 =	simm.s32 $0x108;
	_ =	swait.ge @!p0 [sflag:s8], $0x0  }
0x24: {  	s3 =	sadd.s32 $0x88, s3;
	s6 =	simm.s32 @!p1 $0x1082;
	[sflag:s4] =	ssyncset.s32 $0xFFFFF086  }
0x25: {  	[simem:s6], [sflag:s4] =	dma.local [hbm:s3], $0xF7A  }
0x26: {  	[smem:$0x3F93] =	sst s1;
	(tag) =	ssettag s2;
	_ =	strace s9  }
0x27: {  	s1 =	sld [smem:$0x3FA3]  }
0x28: {  	s2 =	sld [smem:$0x3FA4]  }
0x29: {  	s4 =	sld [smem:$0x3FA6]  }
0x2a: {  	p0 =	seq.s32 s5, $0x0;
	s5 =	sld [smem:$0x3FA7]  }
0x2b: {  	s6 =	sld [smem:$0x3FA8]  }
0x2c: {  	s7 =	sld [smem:$0x3FA9]  }
0x2d: {  	s3 =	simm.s32 $0x108;
	s8 =	sld [smem:$0x3FAA]  }
0x2e: {  	s3 =	simm.s32 @!p0 $0x1082;
	s9 =	sld [smem:$0x3FAB]  }
0x2f: {  	lr =	sadd.s32 s0, s3;
	s0 =	sld [smem:$0x3FA2]  }
0x30: {  	s3 =	sld [smem:$0x3FA5]  }
0x31: {  	[smem:$0x3FAE] =	sst s10  }
0x32: {  	s10 =	sld [smem:$0x3FAC];
	_ =	sdelay $0x3  }
0x33: {  	p0 =	seq.s32 s10, $0x1;
	s10 =	sld [smem:$0x3FAE];
	_ =	sdelay $0x3  }
0x34: {  	[smem:$0x3FAE] =	sst s10  }
0x35: {  	s10 =	sld [smem:$0x3FAD];
	_ =	sdelay $0x3  }
0x36: {  	p1 =	seq.s32 s10, $0x1;
	s10 =	sld [smem:$0x3FAE];
	_ =	sdelay $0x3  }
0x37: {  	[smem:$0x3FAE] =	sst s10  }
0x38: {  	s10 =	sld [smem:$0x3FAF]  }
0x39: {  	_ = 	snop;
	(pc) =	sbr.ind lr, $3  }
0x3a: {  	_ = 	snop  }
0x3b: {  	_ = 	snop  }
0x3c: {  	p2 =	seq.s32 s10, $0x1;
	s10 =	sld [smem:$0x3FAE]  }
0x3d: {  	_ =	shalt  }
0x3e: {  	_ =	shalt  }
0x3f: {  	_ =	shalt  }
0x40: {  	_ =	shalt  }
0x41: {  	_ =	shalt  }
0x42: {  	_ =	shalt  }
0x43: {  	_ =	shalt  }
0x44: {  	_ =	shalt  }
0x45: {  	_ =	shalt  }
0x46: {  	_ =	shalt  }
0x47: {  	_ =	shalt  }
0x48: {  	_ =	shalt  }
0x49: {  	_ =	shalt  }
0x4a: {  	_ =	shalt  }
0x4b: {  	_ =	shalt  }
0x4c: {  	_ =	shalt  }
0x4d: {  	_ =	shalt  }
0x4e: {  	_ =	shalt  }
0x4f: {  	_ =	shalt  }
0x50: {  	_ =	shalt  }
0x51: {  	_ =	shalt  }
0x52: {  	_ =	shalt  }
0x53: {  	_ =	shalt  }
0x54: {  	_ =	shalt  }
0x55: {  	_ =	shalt  }
0x56: {  	_ =	shalt  }
0x57: {  	_ =	shalt  }
0x58: {  	_ =	shalt  }
0x59: {  	_ =	shalt  }
0x5a: {  	_ =	shalt  }
0x5b: {  	_ =	shalt  }
0x5c: {  	_ =	shalt  }
0x5d: {  	_ =	shalt  }
0x5e: {  	_ =	shalt  }
0x5f: {  	_ =	shalt  }
0x60: {  	_ =	shalt  }
0x61: {  	_ =	shalt  }
0x62: {  	_ =	shalt  }
0x63: {  	_ =	shalt  }
0x64: {  	_ =	shalt  }
0x65: {  	_ =	shalt  }
0x66: {  	_ =	shalt  }
0x67: {  	_ =	shalt  }
0x68: {  	_ =	shalt  }
0x69: {  	_ =	shalt  }
0x6a: {  	_ =	shalt  }
0x6b: {  	_ =	shalt  }
0x6c: {  	_ =	shalt  }
0x6d: {  	_ =	shalt  }
0x6e: {  	_ =	shalt  }
0x6f: {  	_ =	shalt  }
0x70: {  	_ =	shalt  }
0x71: {  	_ =	shalt  }
0x72: {  	_ =	shalt  }
0x73: {  	_ =	shalt  }
0x74: {  	_ =	shalt  }
0x75: {  	_ =	shalt  }
0x76: {  	_ =	shalt  }
0x77: {  	_ =	shalt  }
0x78: {  	_ =	shalt  }
0x79: {  	_ =	shalt  }
0x7a: {  	_ =	shalt  }
0x7b: {  	_ =	shalt  }
0x7c: {  	_ =	shalt  }
0x7d: {  	_ =	shalt  }
0x7e: {  	_ =	shalt  }
0x7f: {  	_ =	shalt  }
0x80: {  	_ =	shalt  }
0x81: {  	_ =	shalt  }
0x82: {  	_ =	shalt  }
0x83: {  	_ =	shalt  }
0x84: {  	_ =	shalt  }
0x85: {  	_ =	shalt  }
0x86: {  	_ =	shalt  }
0x87: {  	_ =	shalt  }
.Lfunc_end0:
.L_simem_size_0:
called_computation_lowered:
.L_overlay_start_0:
0x88: {  	s2 =	sld [smem:$0x3FD9]  }
0x89: {  	s3 =	sld [smem:$0x3FFE];
	_ =	sdelay $0x1  }
0x8a: {  	s1 =	srdreg.scid  }
0x8b: {  	s0 =	sand.u32 $0x1, s1  }
0x8c: {  	s17 =	sshll.u32 s0, $0xA;
	s2 =	sadd.s32 s3, s2  }
0x8d: {  	s2 =	sadd.s32 s2, s17  }
0x8e: {  	[smem:$0x3FBA] =	sst s2  }
0x8f: {  	_ = 	snop  }
0x90: {  	s2 =	sld [smem:$0x3FC9];
	(tm) =	ssettm $0x1  }
0x91: {  	s18 =	sld [smem:$0x3FFB];
	_ =	sdelay $0x3  }
0x92: {  	_ =	strace s18  }
0x93: {  	s3 =	sld [smem:$0x3FFC];
	_ =	sdelay $0x3  }
0x94: {  	_ =	strace s3  }
0x95: {  	s3 =	sld [smem:$0x3FFD];
	_ =	sdelay $0x3  }
0x96: {  	_ =	strace s3  }
0x97: {  	_ =	strace $0x8FFFFFFF  }
0x98: {  	s19 =	sld [smem:$0x3FDB];
	_ =	sdelay $0x1  }
0x99: {  	s4 =	simm.s32 $_scs_section_size  }
0x9a: {  	s5 =	simm.s32 $_size__tile_overlayer_lowered;
	s6 =	simm.s32 $_tile_overlayer_lowered  }
0x9b: {  	s22 =	simm.s32 $0x1BFF;
	s21 =	sshll.u32 s6, $0x1;
	s3 =	sadd.s32 s4, s19  }
0x9c: {  	s7 =	simm.s32 $0x0;
	s20 =	sshll.u32 s5, $0x1;
	s5 =	sadd.s32 s21, s3  }
0x9d: {  	[timem:s7], [sflag:s22] =	dma.local [hbm:s5], s20  }
0x9e: {  	_ =	swait.ge [sflag:s22], s20  }
0x9f: {  	s4 =	ssub.s32 $0x0, s20;
	[sflag:s22] =	ssyncset.done $0x0  }
0xa0: {  	[sflag:s22] =	ssyncadd.s32 s4;
	_ =	sdelay $0x1  }
0xa1: {  	s23 =	simm.s32 $0x1B8B  }
0xa2: {  	_ =	swait.ge [sflag:s23], $0x1  }
0xa3: {  	[sflag:s23] =	ssyncset.done $0x0  }
0xa4: {  	s25 =	simm.s32 $0x1B8E;
	s24 =	sld [smem:$0x3FFE];
	[sflag:s23] =	ssyncadd.s32 $0xFFFFFFFF  }
0xa5: {  	s26 =	simm.s32 $execute0_lowered;
	[smem:$0x3FD2] =	sst s25  }
0xa6: {  	s5 =	sshll.u32 s26, $0x1;
	_ =	strace $0x80000046;
	[dreg:$0x1] =	wrdreg $0xFFFFFFFF  }
0xa7: {  	s28 =	simm.s32 $_size_execute0_lowered;
	s3 =	sadd.s32 s3, s5;
	[dreg:$0x0] =	wrdreg $0x0  }
0xa8: {  	s5 =	sshll.u32 s28, $0x1;
	[dreg:$0x2] =	wrdreg s3  }
0xa9: {  	[dreg:$0x3] =	wrdreg s5  }
0xaa: {  	[dreg:$0x4] =	wrdreg $0xC0  }
0xab: {  	_ =	task [dreg:s7], $0x5FFFF  }
0xac: {  	[dreg:$0x1] =	wrdreg $0xFFFFFFFF  }
0xad: {  	[dreg:$0x0] =	wrdreg $0x60  }
0xae: {  	[dreg:$0x2] =	wrdreg s2  }
0xaf: {  	[dreg:$0x3] =	wrdreg s24  }
0xb0: {  	[dreg:$0x4] =	wrdreg $0xAE000  }
0xb1: {  	[dreg:$0x5] =	wrdreg $0x9  }
0xb2: {  	_ =	task.clear_ibuf [dreg:s7], $0x6FFFF;
	_ =	strace $0x90000046  }
0xb3: {  	s29 =	simm.s32 $0x9;
	_ =	strace $0x80000048  }
0xb4: {  	_ =	swait.ge [sflag:s29], $0x1  }
0xb5: {  	[sflag:s29] =	ssyncadd.s32 $0xFFFFFFFF  }
0xb6: {  	_ =	strace $0x90000048  }
0xb7: {  	_ =	sfence  }
0xb8: {  	s30 =	sld [smem:$0x0];
	_ =	sdelay $0x2  }
0xb9: {  	s31 =	sshll.u32 s1, $0xD;
	s1 =	sshrl.u32 s1, $0x2  }
0xba: {  	s3 =	sand.u32 $0x4000, s31;
	s1 =	sadd.s32 s1, s30  }
0xbb: {  	s0 =	sor.u32 s3, s0;
	s1 =	sshll.u32 s1, $0x11  }
0xbc: {  	s0 =	sor.u32 s1, s0  }
0xbd: {  	s0 =	sadd.s32 $0x8F2B, s0  }
0xbe: {  	[sflag:s0] =	ssyncadd.remote.s32 $0x1  }
0xbf: {  	_ =	sfence.sel $0xFFFF  }
0xc0: {  	[dreg:$0x0] =	wrdreg $0xFFFFFFFF;
	(pc) =	sbr.abs _section_cstart, $3  }
0xc1: {  	[dreg:$0x1] =	wrdreg $0xFFFFFFFF  }
0xc2: {  	_ =	task.clear_ibuf [dreg:s7], $0x2FFFF;
	_ =	strace $0x9FFFFFFF  }
0xc3: {  	(tm) =	ssettm $0x7FFFFFFF  }
tec
execute0_lowered:
.L_overlay_start_1:
0x0: {  	(tag) =	ssettag $0x1  }
0x1: {  	s1 =	rddreg [dreg:$0x0]  }
0x2: {  	s0 =	rddreg [dreg:$0x1]  }
0x3: {  	s3 =	rddreg [dreg:$0x2];
	s4 =	simm.s32 $0x0  }
0x4: {  	s13 =	stileid.u32;
	s2 =	srdreg.scid;
	s16 =	simm.s32 $0x300  }
0x5: {  	s28 =	simm.s32 $0x180;
	s29 =	simm.s32 $0x5;
	s30 =	simm.s32 $0x280  }
0x6: {  	s31 =	simm.s32 $0x2;
	[smem:$0x7FF] =	sst s4;
	s6 =	smul.u32 $0x13C00, s13  }
0x7: {  	s2 =	sand.u32 $0x1, s2;
	s5 =	sadd.s32 $0x2E00, s0;
	s10 =	smul.u32 $0x4F000, s13  }
0x8: {  	s8 =	sshll.u32 s13, $0x1;
	s11 =	smul.u32 $0xB400, s13;
	s21 =	sshll.u32 s13, $0x6  }
0x9: {  	s13 =	simm.s32 $0x580;
	_ =	strace $0x80000047;
	s7 =	smul.u32 $0x13C000, s2  }
0xa: {  	s8 =	sor.u32 s2, s8;
	s18 =	ssub.s32 $0x2, s2;
	s2 =	smul.u32 $0x5A00, s2  }
0xb: {  	s14 =	sor.u32 $0x1C09, s21;
	s21 =	simm.s32 $0x3E00;
	s9 =	sshrl.u32 s6, $0x3  }
0xc: {  	s17 =	smul.u32 $0x5A00, s8;
	s12 =	sshrl.u32 s18, $0x1;
	s10 =	sshrl.u32 s10, $0x2  }
0xd: {  	s8 =	simm.s32 $0x0;
	[dreg:$0x6] =	wrdreg s14;
	s9 =	sadd.s32 s9, s0  }
0xe: {  	s6 =	sadd.s32 s6, s7;
	s19 =	ssub.s32 s18, s12;
	s20 =	sadd.s32 s10, s3  }
0xf: {  	s2 =	sadd.s32 s2, s11;
	s18 =	simm.s32 $0x70;
	s10 =	simm.s32 $0x380  }
0x10: {  	s11 =	simm.s32 $0x480;
	[dreg:$0xc] =	wrdreg s8;
	s6 =	sshrl.u32 s6, $0x3  }
0x11: {  	s9 =	sadd.s32 $0x19600, s9;
	s7 =	sshrl.u32 s17, $0x3;
	s23 =	sadd.s32 $0x900, s2  }
0x12: {  	s25 =	smax.u32 s19, $0x1;
	s26 =	sadd.s32 $0x600, s2;
	s15 =	sshrl.u32 s20, $0x3  }
0x13: {  	s20 =	simm.s32 $0x9;
	s17 =	simm.s32 $0x1;
	s19 =	simm.s32 $0x600  }
0x14: {  	s2 =	simm.s32 $0x7;
	s0 =	sadd.s32 s6, s0;
	[dreg:$0x4] =	wrdreg s9  }
0x15: {  	s22 =	sadd.s32 s5, s7;
	s7 =	sshrl.u32 s23, $0x3;
	[dreg:$0x9] =	wrdreg s25  }
0x16: {  	[dreg:$0xa] =	wrdreg s26;
	s23 =	simm.s32 $0x7600;
	s25 =	simm.s32 $0x80  }
.Ltmp0:
0x17: {  	s26 =	simm.s32 $0x4;
	[dreg:$0xb] =	wrdreg s15;
	(pc) =	sbr.rel .LBB2_1-.Ltmp0, $4  }
0x18: {  	s6 =	simm.s32 $0x400;
	s9 =	simm.s32 $0x8;
	[dreg:$0x5] =	wrdreg s22  }
0x19: {  	s24 =	sadd.s32 $0x60, s22;
	s0 =	sadd.s32 $0x40E00, s0;
	s12 =	sadd.s32 s7, s5  }
0x1a: {  	s22 =	simm.s32 $0x200;
	s7 =	simm.s32 $0x500;
	[dreg:$0x7] =	wrdreg s24  }
0x1b: {  	[dreg:$0x8] =	wrdreg s0;
	s24 =	simm.s32 $0x3;
	s0 =	simm.s32 $0x6  }
.LBB2_4:
0x1c: {  	_ =	swait.ge [sflag:s0], $0x3800  }
0x1d: {  	[sflag:s0] =	ssyncset.done $0x0  }
0x1e: {  	[sflag:s0] =	ssyncadd.s32 $0xFFFFC800  }
0x1f: {  	_ =	swait.ge [sflag:s2], $0x3800  }
0x20: {  	[sflag:s2] =	ssyncset.done $0x0  }
0x21: {  	[sflag:s2] =	ssyncadd.s32 $0xFFFFC800  }
0x22: {  	_ =	swait.ge [sflag:s9], $0x3800  }
0x23: {  	[sflag:s9] =	ssyncset.done $0x0  }
0x24: {  	[sflag:s9] =	ssyncadd.s32 $0xFFFFC800  }
0x25: {  	[bflag:$0x0] =	sbarrier.arrive $0xFFFF  }
0x26: {  	s14 =	rddreg [dreg:$0x6]  }
0x27: {  	s8 =	rddreg [dreg:$0x8]  }
0x28: {  	s20 =	simm.s32 $0x9;
	s15 =	rddreg [dreg:$0xb]  }
0x29: {  	[hbm:s8], [sflag:s14] =	dma.local [spmem:s15], $0x2780  }
0x2a: {  	_ =	swait.ge [sflag:s20], $0x2780  }
0x2b: {  	s8 =	rddreg [dreg:$0xc]  }
0x2c: {  	s14 =	sadd.s32 $0x1, s8;
	s8 =	rddreg [dreg:$0x9]  }
0x2d: {  	p0 =	sne.s32 s14, s8  }
.Ltmp1:
0x2e: {  	_ = 	snop;
	(pc) =	sbr.rel @!p0 .LBB2_5-.Ltmp1, $3  }
0x2f: {  	_ =	sdelay $0x1  }
0x30: {  	[sflag:s20] =	ssyncset.done $0x0;
	[dreg:$0xc] =	wrdreg s14  }
0x31: {  	[sflag:s20] =	ssyncadd.s32 $0xFFFFD880;
	s14 =	rddreg [dreg:$0x6]  }
.LBB2_1:
0x32: {  	s8 =	rddreg [dreg:$0x4]  }
0x33: {  	[spmem:s15], [sflag:s14] =	dma.local [hbm:s8], $0x2780  }
0x34: {  	_ =	swait.ge [sflag:s20], $0x2780  }
0x35: {  	[sflag:s20] =	ssyncset.done $0x0  }
0x36: {  	[sflag:s20] =	ssyncadd.s32 $0xFFFFD880  }
0x37: {  	[bflag:$0x0] =	sbarrier.arrive $0xFFFF  }
0x38: {  	s14 =	rddreg [dreg:$0x5]  }
0x39: {  	[tilespmem:s4], [sflag:$0x1] =	stream.linear.gather [hbm4b:s14+s4], $0x300, $0x38;
	[tilespmem:$0x1EA00] =	vst v63  }
0x3a: {  	s15 =	rddreg [dreg:$0x7]  }
0x3b: {  	[tilespmem:s16], [sflag:$0x2] =	stream.linear.gather [hbm4b:s15+s4], $0x300, $0x38;
	[tilespmem:$0x1EA00] =	vst v63  }
0x3c: {  	_ =	swait.ge [sflag:s17], $0x300  }
0x3d: {  	[sflag:s17] =	ssyncset.done $0x0  }
0x3e: {  	[sflag:s17] =	ssyncadd.s32 $0xFFFFFD00  }
0x3f: {  	[tilespmem:s19], [sflag:$0x3] =	stream.indirect.gather [hbm4b:s1+s18], $0x80, s4, s18, $0xb8;
	[tilespmem:$0x1EA00] =	vst v63  }
0x40: {  	s20 =	simm.s32 $0x100  }
0x41: {  	[tilespmem:s21], [sflag:$0x4] =	stream.indirect.gather [hbm4b:s1+s18], $0x80, s20, s18, $0xb8;
	[tilespmem:$0x1EA00] =	vst v63  }
0x42: {  	s15 =	simm.s32 $0x0;
	s14 =	rddreg [dreg:$0xa]  }
0x43: {  	[tilespmem:s23], [sflag:$0x5] =	stream.indirect.gather [hbm4b:s1+s18], $0x80, s22, s18, $0xb8;
	[tilespmem:$0x1EA00] =	vst v63  }
.LBB2_2:
0x44: {  	_ =	swait.ge [sflag:s24], $0x3800  }
0x45: {  	[sflag:s24] =	ssyncset.done $0x0  }
0x46: {  	[sflag:s24] =	ssyncadd.s32 $0xFFFFC800  }
0x47: {  	[spmem:s3] =	stream.indirect.scatter.add.f32 [tilespmem:s19], [sflag:$0x6], $0x80, s25, s18, $0xb8;
	[tilespmem:$0x1EA00] =	vst v63  }
0x48: {  	_ =	swait.ge [sflag:s26], $0x3800  }
0x49: {  	[sflag:s26] =	ssyncset.done $0x0  }
0x4a: {  	[sflag:s26] =	ssyncadd.s32 $0xFFFFC800  }
0x4b: {  	[spmem:s3] =	stream.indirect.scatter.add.f32 [tilespmem:s21], [sflag:$0x7], $0x80, s28, s18, $0xb8;
	[tilespmem:$0x1EA00] =	vst v63  }
0x4c: {  	_ =	swait.ge [sflag:s29], $0x3800  }
0x4d: {  	[sflag:s29] =	ssyncset.done $0x0  }
0x4e: {  	[sflag:s29] =	ssyncadd.s32 $0xFFFFC800  }
0x4f: {  	[spmem:s3] =	stream.indirect.scatter.add.f32 [tilespmem:s23], [sflag:$0x8], $0x80, s30, s18, $0xb8;
	[tilespmem:$0x1EA00] =	vst v63  }
0x50: {  	_ =	swait.ge [sflag:s31], $0x300  }
0x51: {  	[sflag:s31] =	ssyncset.done $0x0  }
0x52: {  	[sflag:s31] =	ssyncadd.s32 $0xFFFFFD00  }
0x53: {  	_ =	swait.ge [sflag:s0], $0x3800  }
0x54: {  	[sflag:s0] =	ssyncset.done $0x0  }
0x55: {  	[sflag:s0] =	ssyncadd.s32 $0xFFFFC800  }
0x56: {  	[tilespmem:s19], [sflag:$0x3] =	stream.indirect.gather [hbm4b:s1+s18], $0x80, s16, s18, $0xb8;
	[tilespmem:$0x1EA00] =	vst v63  }
0x57: {  	_ =	swait.ge [sflag:s2], $0x3800  }
0x58: {  	[sflag:s2] =	ssyncset.done $0x0  }
0x59: {  	[sflag:s2] =	ssyncadd.s32 $0xFFFFC800  }
0x5a: {  	[tilespmem:s21], [sflag:$0x4] =	stream.indirect.gather [hbm4b:s1+s18], $0x80, s6, s18, $0xb8;
	[tilespmem:$0x1EA00] =	vst v63  }
0x5b: {  	_ =	swait.ge [sflag:s9], $0x3800  }
0x5c: {  	p0 =	seq.s32 s15, $0xA80;
	[sflag:s9] =	ssyncset.done $0x0  }
0x5d: {  	s8 =	sshrl.u32 @!p0 s14, $0x3;
	[sflag:s9] =	ssyncadd.s32 $0xFFFFC800  }
0x5e: {  	[tilespmem:s23], [sflag:$0x5] =	stream.indirect.gather [hbm4b:s1+s18], $0x80, s7, s18, $0xb8;
	[tilespmem:$0x1EA00] =	vst v63  }
0x5f: {  	s20 =	simm.s32 @!p0 $0x0;
	s8 =	sadd.s32 @!p0 s5, s8  }
0x60: {  	[tilespmem:s20], [sflag:$0x1] =	stream.linear.gather @!p0 [hbm4b:s8+s20], $0x300, $0x38;
	[tilespmem:$0x1EA00] =	vst v63  }
0x61: {  	_ =	swait.ge [sflag:s24], $0x3800  }
0x62: {  	[sflag:s24] =	ssyncset.done $0x0  }
0x63: {  	[sflag:s24] =	ssyncadd.s32 $0xFFFFC800  }
0x64: {  	[spmem:s3] =	stream.indirect.scatter.add.f32 [tilespmem:s19], [sflag:$0x6], $0x80, s10, s18, $0xb8;
	[tilespmem:$0x1EA00] =	vst v63  }
0x65: {  	_ =	swait.ge [sflag:s26], $0x3800  }
0x66: {  	[sflag:s26] =	ssyncset.done $0x0  }
0x67: {  	[sflag:s26] =	ssyncadd.s32 $0xFFFFC800  }
0x68: {  	[spmem:s3] =	stream.indirect.scatter.add.f32 [tilespmem:s21], [sflag:$0x7], $0x80, s11, s18, $0xb8;
	[tilespmem:$0x1EA00] =	vst v63  }
.Ltmp2:
0x69: {  	_ = 	snop;
	(pc) =	sbr.rel @p0 .LBB2_4-.Ltmp2, $4  }
0x6a: {  	_ =	swait.ge [sflag:s29], $0x3800  }
0x6b: {  	[sflag:s29] =	ssyncset.done $0x0  }
0x6c: {  	[sflag:s29] =	ssyncadd.s32 $0xFFFFC800  }
0x6d: {  	[spmem:s3] =	stream.indirect.scatter.add.f32 [tilespmem:s23], [sflag:$0x8], $0x80, s13, s18, $0xb8;
	[tilespmem:$0x1EA00] =	vst v63  }
0x6e: {  	_ =	swait.ge [sflag:s17], $0x300  }
0x6f: {  	[sflag:s17] =	ssyncset.done $0x0  }
0x70: {  	[sflag:s17] =	ssyncadd.s32 $0xFFFFFD00  }
0x71: {  	_ =	swait.ge [sflag:s0], $0x3800  }
0x72: {  	[sflag:s0] =	ssyncset.done $0x0  }
0x73: {  	[sflag:s0] =	ssyncadd.s32 $0xFFFFC800  }
0x74: {  	[tilespmem:s19], [sflag:$0x3] =	stream.indirect.gather [hbm4b:s1+s18], $0x80, s4, s18, $0xb8;
	[tilespmem:$0x1EA00] =	vst v63  }
0x75: {  	_ =	swait.ge [sflag:s2], $0x3800  }
0x76: {  	[sflag:s2] =	ssyncset.done $0x0  }
0x77: {  	s8 =	simm.s32 $0x100;
	[sflag:s2] =	ssyncadd.s32 $0xFFFFC800  }
0x78: {  	[tilespmem:s21], [sflag:$0x4] =	stream.indirect.gather [hbm4b:s1+s18], $0x80, s8, s18, $0xb8;
	[tilespmem:$0x1EA00] =	vst v63  }
0x79: {  	_ =	swait.ge [sflag:s9], $0x3800  }
.Ltmp3:
0x7a: {  	[sflag:s9] =	ssyncset.done $0x0;
	(pc) =	sbr.rel .LBB2_2-.Ltmp3, $4  }
0x7b: {  	[sflag:s9] =	ssyncadd.s32 $0xFFFFC800  }
0x7c: {  	[tilespmem:s23], [sflag:$0x5] =	stream.indirect.gather [hbm4b:s1+s18], $0x80, s22, s18, $0xb8;
	[tilespmem:$0x1EA00] =	vst v63  }
0x7d: {  	s20 =	sadd.s32 s15, s12;
	s15 =	sadd.s32 $0xC0, s15;
	s14 =	sadd.s32 $0x600, s14  }
0x7e: {  	[tilespmem:s16], [sflag:$0x2] =	stream.linear.gather [hbm4b:s20+s4], $0x300, $0x38;
	[tilespmem:$0x1EA00] =	vst v63  }
.LBB2_5:
0x7f: {  	_ =	sfence.sel $0x180000  }
0x80: {  	[bflag:$0x0] =	sbarrier.arrive $0xFFFF  }
0x81: {  	_ =	strace $0x90000047  }
0x82: {  	s0 =	stileid.u32;
	[bflag:$0x2] =	sbarrier.arrive $0xFFFF  }
0x83: {  	p0 =	sne.s32 s0, $0x0;
	s0 =	rddreg [dreg:$0x3]  }
0x84: {  	s0 =	sadd.s32 @!p0 $0x100000, s0  }
0x85: {  	[sflag:s0] =	ssyncadd.tile.s32 @!p0 $0x1;
	_ =	shalt  }
.Lfunc_end2:
_tile_overlayer_lowered:
.L_overlay_start_2:
0x86: {  	(tag) =	ssettag $0x2  }
0x87: {  	s0 =	rddreg [dreg:$0x0];
	s2 =	stileid.u32  }
0x88: {  	s1 =	rddreg [dreg:$0x1];
	p0 =	sne.s32 s2, $0x0  }
0x89: {  	s3 =	rddreg [dreg:$0x2];
	[bflag:$0x3] =	sbarrier.arrive $0xFFFF;
	s2 =	simm.s32 @!p0 $0x1C09  }
0x8a: {  	[timem:s3], [sflag:s2] =	dma.local @!p0 [hbm:s0], s1  }
0x8b: {  	s0 =	simm.s32 @!p0 $0x9  }
0x8c: {  	_ =	swait.ge @!p0 [sflag:s0], s1  }
0x8d: {  	s1 =	ssub.s32 @!p0 $0x0, s1;
	[sflag:s0] =	ssyncset.done @!p0 $0x0  }
0x8e: {  	[sflag:s0] =	ssyncadd.s32 @!p0 s1  }
0x8f: {  	[bflag:$0x3] =	sbarrier.arrive $0xFFFF  }
0x90: {  	_ =	shalt  }

// kernel: kernel.9.cloned.1.call-start
scs
__scs_entry_jumppad:
0x0: {  	(pc) =	sbr.rel $0x88, $3  }
0x1: {  	(tag) =	ssettag $0x0;
	lr =	simm.s32 $0x1  }
0x2: {  	[smem:$0x3F93] =	sst lr;
	_ =	strace $0xD0000000  }
0x3: {  	_ = 	snop  }
0x4: {  	_ = 	snop  }
0x5: {  	_ = 	snop  }
0x6: {  	_ = 	snop  }
0x7: {  	_ = 	snop  }
__scs_overlays_trampoline_lowered:
0x8: {  	[smem:$0x3FA2] =	sst s0  }
0x9: {  	[smem:$0x3FA3] =	sst s1  }
0xa: {  	[smem:$0x3FA4] =	sst s2  }
0xb: {  	[smem:$0x3FA5] =	sst s3  }
0xc: {  	[smem:$0x3FA6] =	sst s4  }
0xd: {  	[smem:$0x3FA7] =	sst s5  }
0xe: {  	[smem:$0x3FA8] =	sst s6  }
0xf: {  	[smem:$0x3FA9] =	sst s7  }
0x10: {  	[smem:$0x3FAA] =	sst s8  }
0x11: {  	[smem:$0x3FAB] =	sst s9;
	s0 =	simm.s32 @!p0 $0x0  }
0x12: {  	s1 =	sld [smem:$0x3F91];
	s0 =	simm.s32 @p0 $0x1  }
0x13: {  	[smem:$0x3FAC] =	sst s0;
	s0 =	simm.s32 @!p1 $0x0  }
0x14: {  	s2 =	sld [smem:$0x3F90];
	s0 =	simm.s32 @p1 $0x1  }
0x15: {  	[smem:$0x3FAD] =	sst s0;
	s0 =	simm.s32 @!p2 $0x0  }
0x16: {  	s3 =	sld [smem:$0x3FDB];
	s0 =	simm.s32 @p2 $0x1  }
0x17: {  	s4 =	simm.s32 $0x1BF5;
	[smem:$0x3FAF] =	sst s0  }
0x18: {  	s0 =	sld [smem:$0x3F92];
	_ =	swait.ge [sflag:s4], $0x0  }
0x19: {  	s7 =	sld [smem:$0x3F93]  }
0x1a: {  	s8 =	sadd.s32 $0xFFFFE003, lr  }
0x1b: {  	s9 =	sadd.s32 $0xFFFFFEF7, lr;
	s5 =	simm.s32 $0xFFFFFFFF;
	p2 =	slt.u32 s8, $0xFFFFF086  }
0x1c: {  	p1 =	slt.u32 s9, $0xF7A;
	s5 =	simm.s32 @!p2 $0x0  }
0x1d: {  	s5 =	simm.s32 @p1 $0x1;
	p0 =	seq.s32 s7, s2  }
0x1e: {  	s7 =	smul.u32 @!p0 $0xF7A, s2;
	p2 =	seq.s32 @!p0 s5, $0x0  }
0x1f: {  	s9 =	smul.u32 $0xF7A, s1;
	s8 =	simm.s32 @!p0 $0x1BF5;
	p2 =	por !p2, p0  }
0x20: {  	[sflag:s8] =	ssyncset.s32 @!p0 $0xFFFFF086;
	s6 =	sadd.s32 @!p0 s3, s7;
	s7 =	simm.s32 @!p0 $0x108  }
0x21: {  	s3 =	sadd.s32 s3, s9;
	s6 =	sadd.s32 @!p0 $0x88, s6;
	s7 =	simm.s32 @p2 $0x1082  }
0x22: {  	[simem:s7], [sflag:s8] =	dma.local @!p0 [hbm:s6], $0xF7A  }
0x23: {  	s9 =	sor.u32 $0xD0000000, s2;
	s6 =	simm.s32 $0x108;
	_ =	swait.ge @!p0 [sflag:s8], $0x0  }
0x24: {  	s3 =	sadd.s32 $0x88, s3;
	s6 =	simm.s32 @!p1 $0x1082;
	[sflag:s4] =	ssyncset.s32 $0xFFFFF086  }
0x25: {  	[simem:s6], [sflag:s4] =	dma.local [hbm:s3], $0xF7A  }
0x26: {  	[smem:$0x3F93] =	sst s1;
	(tag) =	ssettag s2;
	_ =	strace s9  }
0x27: {  	s1 =	sld [smem:$0x3FA3]  }
0x28: {  	s2 =	sld [smem:$0x3FA4]  }
0x29: {  	s4 =	sld [smem:$0x3FA6]  }
0x2a: {  	p0 =	seq.s32 s5, $0x0;
	s5 =	sld [smem:$0x3FA7]  }
0x2b: {  	s6 =	sld [smem:$0x3FA8]  }
0x2c: {  	s7 =	sld [smem:$0x3FA9]  }
0x2d: {  	s3 =	simm.s32 $0x108;
	s8 =	sld [smem:$0x3FAA]  }
0x2e: {  	s3 =	simm.s32 @!p0 $0x1082;
	s9 =	sld [smem:$0x3FAB]  }
0x2f: {  	lr =	sadd.s32 s0, s3;
	s0 =	sld [smem:$0x3FA2]  }
0x30: {  	s3 =	sld [smem:$0x3FA5]  }
0x31: {  	[smem:$0x3FAE] =	sst s10  }
0x32: {  	s10 =	sld [smem:$0x3FAC];
	_ =	sdelay $0x3  }
0x33: {  	p0 =	seq.s32 s10, $0x1;
	s10 =	sld [smem:$0x3FAE];
	_ =	sdelay $0x3  }
0x34: {  	[smem:$0x3FAE] =	sst s10  }
0x35: {  	s10 =	sld [smem:$0x3FAD];
	_ =	sdelay $0x3  }
0x36: {  	p1 =	seq.s32 s10, $0x1;
	s10 =	sld [smem:$0x3FAE];
	_ =	sdelay $0x3  }
0x37: {  	[smem:$0x3FAE] =	sst s10  }
0x38: {  	s10 =	sld [smem:$0x3FAF]  }
0x39: {  	_ = 	snop;
	(pc) =	sbr.ind lr, $3  }
0x3a: {  	_ = 	snop  }
0x3b: {  	_ = 	snop  }
0x3c: {  	p2 =	seq.s32 s10, $0x1;
	s10 =	sld [smem:$0x3FAE]  }
0x3d: {  	_ =	shalt  }
0x3e: {  	_ =	shalt  }
0x3f: {  	_ =	shalt  }
0x40: {  	_ =	shalt  }
0x41: {  	_ =	shalt  }
0x42: {  	_ =	shalt  }
0x43: {  	_ =	shalt  }
0x44: {  	_ =	shalt  }
0x45: {  	_ =	shalt  }
0x46: {  	_ =	shalt  }
0x47: {  	_ =	shalt  }
0x48: {  	_ =	shalt  }
0x49: {  	_ =	shalt  }
0x4a: {  	_ =	shalt  }
0x4b: {  	_ =	shalt  }
0x4c: {  	_ =	shalt  }
0x4d: {  	_ =	shalt  }
0x4e: {  	_ =	shalt  }
0x4f: {  	_ =	shalt  }
0x50: {  	_ =	shalt  }
0x51: {  	_ =	shalt  }
0x52: {  	_ =	shalt  }
0x53: {  	_ =	shalt  }
0x54: {  	_ =	shalt  }
0x55: {  	_ =	shalt  }
0x56: {  	_ =	shalt  }
0x57: {  	_ =	shalt  }
0x58: {  	_ =	shalt  }
0x59: {  	_ =	shalt  }
0x5a: {  	_ =	shalt  }
0x5b: {  	_ =	shalt  }
0x5c: {  	_ =	shalt  }
0x5d: {  	_ =	shalt  }
0x5e: {  	_ =	shalt  }
0x5f: {  	_ =	shalt  }
0x60: {  	_ =	shalt  }
0x61: {  	_ =	shalt  }
0x62: {  	_ =	shalt  }
0x63: {  	_ =	shalt  }
0x64: {  	_ =	shalt  }
0x65: {  	_ =	shalt  }
0x66: {  	_ =	shalt  }
0x67: {  	_ =	shalt  }
0x68: {  	_ =	shalt  }
0x69: {  	_ =	shalt  }
0x6a: {  	_ =	shalt  }
0x6b: {  	_ =	shalt  }
0x6c: {  	_ =	shalt  }
0x6d: {  	_ =	shalt  }
0x6e: {  	_ =	shalt  }
0x6f: {  	_ =	shalt  }
0x70: {  	_ =	shalt  }
0x71: {  	_ =	shalt  }
0x72: {  	_ =	shalt  }
0x73: {  	_ =	shalt  }
0x74: {  	_ =	shalt  }
0x75: {  	_ =	shalt  }
0x76: {  	_ =	shalt  }
0x77: {  	_ =	shalt  }
0x78: {  	_ =	shalt  }
0x79: {  	_ =	shalt  }
0x7a: {  	_ =	shalt  }
0x7b: {  	_ =	shalt  }
0x7c: {  	_ =	shalt  }
0x7d: {  	_ =	shalt  }
0x7e: {  	_ =	shalt  }
0x7f: {  	_ =	shalt  }
0x80: {  	_ =	shalt  }
0x81: {  	_ =	shalt  }
0x82: {  	_ =	shalt  }
0x83: {  	_ =	shalt  }
0x84: {  	_ =	shalt  }
0x85: {  	_ =	shalt  }
0x86: {  	_ =	shalt  }
0x87: {  	_ =	shalt  }
.Lfunc_end0:
.L_simem_size_0:
called_computation.1_lowered:
.L_overlay_start_0:
0x88: {  	s2 =	sld [smem:$0x3FD9]  }
0x89: {  	s3 =	sld [smem:$0x3FFE];
	_ =	sdelay $0x1  }
0x8a: {  	s1 =	srdreg.scid  }
0x8b: {  	s0 =	sand.u32 $0x1, s1  }
0x8c: {  	s16 =	sshll.u32 s0, $0xA;
	s2 =	sadd.s32 s3, s2  }
0x8d: {  	s2 =	sadd.s32 s2, s16  }
0x8e: {  	[smem:$0x3FBA] =	sst s2  }
0x8f: {  	_ = 	snop  }
0x90: {  	(tm) =	ssettm $0x1  }
0x91: {  	s17 =	sld [smem:$0x3FFB];
	_ =	sdelay $0x3  }
0x92: {  	_ =	strace s17  }
0x93: {  	s2 =	sld [smem:$0x3FFC];
	_ =	sdelay $0x3  }
0x94: {  	_ =	strace s2  }
0x95: {  	s2 =	sld [smem:$0x3FFD];
	_ =	sdelay $0x3  }
0x96: {  	_ =	strace s2  }
0x97: {  	_ =	strace $0x8FFFFFFF  }
0x98: {  	s18 =	sld [smem:$0x3FDB];
	_ =	sdelay $0x1  }
0x99: {  	s19 =	simm.s32 $_scs_section_size  }
0x9a: {  	s4 =	simm.s32 $_size__tile_overlayer_lowered;
	s5 =	simm.s32 $_tile_overlayer_lowered  }
0x9b: {  	s22 =	simm.s32 $0x1BFF;
	s21 =	sshll.u32 s5, $0x1;
	s2 =	sadd.s32 s19, s18  }
0x9c: {  	s6 =	simm.s32 $0x0;
	s20 =	sshll.u32 s4, $0x1;
	s4 =	sadd.s32 s21, s2  }
0x9d: {  	[timem:s6], [sflag:s22] =	dma.local [hbm:s4], s20  }
0x9e: {  	_ =	swait.ge [sflag:s22], s20  }
0x9f: {  	s3 =	ssub.s32 $0x0, s20;
	[sflag:s22] =	ssyncset.done $0x0  }
0xa0: {  	[sflag:s22] =	ssyncadd.s32 s3;
	_ =	sdelay $0x1  }
0xa1: {  	s23 =	simm.s32 $0x1B8B  }
0xa2: {  	_ =	swait.ge [sflag:s23], $0x1  }
0xa3: {  	[sflag:s23] =	ssyncset.done $0x0  }
0xa4: {  	s25 =	simm.s32 $0x1B8E;
	s24 =	sld [smem:$0x3FFE];
	[sflag:s23] =	ssyncadd.s32 $0xFFFFFFFF  }
0xa5: {  	s26 =	simm.s32 $execute0_lowered;
	[smem:$0x3FD2] =	sst s25  }
0xa6: {  	s4 =	sshll.u32 s26, $0x1;
	_ =	strace $0x80000049;
	[dreg:$0x1] =	wrdreg $0xFFFFFFFF  }
0xa7: {  	s28 =	simm.s32 $_size_execute0_lowered;
	s2 =	sadd.s32 s2, s4;
	[dreg:$0x0] =	wrdreg $0x0  }
0xa8: {  	s4 =	sshll.u32 s28, $0x1;
	[dreg:$0x2] =	wrdreg s2  }
0xa9: {  	[dreg:$0x3] =	wrdreg s4  }
0xaa: {  	[dreg:$0x4] =	wrdreg $0xC0  }
0xab: {  	_ =	task [dreg:s6], $0x5FFFF  }
0xac: {  	[dreg:$0x1] =	wrdreg $0xFFFFFFFF  }
0xad: {  	[dreg:$0x0] =	wrdreg $0x60  }
0xae: {  	[dreg:$0x2] =	wrdreg s24  }
0xaf: {  	[dreg:$0x3] =	wrdreg $0xAE000  }
0xb0: {  	[dreg:$0x4] =	wrdreg $0x9  }
0xb1: {  	_ =	task.clear_ibuf [dreg:s6], $0x5FFFF;
	_ =	strace $0x90000049  }
0xb2: {  	s29 =	simm.s32 $0x9;
	_ =	strace $0x8000004B  }
0xb3: {  	_ =	swait.ge [sflag:s29], $0x1  }
0xb4: {  	[sflag:s29] =	ssyncadd.s32 $0xFFFFFFFF  }
0xb5: {  	_ =	strace $0x9000004B  }
0xb6: {  	_ =	sfence  }
0xb7: {  	s30 =	sld [smem:$0x0];
	_ =	sdelay $0x2  }
0xb8: {  	s31 =	sshll.u32 s1, $0xD;
	s1 =	sshrl.u32 s1, $0x2  }
0xb9: {  	s3 =	sand.u32 $0x4000, s31;
	s1 =	sadd.s32 s1, s30  }
0xba: {  	s0 =	sor.u32 s3, s0;
	s1 =	sshll.u32 s1, $0x11  }
0xbb: {  	s0 =	sor.u32 s1, s0  }
0xbc: {  	s0 =	sadd.s32 $0x8F2B, s0  }
0xbd: {  	[sflag:s0] =	ssyncadd.remote.s32 $0x1  }
0xbe: {  	_ =	sfence.sel $0xFFFF  }
0xbf: {  	[dreg:$0x0] =	wrdreg $0xFFFFFFFF;
	(pc) =	sbr.abs _section_cstart, $3  }
0xc0: {  	[dreg:$0x1] =	wrdreg $0xFFFFFFFF  }
0xc1: {  	_ =	task.clear_ibuf [dreg:s6], $0x2FFFF;
	_ =	strace $0x9FFFFFFF  }
0xc2: {  	(tm) =	ssettm $0x7FFFFFFF  }
0xc3: {  	_ =	shalt  }
tec
execute0_lowered:
.L_overlay_start_1:
0x0: {  	(tag) =	ssettag $0x1  }
0x1: {  	s0 =	rddreg [dreg:$0x0]  }
0x2: {  	s1 =	rddreg [dreg:$0x1];
	s3 =	simm.s32 $0x0;
	s13 =	stileid.u32  }
0x3: {  	s2 =	srdreg.scid;
	s16 =	simm.s32 $0x300;
	s28 =	simm.s32 $0x180  }
0x4: {  	s29 =	simm.s32 $0x5;
	s30 =	simm.s32 $0x280;
	s31 =	simm.s32 $0x2  }
0x5: {  	[smem:$0x7FF] =	sst s3;
	s4 =	sadd.s32 $0x40E00, s0;
	s6 =	smul.u32 $0x13C00, s13  }
0x6: {  	s2 =	sand.u32 $0x1, s2;
	s5 =	sadd.s32 $0x2E00, s0;
	s10 =	smul.u32 $0x4F000, s13  }
0x7: {  	s8 =	sshll.u32 s13, $0x1;
	s11 =	smul.u32 $0xB400, s13;
	s21 =	sshll.u32 s13, $0x6  }
0x8: {  	s13 =	simm.s32 $0x580;
	_ =	strace $0x8000004A;
	s7 =	smul.u32 $0x13C000, s2  }
0x9: {  	s8 =	sor.u32 s2, s8;
	s18 =	ssub.s32 $0x2, s2;
	s2 =	smul.u32 $0x5A00, s2  }
0xa: {  	s14 =	sor.u32 $0x1C09, s21;
	s21 =	simm.s32 $0x3E00;
	s9 =	sshrl.u32 s6, $0x3  }
0xb: {  	s17 =	smul.u32 $0x5A00, s8;
	s12 =	sshrl.u32 s18, $0x1;
	s10 =	sshrl.u32 s10, $0x2  }
0xc: {  	s8 =	simm.s32 $0x0;
	[dreg:$0x5] =	wrdreg s14;
	s9 =	sadd.s32 s9, s0  }
0xd: {  	s6 =	sadd.s32 s6, s7;
	s19 =	ssub.s32 s18, s12;
	s20 =	sadd.s32 s10, s1  }
0xe: {  	s2 =	sadd.s32 s2, s11;
	s18 =	simm.s32 $0x70;
	s10 =	simm.s32 $0x380  }
0xf: {  	s11 =	simm.s32 $0x480;
	[dreg:$0xb] =	wrdreg s8;
	s6 =	sshrl.u32 s6, $0x3  }
0x10: {  	s9 =	sadd.s32 $0x19600, s9;
	s7 =	sshrl.u32 s17, $0x3;
	s23 =	sadd.s32 $0x900, s2  }
0x11: {  	s25 =	smax.u32 s19, $0x1;
	s26 =	sadd.s32 $0x600, s2;
	s15 =	sshrl.u32 s20, $0x3  }
0x12: {  	s20 =	simm.s32 $0x9;
	s17 =	simm.s32 $0x1;
	s19 =	simm.s32 $0x600  }
0x13: {  	s2 =	simm.s32 $0x7;
	s0 =	sadd.s32 s6, s0;
	[dreg:$0x3] =	wrdreg s9  }
0x14: {  	s22 =	sadd.s32 s5, s7;
	s7 =	sshrl.u32 s23, $0x3;
	[dreg:$0x8] =	wrdreg s25  }
0x15: {  	[dreg:$0x9] =	wrdreg s26;
	s23 =	simm.s32 $0x7600;
	s25 =	simm.s32 $0x80  }
.Ltmp0:
0x16: {  	s26 =	simm.s32 $0x4;
	[dreg:$0xa] =	wrdreg s15;
	(pc) =	sbr.rel .LBB2_1-.Ltmp0, $4  }
0x17: {  	s6 =	simm.s32 $0x400;
	s9 =	simm.s32 $0x8;
	[dreg:$0x4] =	wrdreg s22  }
0x18: {  	s24 =	sadd.s32 $0x60, s22;
	s0 =	sadd.s32 $0x68000, s0;
	s12 =	sadd.s32 s7, s5  }
0x19: {  	s22 =	simm.s32 $0x200;
	s7 =	simm.s32 $0x500;
	[dreg:$0x6] =	wrdreg s24  }
0x1a: {  	[dreg:$0x7] =	wrdreg s0;
	s24 =	simm.s32 $0x3;
	s0 =	simm.s32 $0x6  }
.LBB2_4:
0x1b: {  	_ =	swait.ge [sflag:s0], $0x3800  }
0x1c: {  	[sflag:s0] =	ssyncset.done $0x0  }
0x1d: {  	[sflag:s0] =	ssyncadd.s32 $0xFFFFC800  }
0x1e: {  	_ =	swait.ge [sflag:s2], $0x3800  }
0x1f: {  	[sflag:s2] =	ssyncset.done $0x0  }
0x20: {  	[sflag:s2] =	ssyncadd.s32 $0xFFFFC800  }
0x21: {  	_ =	swait.ge [sflag:s9], $0x3800  }
0x22: {  	[sflag:s9] =	ssyncset.done $0x0  }
0x23: {  	[sflag:s9] =	ssyncadd.s32 $0xFFFFC800  }
0x24: {  	[bflag:$0x0] =	sbarrier.arrive $0xFFFF  }
0x25: {  	s14 =	rddreg [dreg:$0x5]  }
0x26: {  	s8 =	rddreg [dreg:$0x7]  }
0x27: {  	s20 =	simm.s32 $0x9;
	s15 =	rddreg [dreg:$0xa]  }
0x28: {  	[hbm:s8], [sflag:s14] =	dma.local [spmem:s15], $0x2780  }
0x29: {  	_ =	swait.ge [sflag:s20], $0x2780  }
0x2a: {  	s8 =	rddreg [dreg:$0xb]  }
0x2b: {  	s14 =	sadd.s32 $0x1, s8;
	s8 =	rddreg [dreg:$0x8]  }
0x2c: {  	p0 =	sne.s32 s14, s8  }
.Ltmp1:
0x2d: {  	_ = 	snop;
	(pc) =	sbr.rel @!p0 .LBB2_5-.Ltmp1, $3  }
0x2e: {  	_ =	sdelay $0x1  }
0x2f: {  	[sflag:s20] =	ssyncset.done $0x0;
	[dreg:$0xb] =	wrdreg s14  }
0x30: {  	[sflag:s20] =	ssyncadd.s32 $0xFFFFD880;
	s14 =	rddreg [dreg:$0x5]  }
.LBB2_1:
0x31: {  	s8 =	rddreg [dreg:$0x3]  }
0x32: {  	[spmem:s15], [sflag:s14] =	dma.local [hbm:s8], $0x2780  }
0x33: {  	_ =	swait.ge [sflag:s20], $0x2780  }
0x34: {  	[sflag:s20] =	ssyncset.done $0x0  }
0x35: {  	[sflag:s20] =	ssyncadd.s32 $0xFFFFD880  }
0x36: {  	[bflag:$0x0] =	sbarrier.arrive $0xFFFF  }
0x37: {  	s14 =	rddreg [dreg:$0x4]  }
0x38: {  	[tilespmem:s3], [sflag:$0x1] =	stream.linear.gather [hbm4b:s14+s3], $0x300, $0x38;
	[tilespmem:$0x1EA00] =	vst v63  }
0x39: {  	s15 =	rddreg [dreg:$0x6]  }
0x3a: {  	[tilespmem:s16], [sflag:$0x2] =	stream.linear.gather [hbm4b:s15+s3], $0x300, $0x38;
	[tilespmem:$0x1EA00] =	vst v63  }
0x3b: {  	_ =	swait.ge [sflag:s17], $0x300  }
0x3c: {  	[sflag:s17] =	ssyncset.done $0x0  }
0x3d: {  	[sflag:s17] =	ssyncadd.s32 $0xFFFFFD00  }
0x3e: {  	[tilespmem:s19], [sflag:$0x3] =	stream.indirect.gather [hbm4b:s4+s18], $0x80, s3, s18, $0xb8;
	[tilespmem:$0x1EA00] =	vst v63  }
0x3f: {  	s20 =	simm.s32 $0x100  }
0x40: {  	[tilespmem:s21], [sflag:$0x4] =	stream.indirect.gather [hbm4b:s4+s18], $0x80, s20, s18, $0xb8;
	[tilespmem:$0x1EA00] =	vst v63  }
0x41: {  	s15 =	simm.s32 $0x0;
	s14 =	rddreg [dreg:$0x9]  }
0x42: {  	[tilespmem:s23], [sflag:$0x5] =	stream.indirect.gather [hbm4b:s4+s18], $0x80, s22, s18, $0xb8;
	[tilespmem:$0x1EA00] =	vst v63  }
.LBB2_2:
0x43: {  	_ =	swait.ge [sflag:s24], $0x3800  }
0x44: {  	[sflag:s24] =	ssyncset.done $0x0  }
0x45: {  	[sflag:s24] =	ssyncadd.s32 $0xFFFFC800  }
0x46: {  	[spmem:s1] =	stream.indirect.scatter.add.f32 [tilespmem:s19], [sflag:$0x6], $0x80, s25, s18, $0xb8;
	[tilespmem:$0x1EA00] =	vst v63  }
0x47: {  	_ =	swait.ge [sflag:s26], $0x3800  }
0x48: {  	[sflag:s26] =	ssyncset.done $0x0  }
0x49: {  	[sflag:s26] =	ssyncadd.s32 $0xFFFFC800  }
0x4a: {  	[spmem:s1] =	stream.indirect.scatter.add.f32 [tilespmem:s21], [sflag:$0x7], $0x80, s28, s18, $0xb8;
	[tilespmem:$0x1EA00] =	vst v63  }
0x4b: {  	_ =	swait.ge [sflag:s29], $0x3800  }
0x4c: {  	[sflag:s29] =	ssyncset.done $0x0  }
0x4d: {  	[sflag:s29] =	ssyncadd.s32 $0xFFFFC800  }
0x4e: {  	[spmem:s1] =	stream.indirect.scatter.add.f32 [tilespmem:s23], [sflag:$0x8], $0x80, s30, s18, $0xb8;
	[tilespmem:$0x1EA00] =	vst v63  }
0x4f: {  	_ =	swait.ge [sflag:s31], $0x300  }
0x50: {  	[sflag:s31] =	ssyncset.done $0x0  }
0x51: {  	[sflag:s31] =	ssyncadd.s32 $0xFFFFFD00  }
0x52: {  	_ =	swait.ge [sflag:s0], $0x3800  }
0x53: {  	[sflag:s0] =	ssyncset.done $0x0  }
0x54: {  	[sflag:s0] =	ssyncadd.s32 $0xFFFFC800  }
0x55: {  	[tilespmem:s19], [sflag:$0x3] =	stream.indirect.gather [hbm4b:s4+s18], $0x80, s16, s18, $0xb8;
	[tilespmem:$0x1EA00] =	vst v63  }
0x56: {  	_ =	swait.ge [sflag:s2], $0x3800  }
0x57: {  	[sflag:s2] =	ssyncset.done $0x0  }
0x58: {  	[sflag:s2] =	ssyncadd.s32 $0xFFFFC800  }
0x59: {  	[tilespmem:s21], [sflag:$0x4] =	stream.indirect.gather [hbm4b:s4+s18], $0x80, s6, s18, $0xb8;
	[tilespmem:$0x1EA00] =	vst v63  }
0x5a: {  	_ =	swait.ge [sflag:s9], $0x3800  }
0x5b: {  	p0 =	seq.s32 s15, $0xA80;
	[sflag:s9] =	ssyncset.done $0x0  }
0x5c: {  	s8 =	sshrl.u32 @!p0 s14, $0x3;
	[sflag:s9] =	ssyncadd.s32 $0xFFFFC800  }
0x5d: {  	[tilespmem:s23], [sflag:$0x5] =	stream.indirect.gather [hbm4b:s4+s18], $0x80, s7, s18, $0xb8;
	[tilespmem:$0x1EA00] =	vst v63  }
0x5e: {  	s20 =	simm.s32 @!p0 $0x0;
	s8 =	sadd.s32 @!p0 s5, s8  }
0x5f: {  	[tilespmem:s20], [sflag:$0x1] =	stream.linear.gather @!p0 [hbm4b:s8+s20], $0x300, $0x38;
	[tilespmem:$0x1EA00] =	vst v63  }
0x60: {  	_ =	swait.ge [sflag:s24], $0x3800  }
0x61: {  	[sflag:s24] =	ssyncset.done $0x0  }
0x62: {  	[sflag:s24] =	ssyncadd.s32 $0xFFFFC800  }
0x63: {  	[spmem:s1] =	stream.indirect.scatter.add.f32 [tilespmem:s19], [sflag:$0x6], $0x80, s10, s18, $0xb8;
	[tilespmem:$0x1EA00] =	vst v63  }
0x64: {  	_ =	swait.ge [sflag:s26], $0x3800  }
0x65: {  	[sflag:s26] =	ssyncset.done $0x0  }
0x66: {  	[sflag:s26] =	ssyncadd.s32 $0xFFFFC800  }
0x67: {  	[spmem:s1] =	stream.indirect.scatter.add.f32 [tilespmem:s21], [sflag:$0x7], $0x80, s11, s18, $0xb8;
	[tilespmem:$0x1EA00] =	vst v63  }
.Ltmp2:
0x68: {  	_ = 	snop;
	(pc) =	sbr.rel @p0 .LBB2_4-.Ltmp2, $4  }
0x69: {  	_ =	swait.ge [sflag:s29], $0x3800  }
0x6a: {  	[sflag:s29] =	ssyncset.done $0x0  }
0x6b: {  	[sflag:s29] =	ssyncadd.s32 $0xFFFFC800  }
0x6c: {  	[spmem:s1] =	stream.indirect.scatter.add.f32 [tilespmem:s23], [sflag:$0x8], $0x80, s13, s18, $0xb8;
	[tilespmem:$0x1EA00] =	vst v63  }
0x6d: {  	_ =	swait.ge [sflag:s17], $0x300  }
0x6e: {  	[sflag:s17] =	ssyncset.done $0x0  }
0x6f: {  	[sflag:s17] =	ssyncadd.s32 $0xFFFFFD00  }
0x70: {  	_ =	swait.ge [sflag:s0], $0x3800  }
0x71: {  	[sflag:s0] =	ssyncset.done $0x0  }
0x72: {  	[sflag:s0] =	ssyncadd.s32 $0xFFFFC800  }
0x73: {  	[tilespmem:s19], [sflag:$0x3] =	stream.indirect.gather [hbm4b:s4+s18], $0x80, s3, s18, $0xb8;
	[tilespmem:$0x1EA00] =	vst v63  }
0x74: {  	_ =	swait.ge [sflag:s2], $0x3800  }
0x75: {  	[sflag:s2] =	ssyncset.done $0x0  }
0x76: {  	s8 =	simm.s32 $0x100;
	[sflag:s2] =	ssyncadd.s32 $0xFFFFC800  }
0x77: {  	[tilespmem:s21], [sflag:$0x4] =	stream.indirect.gather [hbm4b:s4+s18], $0x80, s8, s18, $0xb8;
	[tilespmem:$0x1EA00] =	vst v63  }
0x78: {  	_ =	swait.ge [sflag:s9], $0x3800  }
.Ltmp3:
0x79: {  	[sflag:s9] =	ssyncset.done $0x0;
	(pc) =	sbr.rel .LBB2_2-.Ltmp3, $4  }
0x7a: {  	[sflag:s9] =	ssyncadd.s32 $0xFFFFC800  }
0x7b: {  	[tilespmem:s23], [sflag:$0x5] =	stream.indirect.gather [hbm4b:s4+s18], $0x80, s22, s18, $0xb8;
	[tilespmem:$0x1EA00] =	vst v63  }
0x7c: {  	s20 =	sadd.s32 s15, s12;
	s15 =	sadd.s32 $0xC0, s15;
	s14 =	sadd.s32 $0x600, s14  }
0x7d: {  	[tilespmem:s16], [sflag:$0x2] =	stream.linear.gather [hbm4b:s20+s3], $0x300, $0x38;
	[tilespmem:$0x1EA00] =	vst v63  }
.LBB2_5:
0x7e: {  	_ =	sfence.sel $0x180000  }
0x7f: {  	[bflag:$0x0] =	sbarrier.arrive $0xFFFF  }
0x80: {  	_ =	strace $0x9000004A  }
0x81: {  	s0 =	stileid.u32;
	[bflag:$0x2] =	sbarrier.arrive $0xFFFF  }
0x82: {  	p0 =	sne.s32 s0, $0x0;
	s0 =	rddreg [dreg:$0x2]  }
0x83: {  	s0 =	sadd.s32 @!p0 $0x100000, s0  }
0x84: {  	[sflag:s0] =	ssyncadd.tile.s32 @!p0 $0x1;
	_ =	shalt  }
.Lfunc_end2:
_tile_overlayer_lowered:
.L_overlay_start_2:
0x85: {  	(tag) =	ssettag $0x2  }
0x86: {  	s0 =	rddreg [dreg:$0x0];
	s2 =	stileid.u32  }
0x87: {  	s1 =	rddreg [dreg:$0x1];
	p0 =	sne.s32 s2, $0x0  }
0x88: {  	s3 =	rddreg [dreg:$0x2];
	[bflag:$0x3] =	sbarrier.arrive $0xFFFF;
	s2 =	simm.s32 @!p0 $0x1C09  }
0x89: {  	[timem:s3], [sflag:s2] =	dma.local @!p0 [hbm:s0], s1  }
0x8a: {  	s0 =	simm.s32 @!p0 $0x9  }
0x8b: {  	_ =	swait.ge @!p0 [sflag:s0], s1  }
0x8c: {  	s1 =	ssub.s32 @!p0 $0x0, s1;
	[sflag:s0] =	ssyncset.done @!p0 $0x0  }
0x8d: {  	[sflag:s0] =	ssyncadd.s32 @!p0 s1  }
0x8e: {  	[bflag:$0x3] =	sbarrier.arrive $0xFFFF  }
0x8f: {  	_ =	shalt  }

</sc_bundles>
